<compile_context>
chip_gen: v7x
topology: tpu7x:2x2x1
jax: 0.10.2.dev20260603
libtpu: 0.0.44.dev20260713+nightly
codegen_flags: <defaults>
</compile_context>

<pallas_src>
import functools

import jax
import jax.numpy as jnp
from jax import lax
from jax.experimental import pallas as pl
from jax.experimental.pallas import tpu as pltpu
from jax.experimental.pallas import tpu_sc as plsc

NC = 2
NS = 16
LANES = 16
NW = NC * NS

_MESH = plsc.VectorSubcoreMesh(core_axis_name="c", subcore_axis_name="s")
_SC_PARAMS = pltpu.CompilerParams(needs_layout_passes=False)


def _make_deg_kernel(NP, EPT):
    @functools.partial(
        pl.kernel,
        mesh=_MESH,
        compiler_params=_SC_PARAMS,
        out_type=jax.ShapeDtypeStruct((NW, NP), jnp.float32),
        scratch_types=[
            pltpu.VMEM((EPT,), jnp.int32),
            pltpu.VMEM((NP,), jnp.float32),
        ],
    )
    def deg_kernel(col_hbm, z1_hbm, degp_hbm, col_v, hist_v):
        c = lax.axis_index("c")
        s = lax.axis_index("s")
        wid = c * NS + s
        pltpu.sync_copy(z1_hbm, hist_v)
        pltpu.sync_copy(col_hbm.at[pl.ds(wid * EPT, EPT)], col_v)
        ones16 = jnp.full((LANES,), 1.0, jnp.float32)

        def body(i, carry):
            idx = col_v[pl.ds(i * LANES, LANES)]
            plsc.addupdate_scatter(hist_v, [idx], ones16)
            return carry

        lax.fori_loop(0, EPT // LANES, body, 0)
        pltpu.sync_copy(hist_v, degp_hbm.at[wid])

    return deg_kernel


def _make_hop_kernel(NP, D, HC):
    RPT = NP // NS

    @functools.partial(
        pl.kernel,
        mesh=_MESH,
        compiler_params=_SC_PARAMS,
        out_type=jax.ShapeDtypeStruct((NC, NP, D), jnp.float32),
        scratch_types=[
            pltpu.VMEM((HC, 128), jnp.int32),
            pltpu.VMEM((HC, 128), jnp.int32),
            pltpu.VMEM((2, 128, D), jnp.float32),
            pltpu.VMEM_SHARED((NP, D), jnp.float32),
            pltpu.SemaphoreType.DMA((2,)),
        ],
    )
    def hop_kernel(g_hbm, row_hbm, col_hbm, z2_hbm, p_hbm,
                   rowi_v, coli_v, rows_v, s_sh, sems):
        c = lax.axis_index("c")
        s = lax.axis_index("s")
        wid = c * NS + s
        pltpu.sync_copy(z2_hbm, rows_v.at[0, pl.ds(0, 64)])
        for r in range(RPT // 64):
            pltpu.sync_copy(rows_v.at[0, pl.ds(0, 64)],
                            s_sh.at[pl.ds(s * RPT + r * 64, 64)])
        plsc.subcore_barrier()

        SPLIT = 2
        SW = 128 // SPLIT

        def start_gather(j, buf):
            for q in range(SPLIT):
                pltpu.async_copy(
                    g_hbm.at[rowi_v.at[j, pl.ds(q * SW, SW)]],
                    rows_v.at[buf, pl.ds(q * SW, SW)],
                    sems.at[buf],
                )

        def wait_gather(j, buf):
            pltpu.make_async_copy(
                g_hbm.at[rowi_v.at[j]], rows_v.at[buf], sems.at[buf]
            ).wait()

        def scatter(j, buf):
            pltpu.sync_copy(rows_v.at[buf], s_sh.at[coli_v.at[j]],
                            add=True)

        for h in range(2):
            pltpu.sync_copy(row_hbm.at[wid, h], rowi_v)
            pltpu.sync_copy(col_hbm.at[wid, h], coli_v)
            start_gather(0, 0)

            def body(k, carry):
                j = 2 * k
                start_gather(j + 1, 1)
                wait_gather(j, 0)
                scatter(j, 0)
                start_gather(jnp.minimum(j + 2, HC - 1), 0)
                wait_gather(j + 1, 1)
                scatter(j + 1, 1)
                return carry

            lax.fori_loop(0, HC // 2, body, 0)
            wait_gather(HC - 1, 0)
        plsc.subcore_barrier()
        pltpu.sync_copy(s_sh.at[pl.ds(s * RPT, RPT)],
                        p_hbm.at[c, pl.ds(s * RPT, RPT)])

    return hop_kernel


def _prep_body(degp_ref, x_ref, g0_ref, d_ref):
    deg = jnp.sum(degp_ref[...], axis=0) + 1.0
    d = lax.rsqrt(deg)
    d_ref[...] = d
    g0_ref[...] = d[:, None] * x_ref[...]


def _combine_body(p0_ref, p1_ref, g_ref, d_ref, out_ref):
    d = d_ref[...]
    out_ref[...] = (d * d)[:, None] * (
        p0_ref[0] + p1_ref[0] + g_ref[...]
    )


def _final_body(p0_ref, p1_ref, g_ref, d_ref, w_ref, b_ref, out_ref):
    t = d_ref[...][:, None] * (p0_ref[0] + p1_ref[0] + g_ref[...])
    out_ref[...] = (
        jnp.dot(t, w_ref[...], preferred_element_type=jnp.float32)
        + b_ref[...]
    )


def kernel(V, E, X, W, b):
    N, D = X.shape
    DO = W.shape[1]
    E0 = E.shape[1]

    NP = ((N + 1023) // 1024) * 1024
    EPT = ((E0 + NW * 512 - 1) // (NW * 512)) * 512
    EP = EPT * NW
    HC = EPT // 256

    pad_e = EP - E0
    pad_idx = jnp.arange(pad_e, dtype=jnp.int32)
    rowp = jnp.concatenate([E[0], pad_idx % N])
    colp = jnp.concatenate([E[1], N + pad_idx % (NP - N)])
    row4 = rowp.reshape(NW, 2, HC, 128)
    col4 = colp.reshape(NW, 2, HC, 128)
    Xp = jnp.pad(X, ((0, NP - N), (0, 0)))
    z1 = jnp.zeros((NP,), jnp.float32)
    z2 = jnp.zeros((64, D), jnp.float32)

    if E0 % (NW * LANES) == 0:
        deg_src, DEPT = E[1], E0 // NW
    else:
        deg_src, DEPT = colp, EPT

    deg_kernel = _make_deg_kernel(NP, DEPT)
    hop_kernel = _make_hop_kernel(NP, D, HC)

    degp = deg_kernel(deg_src, z1)

    BR = 1024
    grid = (NP // BR,)
    g0, dvec = pl.pallas_call(
        _prep_body,
        grid=grid,
        in_specs=[
            pl.BlockSpec((NW, BR), lambda i: (0, i)),
            pl.BlockSpec((BR, D), lambda i: (i, 0)),
        ],
        out_specs=[
            pl.BlockSpec((BR, D), lambda i: (i, 0)),
            pl.BlockSpec((BR,), lambda i: (i,)),
        ],
        out_shape=[
            jax.ShapeDtypeStruct((NP, D), jnp.float32),
            jax.ShapeDtypeStruct((NP,), jnp.float32),
        ],
    )(degp, Xp)

    p = hop_kernel(g0, row4, col4, z2)

    g1 = pl.pallas_call(
        _combine_body,
        grid=grid,
        in_specs=[
            pl.BlockSpec((1, BR, D), lambda i: (0, i, 0)),
            pl.BlockSpec((1, BR, D), lambda i: (1, i, 0)),
            pl.BlockSpec((BR, D), lambda i: (i, 0)),
            pl.BlockSpec((BR,), lambda i: (i,)),
        ],
        out_specs=pl.BlockSpec((BR, D), lambda i: (i, 0)),
        out_shape=jax.ShapeDtypeStruct((NP, D), jnp.float32),
    )(p, p, g0, dvec)

    p2 = hop_kernel(g1, row4, col4, z2)

    out = pl.pallas_call(
        _final_body,
        grid=grid,
        in_specs=[
            pl.BlockSpec((1, BR, D), lambda i: (0, i, 0)),
            pl.BlockSpec((1, BR, D), lambda i: (1, i, 0)),
            pl.BlockSpec((BR, D), lambda i: (i, 0)),
            pl.BlockSpec((BR,), lambda i: (i,)),
            pl.BlockSpec((D, DO), lambda i: (0, 0)),
            pl.BlockSpec((1, DO), lambda i: (0, 0)),
        ],
        out_specs=pl.BlockSpec((BR, DO), lambda i: (i, 0)),
        out_shape=jax.ShapeDtypeStruct((N, DO), jnp.float32),
    )(p2, p2, g1, dvec, W, b.reshape(1, DO))

    return out

# --- scband reference (transcript-rebuilt; emitter-appended) ---
"""Pipeline reference for scband-py-g-sgc-47648367182049 (READ-ONLY COPY).

The authoritative reference and input builder live on the scoring server;
editing this copy changes nothing except your own understanding.
"""

import jax, jax.numpy as jnp
import numpy as np

N_NODES = 10000
N_EDGES = 320000
D_IN = 128
D_OUT = 128
K_HOPS = 2


def setup_inputs(seed: int = 0) -> dict:
    key = jax.random.key(seed)
    k1, k2, k3, k4 = jax.random.split(key, 4)
    X = jax.random.normal(k1, (N_NODES, D_IN), dtype=jnp.float32)
    E = jax.random.randint(k2, (2, N_EDGES), 0, N_NODES, dtype=jnp.int32)
    # learned params of SGConv's internal Linear(input_dim, output_dim)
    W = jax.random.normal(k3, (D_IN, D_OUT), dtype=jnp.float32) * (1.0 / np.sqrt(D_IN))
    b = jnp.zeros((D_OUT,), dtype=jnp.float32)
    return {"V": N_NODES, "E": E, "X": X, "W": W, "b": b}


def reference(V, E, X, W, b):
    # SGConv: x <- (D^-1/2 (A + I) D^-1/2)^K x, then Linear
    N = X.shape[0]
    loop = jnp.arange(N, dtype=E.dtype)
    ei = jnp.concatenate([E, jnp.stack([loop, loop], axis=0)], axis=1)
    row = ei[0]
    col = ei[1]
    ew = jnp.ones((ei.shape[1],), dtype=X.dtype)
    deg = jnp.zeros((N,), dtype=X.dtype).at[col].add(ew)
    deg_inv_sqrt = jnp.where(deg > 0, 1.0 / jnp.sqrt(deg), 0.0)
    norm = deg_inv_sqrt[row] * ew * deg_inv_sqrt[col]
    h = X
    for _ in range(K_HOPS):
        msg = norm[:, None] * jnp.take(h, row, axis=0)
        h = jnp.zeros_like(h).at[col].add(msg)
    return h @ W + b

if __name__ == "__main__":
    import jax
    _d = setup_inputs()
    print(jax.jit(kernel)(*tuple(_d.values())))

</pallas_src>

<mosaic_0001>
#map = affine_map<(d0, d1) -> (0, 0)>
#map1 = affine_map<(d0, d1) -> (0, 0, 0, 0)>
#map2 = affine_map<(d0, d1) -> (0, 0, 0)>
module attributes {stable_mosaic.version = 14 : i64} {
  func.func @hop_kernel(%arg0: i32, %arg1: i32, %arg2: memref<10240x128xf32, #tpu.memory_space<hbm>>, %arg3: memref<32x2x40x128xi32, #tpu.memory_space<hbm>>, %arg4: memref<32x2x40x128xi32, #tpu.memory_space<hbm>>, %arg5: memref<64x128xf32, #tpu.memory_space<hbm>>, %arg6: memref<2x10240x128xf32, #tpu.memory_space<hbm>>, %arg7: memref<40x128xi32, #tpu.memory_space<vmem>>, %arg8: memref<40x128xi32, #tpu.memory_space<vmem>>, %arg9: memref<2x128x128xf32, #tpu.memory_space<vmem>>, %arg10: memref<10240x128xf32, #tpu.memory_space<vmem_shared>>, %arg11: memref<2x!tpu.dma_semaphore, #tpu.memory_space<semaphore_mem>>) attributes {dimension_semantics = [#tpu.dimension_semantics<core_parallel>, #tpu.dimension_semantics<subcore_parallel>], iteration_bounds = array<i64: 2, 16>, scalar_prefetch = 0 : i64, scratch_operands = 5 : i64, tpu.core_type = #tpu.core_type<sc_vector_subcore>, window_params = [{transform_indices = #map}, {transform_indices = #map1}, {transform_indices = #map1}, {transform_indices = #map}, {transform_indices = #map2}]} {
    %mul3A = arith.constant 16 : i32
    %mul3A_0 = arith.muli %arg0, %mul3A : i32
    %add3A = arith.addi %mul3A_0, %arg1 : i32
    %run_scoped3A = arith.constant 0 : i32
    "tpu.region"() ({
      %run_scoped3A_159 = tpu.sem_alloc : memref<!tpu.dma_semaphore, #tpu.memory_space<semaphore_mem>>
      %dma_start3A_160 = arith.constant 0 : i32
      %dma_start3A_161 = arith.constant 0 : i32
      %dma_start3A_162 = tpu.memref_slice %arg9[%run_scoped3A, %dma_start3A_160, %dma_start3A_161] : memref<2x128x128xf32, #tpu.memory_space<vmem>> -> memref<1x64x128xf32, #tpu.memory_space<vmem>>
      %dma_start3A_163 = tpu.memref_squeeze %dma_start3A_162 : memref<1x64x128xf32, #tpu.memory_space<vmem>> -> memref<64x128xf32, #tpu.memory_space<vmem>>
      %dma_start3A_164 = arith.constant 0 : i32
      %dma_start3A_165 = arith.constant 0 : i32
      %dma_start3A_166 = tpu.memref_slice %arg9[%run_scoped3A, %dma_start3A_164, %dma_start3A_165] : memref<2x128x128xf32, #tpu.memory_space<vmem>> -> memref<1x64x128xf32, #tpu.memory_space<vmem>>
      %dma_start3A_167 = tpu.memref_squeeze %dma_start3A_166 : memref<1x64x128xf32, #tpu.memory_space<vmem>> -> memref<64x128xf32, #tpu.memory_space<vmem>>
      tpu.enqueue_dma source(%arg5 : memref<64x128xf32, #tpu.memory_space<hbm>>) target(%dma_start3A_167 : memref<64x128xf32, #tpu.memory_space<vmem>>) target_semaphore(%run_scoped3A_159 : memref<!tpu.dma_semaphore, #tpu.memory_space<semaphore_mem>>)
      %dma_wait3A_168 = arith.constant 0 : i32
      %dma_wait3A_169 = arith.constant 0 : i32
      %dma_wait3A_170 = tpu.memref_slice %arg9[%run_scoped3A, %dma_wait3A_168, %dma_wait3A_169] : memref<2x128x128xf32, #tpu.memory_space<vmem>> -> memref<1x64x128xf32, #tpu.memory_space<vmem>>
      %dma_wait3A_171 = tpu.memref_squeeze %dma_wait3A_170 : memref<1x64x128xf32, #tpu.memory_space<vmem>> -> memref<64x128xf32, #tpu.memory_space<vmem>>
      %dma_wait3A_172 = arith.constant 0 : i32
      %dma_wait3A_173 = arith.constant 0 : i32
      %dma_wait3A_174 = tpu.memref_slice %arg9[%run_scoped3A, %dma_wait3A_172, %dma_wait3A_173] : memref<2x128x128xf32, #tpu.memory_space<vmem>> -> memref<1x64x128xf32, #tpu.memory_space<vmem>>
      %dma_wait3A_175 = tpu.memref_squeeze %dma_wait3A_174 : memref<1x64x128xf32, #tpu.memory_space<vmem>> -> memref<64x128xf32, #tpu.memory_space<vmem>>
      tpu.wait_dma2 semaphore(%run_scoped3A_159 : memref<!tpu.dma_semaphore, #tpu.memory_space<semaphore_mem>>) src(%arg5 : memref<64x128xf32, #tpu.memory_space<hbm>>) dst(%dma_wait3A_175 : memref<64x128xf32, #tpu.memory_space<vmem>>)
      tpu.yield
    }) : () -> ()
    %mul3A_1 = arith.constant 640 : i32
    %mul3A_2 = arith.muli %arg1, %mul3A_1 : i32
    %add3A_3 = arith.constant 0 : i32
    %add3A_4 = arith.addi %mul3A_2, %add3A_3 : i32
    %run_scoped3A_5 = arith.constant 0 : i32
    "tpu.region"() ({
      %run_scoped3A_159 = tpu.sem_alloc : memref<!tpu.dma_semaphore, #tpu.memory_space<semaphore_mem>>
      %dma_start3A_160 = arith.constant 0 : i32
      %dma_start3A_161 = arith.constant 0 : i32
      %dma_start3A_162 = tpu.memref_slice %arg9[%run_scoped3A_5, %dma_start3A_160, %dma_start3A_161] : memref<2x128x128xf32, #tpu.memory_space<vmem>> -> memref<1x64x128xf32, #tpu.memory_space<vmem>>
      %dma_start3A_163 = tpu.memref_squeeze %dma_start3A_162 : memref<1x64x128xf32, #tpu.memory_space<vmem>> -> memref<64x128xf32, #tpu.memory_space<vmem>>
      %dma_start3A_164 = arith.constant 0 : i32
      %dma_start3A_165 = tpu.memref_slice %arg10[%add3A_4, %dma_start3A_164] : memref<10240x128xf32, #tpu.memory_space<vmem_shared>> -> memref<64x128xf32, #tpu.memory_space<vmem_shared>>
      %dma_start3A_166 = arith.constant 0 : i32
      %dma_start3A_167 = tpu.memref_slice %arg10[%add3A_4, %dma_start3A_166] : memref<10240x128xf32, #tpu.memory_space<vmem_shared>> -> memref<64x128xf32, #tpu.memory_space<vmem_shared>>
      %dma_start3A_168 = arith.constant 0 : i32
      %dma_start3A_169 = arith.constant 0 : i32
      %dma_start3A_170 = tpu.memref_slice %arg9[%run_scoped3A_5, %dma_start3A_168, %dma_start3A_169] : memref<2x128x128xf32, #tpu.memory_space<vmem>> -> memref<1x64x128xf32, #tpu.memory_space<vmem>>
      %dma_start3A_171 = tpu.memref_squeeze %dma_start3A_170 : memref<1x64x128xf32, #tpu.memory_space<vmem>> -> memref<64x128xf32, #tpu.memory_space<vmem>>
      tpu.enqueue_dma source(%dma_start3A_171 : memref<64x128xf32, #tpu.memory_space<vmem>>) target(%dma_start3A_167 : memref<64x128xf32, #tpu.memory_space<vmem_shared>>) target_semaphore(%run_scoped3A_159 : memref<!tpu.dma_semaphore, #tpu.memory_space<semaphore_mem>>)
      %dma_wait3A_172 = arith.constant 0 : i32
      %dma_wait3A_173 = arith.constant 0 : i32
      %dma_wait3A_174 = tpu.memref_slice %arg9[%run_scoped3A_5, %dma_wait3A_172, %dma_wait3A_173] : memref<2x128x128xf32, #tpu.memory_space<vmem>> -> memref<1x64x128xf32, #tpu.memory_space<vmem>>
      %dma_wait3A_175 = tpu.memref_squeeze %dma_wait3A_174 : memref<1x64x128xf32, #tpu.memory_space<vmem>> -> memref<64x128xf32, #tpu.memory_space<vmem>>
      %dma_wait3A_176 = arith.constant 0 : i32
      %dma_wait3A_177 = tpu.memref_slice %arg10[%add3A_4, %dma_wait3A_176] : memref<10240x128xf32, #tpu.memory_space<vmem_shared>> -> memref<64x128xf32, #tpu.memory_space<vmem_shared>>
      %dma_wait3A_178 = arith.constant 0 : i32
      %dma_wait3A_179 = tpu.memref_slice %arg10[%add3A_4, %dma_wait3A_178] : memref<10240x128xf32, #tpu.memory_space<vmem_shared>> -> memref<64x128xf32, #tpu.memory_space<vmem_shared>>
      %dma_wait3A_180 = arith.constant 0 : i32
      %dma_wait3A_181 = arith.constant 0 : i32
      %dma_wait3A_182 = tpu.memref_slice %arg9[%run_scoped3A_5, %dma_wait3A_180, %dma_wait3A_181] : memref<2x128x128xf32, #tpu.memory_space<vmem>> -> memref<1x64x128xf32, #tpu.memory_space<vmem>>
      %dma_wait3A_183 = tpu.memref_squeeze %dma_wait3A_182 : memref<1x64x128xf32, #tpu.memory_space<vmem>> -> memref<64x128xf32, #tpu.memory_space<vmem>>
      tpu.wait_dma2 semaphore(%run_scoped3A_159 : memref<!tpu.dma_semaphore, #tpu.memory_space<semaphore_mem>>) src(%dma_wait3A_183 : memref<64x128xf32, #tpu.memory_space<vmem>>) dst(%dma_wait3A_179 : memref<64x128xf32, #tpu.memory_space<vmem_shared>>)
      tpu.yield
    }) : () -> ()
    %mul3A_6 = arith.constant 640 : i32
    %mul3A_7 = arith.muli %arg1, %mul3A_6 : i32
    %add3A_8 = arith.constant 64 : i32
    %add3A_9 = arith.addi %mul3A_7, %add3A_8 : i32
    %run_scoped3A_10 = arith.constant 0 : i32
    "tpu.region"() ({
      %run_scoped3A_159 = tpu.sem_alloc : memref<!tpu.dma_semaphore, #tpu.memory_space<semaphore_mem>>
      %dma_start3A_160 = arith.constant 0 : i32
      %dma_start3A_161 = arith.constant 0 : i32
      %dma_start3A_162 = tpu.memref_slice %arg9[%run_scoped3A_10, %dma_start3A_160, %dma_start3A_161] : memref<2x128x128xf32, #tpu.memory_space<vmem>> -> memref<1x64x128xf32, #tpu.memory_space<vmem>>
      %dma_start3A_163 = tpu.memref_squeeze %dma_start3A_162 : memref<1x64x128xf32, #tpu.memory_space<vmem>> -> memref<64x128xf32, #tpu.memory_space<vmem>>
      %dma_start3A_164 = arith.constant 0 : i32
      %dma_start3A_165 = tpu.memref_slice %arg10[%add3A_9, %dma_start3A_164] : memref<10240x128xf32, #tpu.memory_space<vmem_shared>> -> memref<64x128xf32, #tpu.memory_space<vmem_shared>>
      %dma_start3A_166 = arith.constant 0 : i32
      %dma_start3A_167 = tpu.memref_slice %arg10[%add3A_9, %dma_start3A_166] : memref<10240x128xf32, #tpu.memory_space<vmem_shared>> -> memref<64x128xf32, #tpu.memory_space<vmem_shared>>
      %dma_start3A_168 = arith.constant 0 : i32
      %dma_start3A_169 = arith.constant 0 : i32
      %dma_start3A_170 = tpu.memref_slice %arg9[%run_scoped3A_10, %dma_start3A_168, %dma_start3A_169] : memref<2x128x128xf32, #tpu.memory_space<vmem>> -> memref<1x64x128xf32, #tpu.memory_space<vmem>>
      %dma_start3A_171 = tpu.memref_squeeze %dma_start3A_170 : memref<1x64x128xf32, #tpu.memory_space<vmem>> -> memref<64x128xf32, #tpu.memory_space<vmem>>
      tpu.enqueue_dma source(%dma_start3A_171 : memref<64x128xf32, #tpu.memory_space<vmem>>) target(%dma_start3A_167 : memref<64x128xf32, #tpu.memory_space<vmem_shared>>) target_semaphore(%run_scoped3A_159 : memref<!tpu.dma_semaphore, #tpu.memory_space<semaphore_mem>>)
      %dma_wait3A_172 = arith.constant 0 : i32
      %dma_wait3A_173 = arith.constant 0 : i32
      %dma_wait3A_174 = tpu.memref_slice %arg9[%run_scoped3A_10, %dma_wait3A_172, %dma_wait3A_173] : memref<2x128x128xf32, #tpu.memory_space<vmem>> -> memref<1x64x128xf32, #tpu.memory_space<vmem>>
      %dma_wait3A_175 = tpu.memref_squeeze %dma_wait3A_174 : memref<1x64x128xf32, #tpu.memory_space<vmem>> -> memref<64x128xf32, #tpu.memory_space<vmem>>
      %dma_wait3A_176 = arith.constant 0 : i32
      %dma_wait3A_177 = tpu.memref_slice %arg10[%add3A_9, %dma_wait3A_176] : memref<10240x128xf32, #tpu.memory_space<vmem_shared>> -> memref<64x128xf32, #tpu.memory_space<vmem_shared>>
      %dma_wait3A_178 = arith.constant 0 : i32
      %dma_wait3A_179 = tpu.memref_slice %arg10[%add3A_9, %dma_wait3A_178] : memref<10240x128xf32, #tpu.memory_space<vmem_shared>> -> memref<64x128xf32, #tpu.memory_space<vmem_shared>>
      %dma_wait3A_180 = arith.constant 0 : i32
      %dma_wait3A_181 = arith.constant 0 : i32
      %dma_wait3A_182 = tpu.memref_slice %arg9[%run_scoped3A_10, %dma_wait3A_180, %dma_wait3A_181] : memref<2x128x128xf32, #tpu.memory_space<vmem>> -> memref<1x64x128xf32, #tpu.memory_space<vmem>>
      %dma_wait3A_183 = tpu.memref_squeeze %dma_wait3A_182 : memref<1x64x128xf32, #tpu.memory_space<vmem>> -> memref<64x128xf32, #tpu.memory_space<vmem>>
      tpu.wait_dma2 semaphore(%run_scoped3A_159 : memref<!tpu.dma_semaphore, #tpu.memory_space<semaphore_mem>>) src(%dma_wait3A_183 : memref<64x128xf32, #tpu.memory_space<vmem>>) dst(%dma_wait3A_179 : memref<64x128xf32, #tpu.memory_space<vmem_shared>>)
      tpu.yield
    }) : () -> ()
    %mul3A_11 = arith.constant 640 : i32
    %mul3A_12 = arith.muli %arg1, %mul3A_11 : i32
    %add3A_13 = arith.constant 128 : i32
    %add3A_14 = arith.addi %mul3A_12, %add3A_13 : i32
    %run_scoped3A_15 = arith.constant 0 : i32
    "tpu.region"() ({
      %run_scoped3A_159 = tpu.sem_alloc : memref<!tpu.dma_semaphore, #tpu.memory_space<semaphore_mem>>
      %dma_start3A_160 = arith.constant 0 : i32
      %dma_start3A_161 = arith.constant 0 : i32
      %dma_start3A_162 = tpu.memref_slice %arg9[%run_scoped3A_15, %dma_start3A_160, %dma_start3A_161] : memref<2x128x128xf32, #tpu.memory_space<vmem>> -> memref<1x64x128xf32, #tpu.memory_space<vmem>>
      %dma_start3A_163 = tpu.memref_squeeze %dma_start3A_162 : memref<1x64x128xf32, #tpu.memory_space<vmem>> -> memref<64x128xf32, #tpu.memory_space<vmem>>
      %dma_start3A_164 = arith.constant 0 : i32
      %dma_start3A_165 = tpu.memref_slice %arg10[%add3A_14, %dma_start3A_164] : memref<10240x128xf32, #tpu.memory_space<vmem_shared>> -> memref<64x128xf32, #tpu.memory_space<vmem_shared>>
      %dma_start3A_166 = arith.constant 0 : i32
      %dma_start3A_167 = tpu.memref_slice %arg10[%add3A_14, %dma_start3A_166] : memref<10240x128xf32, #tpu.memory_space<vmem_shared>> -> memref<64x128xf32, #tpu.memory_space<vmem_shared>>
      %dma_start3A_168 = arith.constant 0 : i32
      %dma_start3A_169 = arith.constant 0 : i32
      %dma_start3A_170 = tpu.memref_slice %arg9[%run_scoped3A_15, %dma_start3A_168, %dma_start3A_169] : memref<2x128x128xf32, #tpu.memory_space<vmem>> -> memref<1x64x128xf32, #tpu.memory_space<vmem>>
      %dma_start3A_171 = tpu.memref_squeeze %dma_start3A_170 : memref<1x64x128xf32, #tpu.memory_space<vmem>> -> memref<64x128xf32, #tpu.memory_space<vmem>>
      tpu.enqueue_dma source(%dma_start3A_171 : memref<64x128xf32, #tpu.memory_space<vmem>>) target(%dma_start3A_167 : memref<64x128xf32, #tpu.memory_space<vmem_shared>>) target_semaphore(%run_scoped3A_159 : memref<!tpu.dma_semaphore, #tpu.memory_space<semaphore_mem>>)
      %dma_wait3A_172 = arith.constant 0 : i32
      %dma_wait3A_173 = arith.constant 0 : i32
      %dma_wait3A_174 = tpu.memref_slice %arg9[%run_scoped3A_15, %dma_wait3A_172, %dma_wait3A_173] : memref<2x128x128xf32, #tpu.memory_space<vmem>> -> memref<1x64x128xf32, #tpu.memory_space<vmem>>
      %dma_wait3A_175 = tpu.memref_squeeze %dma_wait3A_174 : memref<1x64x128xf32, #tpu.memory_space<vmem>> -> memref<64x128xf32, #tpu.memory_space<vmem>>
      %dma_wait3A_176 = arith.constant 0 : i32
      %dma_wait3A_177 = tpu.memref_slice %arg10[%add3A_14, %dma_wait3A_176] : memref<10240x128xf32, #tpu.memory_space<vmem_shared>> -> memref<64x128xf32, #tpu.memory_space<vmem_shared>>
      %dma_wait3A_178 = arith.constant 0 : i32
      %dma_wait3A_179 = tpu.memref_slice %arg10[%add3A_14, %dma_wait3A_178] : memref<10240x128xf32, #tpu.memory_space<vmem_shared>> -> memref<64x128xf32, #tpu.memory_space<vmem_shared>>
      %dma_wait3A_180 = arith.constant 0 : i32
      %dma_wait3A_181 = arith.constant 0 : i32
      %dma_wait3A_182 = tpu.memref_slice %arg9[%run_scoped3A_15, %dma_wait3A_180, %dma_wait3A_181] : memref<2x128x128xf32, #tpu.memory_space<vmem>> -> memref<1x64x128xf32, #tpu.memory_space<vmem>>
      %dma_wait3A_183 = tpu.memref_squeeze %dma_wait3A_182 : memref<1x64x128xf32, #tpu.memory_space<vmem>> -> memref<64x128xf32, #tpu.memory_space<vmem>>
      tpu.wait_dma2 semaphore(%run_scoped3A_159 : memref<!tpu.dma_semaphore, #tpu.memory_space<semaphore_mem>>) src(%dma_wait3A_183 : memref<64x128xf32, #tpu.memory_space<vmem>>) dst(%dma_wait3A_179 : memref<64x128xf32, #tpu.memory_space<vmem_shared>>)
      tpu.yield
    }) : () -> ()
    %mul3A_16 = arith.constant 640 : i32
    %mul3A_17 = arith.muli %arg1, %mul3A_16 : i32
    %add3A_18 = arith.constant 192 : i32
    %add3A_19 = arith.addi %mul3A_17, %add3A_18 : i32
    %run_scoped3A_20 = arith.constant 0 : i32
    "tpu.region"() ({
      %run_scoped3A_159 = tpu.sem_alloc : memref<!tpu.dma_semaphore, #tpu.memory_space<semaphore_mem>>
      %dma_start3A_160 = arith.constant 0 : i32
      %dma_start3A_161 = arith.constant 0 : i32
      %dma_start3A_162 = tpu.memref_slice %arg9[%run_scoped3A_20, %dma_start3A_160, %dma_start3A_161] : memref<2x128x128xf32, #tpu.memory_space<vmem>> -> memref<1x64x128xf32, #tpu.memory_space<vmem>>
      %dma_start3A_163 = tpu.memref_squeeze %dma_start3A_162 : memref<1x64x128xf32, #tpu.memory_space<vmem>> -> memref<64x128xf32, #tpu.memory_space<vmem>>
      %dma_start3A_164 = arith.constant 0 : i32
      %dma_start3A_165 = tpu.memref_slice %arg10[%add3A_19, %dma_start3A_164] : memref<10240x128xf32, #tpu.memory_space<vmem_shared>> -> memref<64x128xf32, #tpu.memory_space<vmem_shared>>
      %dma_start3A_166 = arith.constant 0 : i32
      %dma_start3A_167 = tpu.memref_slice %arg10[%add3A_19, %dma_start3A_166] : memref<10240x128xf32, #tpu.memory_space<vmem_shared>> -> memref<64x128xf32, #tpu.memory_space<vmem_shared>>
      %dma_start3A_168 = arith.constant 0 : i32
      %dma_start3A_169 = arith.constant 0 : i32
      %dma_start3A_170 = tpu.memref_slice %arg9[%run_scoped3A_20, %dma_start3A_168, %dma_start3A_169] : memref<2x128x128xf32, #tpu.memory_space<vmem>> -> memref<1x64x128xf32, #tpu.memory_space<vmem>>
      %dma_start3A_171 = tpu.memref_squeeze %dma_start3A_170 : memref<1x64x128xf32, #tpu.memory_space<vmem>> -> memref<64x128xf32, #tpu.memory_space<vmem>>
      tpu.enqueue_dma source(%dma_start3A_171 : memref<64x128xf32, #tpu.memory_space<vmem>>) target(%dma_start3A_167 : memref<64x128xf32, #tpu.memory_space<vmem_shared>>) target_semaphore(%run_scoped3A_159 : memref<!tpu.dma_semaphore, #tpu.memory_space<semaphore_mem>>)
      %dma_wait3A_172 = arith.constant 0 : i32
      %dma_wait3A_173 = arith.constant 0 : i32
      %dma_wait3A_174 = tpu.memref_slice %arg9[%run_scoped3A_20, %dma_wait3A_172, %dma_wait3A_173] : memref<2x128x128xf32, #tpu.memory_space<vmem>> -> memref<1x64x128xf32, #tpu.memory_space<vmem>>
      %dma_wait3A_175 = tpu.memref_squeeze %dma_wait3A_174 : memref<1x64x128xf32, #tpu.memory_space<vmem>> -> memref<64x128xf32, #tpu.memory_space<vmem>>
      %dma_wait3A_176 = arith.constant 0 : i32
      %dma_wait3A_177 = tpu.memref_slice %arg10[%add3A_19, %dma_wait3A_176] : memref<10240x128xf32, #tpu.memory_space<vmem_shared>> -> memref<64x128xf32, #tpu.memory_space<vmem_shared>>
      %dma_wait3A_178 = arith.constant 0 : i32
      %dma_wait3A_179 = tpu.memref_slice %arg10[%add3A_19, %dma_wait3A_178] : memref<10240x128xf32, #tpu.memory_space<vmem_shared>> -> memref<64x128xf32, #tpu.memory_space<vmem_shared>>
      %dma_wait3A_180 = arith.constant 0 : i32
      %dma_wait3A_181 = arith.constant 0 : i32
      %dma_wait3A_182 = tpu.memref_slice %arg9[%run_scoped3A_20, %dma_wait3A_180, %dma_wait3A_181] : memref<2x128x128xf32, #tpu.memory_space<vmem>> -> memref<1x64x128xf32, #tpu.memory_space<vmem>>
      %dma_wait3A_183 = tpu.memref_squeeze %dma_wait3A_182 : memref<1x64x128xf32, #tpu.memory_space<vmem>> -> memref<64x128xf32, #tpu.memory_space<vmem>>
      tpu.wait_dma2 semaphore(%run_scoped3A_159 : memref<!tpu.dma_semaphore, #tpu.memory_space<semaphore_mem>>) src(%dma_wait3A_183 : memref<64x128xf32, #tpu.memory_space<vmem>>) dst(%dma_wait3A_179 : memref<64x128xf32, #tpu.memory_space<vmem_shared>>)
      tpu.yield
    }) : () -> ()
    %mul3A_21 = arith.constant 640 : i32
    %mul3A_22 = arith.muli %arg1, %mul3A_21 : i32
    %add3A_23 = arith.constant 256 : i32
    %add3A_24 = arith.addi %mul3A_22, %add3A_23 : i32
    %run_scoped3A_25 = arith.constant 0 : i32
    "tpu.region"() ({
      %run_scoped3A_159 = tpu.sem_alloc : memref<!tpu.dma_semaphore, #tpu.memory_space<semaphore_mem>>
      %dma_start3A_160 = arith.constant 0 : i32
      %dma_start3A_161 = arith.constant 0 : i32
      %dma_start3A_162 = tpu.memref_slice %arg9[%run_scoped3A_25, %dma_start3A_160, %dma_start3A_161] : memref<2x128x128xf32, #tpu.memory_space<vmem>> -> memref<1x64x128xf32, #tpu.memory_space<vmem>>
      %dma_start3A_163 = tpu.memref_squeeze %dma_start3A_162 : memref<1x64x128xf32, #tpu.memory_space<vmem>> -> memref<64x128xf32, #tpu.memory_space<vmem>>
      %dma_start3A_164 = arith.constant 0 : i32
      %dma_start3A_165 = tpu.memref_slice %arg10[%add3A_24, %dma_start3A_164] : memref<10240x128xf32, #tpu.memory_space<vmem_shared>> -> memref<64x128xf32, #tpu.memory_space<vmem_shared>>
      %dma_start3A_166 = arith.constant 0 : i32
      %dma_start3A_167 = tpu.memref_slice %arg10[%add3A_24, %dma_start3A_166] : memref<10240x128xf32, #tpu.memory_space<vmem_shared>> -> memref<64x128xf32, #tpu.memory_space<vmem_shared>>
      %dma_start3A_168 = arith.constant 0 : i32
      %dma_start3A_169 = arith.constant 0 : i32
      %dma_start3A_170 = tpu.memref_slice %arg9[%run_scoped3A_25, %dma_start3A_168, %dma_start3A_169] : memref<2x128x128xf32, #tpu.memory_space<vmem>> -> memref<1x64x128xf32, #tpu.memory_space<vmem>>
      %dma_start3A_171 = tpu.memref_squeeze %dma_start3A_170 : memref<1x64x128xf32, #tpu.memory_space<vmem>> -> memref<64x128xf32, #tpu.memory_space<vmem>>
      tpu.enqueue_dma source(%dma_start3A_171 : memref<64x128xf32, #tpu.memory_space<vmem>>) target(%dma_start3A_167 : memref<64x128xf32, #tpu.memory_space<vmem_shared>>) target_semaphore(%run_scoped3A_159 : memref<!tpu.dma_semaphore, #tpu.memory_space<semaphore_mem>>)
      %dma_wait3A_172 = arith.constant 0 : i32
      %dma_wait3A_173 = arith.constant 0 : i32
      %dma_wait3A_174 = tpu.memref_slice %arg9[%run_scoped3A_25, %dma_wait3A_172, %dma_wait3A_173] : memref<2x128x128xf32, #tpu.memory_space<vmem>> -> memref<1x64x128xf32, #tpu.memory_space<vmem>>
      %dma_wait3A_175 = tpu.memref_squeeze %dma_wait3A_174 : memref<1x64x128xf32, #tpu.memory_space<vmem>> -> memref<64x128xf32, #tpu.memory_space<vmem>>
      %dma_wait3A_176 = arith.constant 0 : i32
      %dma_wait3A_177 = tpu.memref_slice %arg10[%add3A_24, %dma_wait3A_176] : memref<10240x128xf32, #tpu.memory_space<vmem_shared>> -> memref<64x128xf32, #tpu.memory_space<vmem_shared>>
      %dma_wait3A_178 = arith.constant 0 : i32
      %dma_wait3A_179 = tpu.memref_slice %arg10[%add3A_24, %dma_wait3A_178] : memref<10240x128xf32, #tpu.memory_space<vmem_shared>> -> memref<64x128xf32, #tpu.memory_space<vmem_shared>>
      %dma_wait3A_180 = arith.constant 0 : i32
      %dma_wait3A_181 = arith.constant 0 : i32
      %dma_wait3A_182 = tpu.memref_slice %arg9[%run_scoped3A_25, %dma_wait3A_180, %dma_wait3A_181] : memref<2x128x128xf32, #tpu.memory_space<vmem>> -> memref<1x64x128xf32, #tpu.memory_space<vmem>>
      %dma_wait3A_183 = tpu.memref_squeeze %dma_wait3A_182 : memref<1x64x128xf32, #tpu.memory_space<vmem>> -> memref<64x128xf32, #tpu.memory_space<vmem>>
      tpu.wait_dma2 semaphore(%run_scoped3A_159 : memref<!tpu.dma_semaphore, #tpu.memory_space<semaphore_mem>>) src(%dma_wait3A_183 : memref<64x128xf32, #tpu.memory_space<vmem>>) dst(%dma_wait3A_179 : memref<64x128xf32, #tpu.memory_space<vmem_shared>>)
      tpu.yield
    }) : () -> ()
    %mul3A_26 = arith.constant 640 : i32
    %mul3A_27 = arith.muli %arg1, %mul3A_26 : i32
    %add3A_28 = arith.constant 320 : i32
    %add3A_29 = arith.addi %mul3A_27, %add3A_28 : i32
    %run_scoped3A_30 = arith.constant 0 : i32
    "tpu.region"() ({
      %run_scoped3A_159 = tpu.sem_alloc : memref<!tpu.dma_semaphore, #tpu.memory_space<semaphore_mem>>
      %dma_start3A_160 = arith.constant 0 : i32
      %dma_start3A_161 = arith.constant 0 : i32
      %dma_start3A_162 = tpu.memref_slice %arg9[%run_scoped3A_30, %dma_start3A_160, %dma_start3A_161] : memref<2x128x128xf32, #tpu.memory_space<vmem>> -> memref<1x64x128xf32, #tpu.memory_space<vmem>>
      %dma_start3A_163 = tpu.memref_squeeze %dma_start3A_162 : memref<1x64x128xf32, #tpu.memory_space<vmem>> -> memref<64x128xf32, #tpu.memory_space<vmem>>
      %dma_start3A_164 = arith.constant 0 : i32
      %dma_start3A_165 = tpu.memref_slice %arg10[%add3A_29, %dma_start3A_164] : memref<10240x128xf32, #tpu.memory_space<vmem_shared>> -> memref<64x128xf32, #tpu.memory_space<vmem_shared>>
      %dma_start3A_166 = arith.constant 0 : i32
      %dma_start3A_167 = tpu.memref_slice %arg10[%add3A_29, %dma_start3A_166] : memref<10240x128xf32, #tpu.memory_space<vmem_shared>> -> memref<64x128xf32, #tpu.memory_space<vmem_shared>>
      %dma_start3A_168 = arith.constant 0 : i32
      %dma_start3A_169 = arith.constant 0 : i32
      %dma_start3A_170 = tpu.memref_slice %arg9[%run_scoped3A_30, %dma_start3A_168, %dma_start3A_169] : memref<2x128x128xf32, #tpu.memory_space<vmem>> -> memref<1x64x128xf32, #tpu.memory_space<vmem>>
      %dma_start3A_171 = tpu.memref_squeeze %dma_start3A_170 : memref<1x64x128xf32, #tpu.memory_space<vmem>> -> memref<64x128xf32, #tpu.memory_space<vmem>>
      tpu.enqueue_dma source(%dma_start3A_171 : memref<64x128xf32, #tpu.memory_space<vmem>>) target(%dma_start3A_167 : memref<64x128xf32, #tpu.memory_space<vmem_shared>>) target_semaphore(%run_scoped3A_159 : memref<!tpu.dma_semaphore, #tpu.memory_space<semaphore_mem>>)
      %dma_wait3A_172 = arith.constant 0 : i32
      %dma_wait3A_173 = arith.constant 0 : i32
      %dma_wait3A_174 = tpu.memref_slice %arg9[%run_scoped3A_30, %dma_wait3A_172, %dma_wait3A_173] : memref<2x128x128xf32, #tpu.memory_space<vmem>> -> memref<1x64x128xf32, #tpu.memory_space<vmem>>
      %dma_wait3A_175 = tpu.memref_squeeze %dma_wait3A_174 : memref<1x64x128xf32, #tpu.memory_space<vmem>> -> memref<64x128xf32, #tpu.memory_space<vmem>>
      %dma_wait3A_176 = arith.constant 0 : i32
      %dma_wait3A_177 = tpu.memref_slice %arg10[%add3A_29, %dma_wait3A_176] : memref<10240x128xf32, #tpu.memory_space<vmem_shared>> -> memref<64x128xf32, #tpu.memory_space<vmem_shared>>
      %dma_wait3A_178 = arith.constant 0 : i32
      %dma_wait3A_179 = tpu.memref_slice %arg10[%add3A_29, %dma_wait3A_178] : memref<10240x128xf32, #tpu.memory_space<vmem_shared>> -> memref<64x128xf32, #tpu.memory_space<vmem_shared>>
      %dma_wait3A_180 = arith.constant 0 : i32
      %dma_wait3A_181 = arith.constant 0 : i32
      %dma_wait3A_182 = tpu.memref_slice %arg9[%run_scoped3A_30, %dma_wait3A_180, %dma_wait3A_181] : memref<2x128x128xf32, #tpu.memory_space<vmem>> -> memref<1x64x128xf32, #tpu.memory_space<vmem>>
      %dma_wait3A_183 = tpu.memref_squeeze %dma_wait3A_182 : memref<1x64x128xf32, #tpu.memory_space<vmem>> -> memref<64x128xf32, #tpu.memory_space<vmem>>
      tpu.wait_dma2 semaphore(%run_scoped3A_159 : memref<!tpu.dma_semaphore, #tpu.memory_space<semaphore_mem>>) src(%dma_wait3A_183 : memref<64x128xf32, #tpu.memory_space<vmem>>) dst(%dma_wait3A_179 : memref<64x128xf32, #tpu.memory_space<vmem_shared>>)
      tpu.yield
    }) : () -> ()
    %mul3A_31 = arith.constant 640 : i32
    %mul3A_32 = arith.muli %arg1, %mul3A_31 : i32
    %add3A_33 = arith.constant 384 : i32
    %add3A_34 = arith.addi %mul3A_32, %add3A_33 : i32
    %run_scoped3A_35 = arith.constant 0 : i32
    "tpu.region"() ({
      %run_scoped3A_159 = tpu.sem_alloc : memref<!tpu.dma_semaphore, #tpu.memory_space<semaphore_mem>>
      %dma_start3A_160 = arith.constant 0 : i32
      %dma_start3A_161 = arith.constant 0 : i32
      %dma_start3A_162 = tpu.memref_slice %arg9[%run_scoped3A_35, %dma_start3A_160, %dma_start3A_161] : memref<2x128x128xf32, #tpu.memory_space<vmem>> -> memref<1x64x128xf32, #tpu.memory_space<vmem>>
      %dma_start3A_163 = tpu.memref_squeeze %dma_start3A_162 : memref<1x64x128xf32, #tpu.memory_space<vmem>> -> memref<64x128xf32, #tpu.memory_space<vmem>>
      %dma_start3A_164 = arith.constant 0 : i32
      %dma_start3A_165 = tpu.memref_slice %arg10[%add3A_34, %dma_start3A_164] : memref<10240x128xf32, #tpu.memory_space<vmem_shared>> -> memref<64x128xf32, #tpu.memory_space<vmem_shared>>
      %dma_start3A_166 = arith.constant 0 : i32
      %dma_start3A_167 = tpu.memref_slice %arg10[%add3A_34, %dma_start3A_166] : memref<10240x128xf32, #tpu.memory_space<vmem_shared>> -> memref<64x128xf32, #tpu.memory_space<vmem_shared>>
      %dma_start3A_168 = arith.constant 0 : i32
      %dma_start3A_169 = arith.constant 0 : i32
      %dma_start3A_170 = tpu.memref_slice %arg9[%run_scoped3A_35, %dma_start3A_168, %dma_start3A_169] : memref<2x128x128xf32, #tpu.memory_space<vmem>> -> memref<1x64x128xf32, #tpu.memory_space<vmem>>
      %dma_start3A_171 = tpu.memref_squeeze %dma_start3A_170 : memref<1x64x128xf32, #tpu.memory_space<vmem>> -> memref<64x128xf32, #tpu.memory_space<vmem>>
      tpu.enqueue_dma source(%dma_start3A_171 : memref<64x128xf32, #tpu.memory_space<vmem>>) target(%dma_start3A_167 : memref<64x128xf32, #tpu.memory_space<vmem_shared>>) target_semaphore(%run_scoped3A_159 : memref<!tpu.dma_semaphore, #tpu.memory_space<semaphore_mem>>)
      %dma_wait3A_172 = arith.constant 0 : i32
      %dma_wait3A_173 = arith.constant 0 : i32
      %dma_wait3A_174 = tpu.memref_slice %arg9[%run_scoped3A_35, %dma_wait3A_172, %dma_wait3A_173] : memref<2x128x128xf32, #tpu.memory_space<vmem>> -> memref<1x64x128xf32, #tpu.memory_space<vmem>>
      %dma_wait3A_175 = tpu.memref_squeeze %dma_wait3A_174 : memref<1x64x128xf32, #tpu.memory_space<vmem>> -> memref<64x128xf32, #tpu.memory_space<vmem>>
      %dma_wait3A_176 = arith.constant 0 : i32
      %dma_wait3A_177 = tpu.memref_slice %arg10[%add3A_34, %dma_wait3A_176] : memref<10240x128xf32, #tpu.memory_space<vmem_shared>> -> memref<64x128xf32, #tpu.memory_space<vmem_shared>>
      %dma_wait3A_178 = arith.constant 0 : i32
      %dma_wait3A_179 = tpu.memref_slice %arg10[%add3A_34, %dma_wait3A_178] : memref<10240x128xf32, #tpu.memory_space<vmem_shared>> -> memref<64x128xf32, #tpu.memory_space<vmem_shared>>
      %dma_wait3A_180 = arith.constant 0 : i32
      %dma_wait3A_181 = arith.constant 0 : i32
      %dma_wait3A_182 = tpu.memref_slice %arg9[%run_scoped3A_35, %dma_wait3A_180, %dma_wait3A_181] : memref<2x128x128xf32, #tpu.memory_space<vmem>> -> memref<1x64x128xf32, #tpu.memory_space<vmem>>
      %dma_wait3A_183 = tpu.memref_squeeze %dma_wait3A_182 : memref<1x64x128xf32, #tpu.memory_space<vmem>> -> memref<64x128xf32, #tpu.memory_space<vmem>>
      tpu.wait_dma2 semaphore(%run_scoped3A_159 : memref<!tpu.dma_semaphore, #tpu.memory_space<semaphore_mem>>) src(%dma_wait3A_183 : memref<64x128xf32, #tpu.memory_space<vmem>>) dst(%dma_wait3A_179 : memref<64x128xf32, #tpu.memory_space<vmem_shared>>)
      tpu.yield
    }) : () -> ()
    %mul3A_36 = arith.constant 640 : i32
    %mul3A_37 = arith.muli %arg1, %mul3A_36 : i32
    %add3A_38 = arith.constant 448 : i32
    %add3A_39 = arith.addi %mul3A_37, %add3A_38 : i32
    %run_scoped3A_40 = arith.constant 0 : i32
    "tpu.region"() ({
      %run_scoped3A_159 = tpu.sem_alloc : memref<!tpu.dma_semaphore, #tpu.memory_space<semaphore_mem>>
      %dma_start3A_160 = arith.constant 0 : i32
      %dma_start3A_161 = arith.constant 0 : i32
      %dma_start3A_162 = tpu.memref_slice %arg9[%run_scoped3A_40, %dma_start3A_160, %dma_start3A_161] : memref<2x128x128xf32, #tpu.memory_space<vmem>> -> memref<1x64x128xf32, #tpu.memory_space<vmem>>
      %dma_start3A_163 = tpu.memref_squeeze %dma_start3A_162 : memref<1x64x128xf32, #tpu.memory_space<vmem>> -> memref<64x128xf32, #tpu.memory_space<vmem>>
      %dma_start3A_164 = arith.constant 0 : i32
      %dma_start3A_165 = tpu.memref_slice %arg10[%add3A_39, %dma_start3A_164] : memref<10240x128xf32, #tpu.memory_space<vmem_shared>> -> memref<64x128xf32, #tpu.memory_space<vmem_shared>>
      %dma_start3A_166 = arith.constant 0 : i32
      %dma_start3A_167 = tpu.memref_slice %arg10[%add3A_39, %dma_start3A_166] : memref<10240x128xf32, #tpu.memory_space<vmem_shared>> -> memref<64x128xf32, #tpu.memory_space<vmem_shared>>
      %dma_start3A_168 = arith.constant 0 : i32
      %dma_start3A_169 = arith.constant 0 : i32
      %dma_start3A_170 = tpu.memref_slice %arg9[%run_scoped3A_40, %dma_start3A_168, %dma_start3A_169] : memref<2x128x128xf32, #tpu.memory_space<vmem>> -> memref<1x64x128xf32, #tpu.memory_space<vmem>>
      %dma_start3A_171 = tpu.memref_squeeze %dma_start3A_170 : memref<1x64x128xf32, #tpu.memory_space<vmem>> -> memref<64x128xf32, #tpu.memory_space<vmem>>
      tpu.enqueue_dma source(%dma_start3A_171 : memref<64x128xf32, #tpu.memory_space<vmem>>) target(%dma_start3A_167 : memref<64x128xf32, #tpu.memory_space<vmem_shared>>) target_semaphore(%run_scoped3A_159 : memref<!tpu.dma_semaphore, #tpu.memory_space<semaphore_mem>>)
      %dma_wait3A_172 = arith.constant 0 : i32
      %dma_wait3A_173 = arith.constant 0 : i32
      %dma_wait3A_174 = tpu.memref_slice %arg9[%run_scoped3A_40, %dma_wait3A_172, %dma_wait3A_173] : memref<2x128x128xf32, #tpu.memory_space<vmem>> -> memref<1x64x128xf32, #tpu.memory_space<vmem>>
      %dma_wait3A_175 = tpu.memref_squeeze %dma_wait3A_174 : memref<1x64x128xf32, #tpu.memory_space<vmem>> -> memref<64x128xf32, #tpu.memory_space<vmem>>
      %dma_wait3A_176 = arith.constant 0 : i32
      %dma_wait3A_177 = tpu.memref_slice %arg10[%add3A_39, %dma_wait3A_176] : memref<10240x128xf32, #tpu.memory_space<vmem_shared>> -> memref<64x128xf32, #tpu.memory_space<vmem_shared>>
      %dma_wait3A_178 = arith.constant 0 : i32
      %dma_wait3A_179 = tpu.memref_slice %arg10[%add3A_39, %dma_wait3A_178] : memref<10240x128xf32, #tpu.memory_space<vmem_shared>> -> memref<64x128xf32, #tpu.memory_space<vmem_shared>>
      %dma_wait3A_180 = arith.constant 0 : i32
      %dma_wait3A_181 = arith.constant 0 : i32
      %dma_wait3A_182 = tpu.memref_slice %arg9[%run_scoped3A_40, %dma_wait3A_180, %dma_wait3A_181] : memref<2x128x128xf32, #tpu.memory_space<vmem>> -> memref<1x64x128xf32, #tpu.memory_space<vmem>>
      %dma_wait3A_183 = tpu.memref_squeeze %dma_wait3A_182 : memref<1x64x128xf32, #tpu.memory_space<vmem>> -> memref<64x128xf32, #tpu.memory_space<vmem>>
      tpu.wait_dma2 semaphore(%run_scoped3A_159 : memref<!tpu.dma_semaphore, #tpu.memory_space<semaphore_mem>>) src(%dma_wait3A_183 : memref<64x128xf32, #tpu.memory_space<vmem>>) dst(%dma_wait3A_179 : memref<64x128xf32, #tpu.memory_space<vmem_shared>>)
      tpu.yield
    }) : () -> ()
    %mul3A_41 = arith.constant 640 : i32
    %mul3A_42 = arith.muli %arg1, %mul3A_41 : i32
    %add3A_43 = arith.constant 512 : i32
    %add3A_44 = arith.addi %mul3A_42, %add3A_43 : i32
    %run_scoped3A_45 = arith.constant 0 : i32
    "tpu.region"() ({
      %run_scoped3A_159 = tpu.sem_alloc : memref<!tpu.dma_semaphore, #tpu.memory_space<semaphore_mem>>
      %dma_start3A_160 = arith.constant 0 : i32
      %dma_start3A_161 = arith.constant 0 : i32
      %dma_start3A_162 = tpu.memref_slice %arg9[%run_scoped3A_45, %dma_start3A_160, %dma_start3A_161] : memref<2x128x128xf32, #tpu.memory_space<vmem>> -> memref<1x64x128xf32, #tpu.memory_space<vmem>>
      %dma_start3A_163 = tpu.memref_squeeze %dma_start3A_162 : memref<1x64x128xf32, #tpu.memory_space<vmem>> -> memref<64x128xf32, #tpu.memory_space<vmem>>
      %dma_start3A_164 = arith.constant 0 : i32
      %dma_start3A_165 = tpu.memref_slice %arg10[%add3A_44, %dma_start3A_164] : memref<10240x128xf32, #tpu.memory_space<vmem_shared>> -> memref<64x128xf32, #tpu.memory_space<vmem_shared>>
      %dma_start3A_166 = arith.constant 0 : i32
      %dma_start3A_167 = tpu.memref_slice %arg10[%add3A_44, %dma_start3A_166] : memref<10240x128xf32, #tpu.memory_space<vmem_shared>> -> memref<64x128xf32, #tpu.memory_space<vmem_shared>>
      %dma_start3A_168 = arith.constant 0 : i32
      %dma_start3A_169 = arith.constant 0 : i32
      %dma_start3A_170 = tpu.memref_slice %arg9[%run_scoped3A_45, %dma_start3A_168, %dma_start3A_169] : memref<2x128x128xf32, #tpu.memory_space<vmem>> -> memref<1x64x128xf32, #tpu.memory_space<vmem>>
      %dma_start3A_171 = tpu.memref_squeeze %dma_start3A_170 : memref<1x64x128xf32, #tpu.memory_space<vmem>> -> memref<64x128xf32, #tpu.memory_space<vmem>>
      tpu.enqueue_dma source(%dma_start3A_171 : memref<64x128xf32, #tpu.memory_space<vmem>>) target(%dma_start3A_167 : memref<64x128xf32, #tpu.memory_space<vmem_shared>>) target_semaphore(%run_scoped3A_159 : memref<!tpu.dma_semaphore, #tpu.memory_space<semaphore_mem>>)
      %dma_wait3A_172 = arith.constant 0 : i32
      %dma_wait3A_173 = arith.constant 0 : i32
      %dma_wait3A_174 = tpu.memref_slice %arg9[%run_scoped3A_45, %dma_wait3A_172, %dma_wait3A_173] : memref<2x128x128xf32, #tpu.memory_space<vmem>> -> memref<1x64x128xf32, #tpu.memory_space<vmem>>
      %dma_wait3A_175 = tpu.memref_squeeze %dma_wait3A_174 : memref<1x64x128xf32, #tpu.memory_space<vmem>> -> memref<64x128xf32, #tpu.memory_space<vmem>>
      %dma_wait3A_176 = arith.constant 0 : i32
      %dma_wait3A_177 = tpu.memref_slice %arg10[%add3A_44, %dma_wait3A_176] : memref<10240x128xf32, #tpu.memory_space<vmem_shared>> -> memref<64x128xf32, #tpu.memory_space<vmem_shared>>
      %dma_wait3A_178 = arith.constant 0 : i32
      %dma_wait3A_179 = tpu.memref_slice %arg10[%add3A_44, %dma_wait3A_178] : memref<10240x128xf32, #tpu.memory_space<vmem_shared>> -> memref<64x128xf32, #tpu.memory_space<vmem_shared>>
      %dma_wait3A_180 = arith.constant 0 : i32
      %dma_wait3A_181 = arith.constant 0 : i32
      %dma_wait3A_182 = tpu.memref_slice %arg9[%run_scoped3A_45, %dma_wait3A_180, %dma_wait3A_181] : memref<2x128x128xf32, #tpu.memory_space<vmem>> -> memref<1x64x128xf32, #tpu.memory_space<vmem>>
      %dma_wait3A_183 = tpu.memref_squeeze %dma_wait3A_182 : memref<1x64x128xf32, #tpu.memory_space<vmem>> -> memref<64x128xf32, #tpu.memory_space<vmem>>
      tpu.wait_dma2 semaphore(%run_scoped3A_159 : memref<!tpu.dma_semaphore, #tpu.memory_space<semaphore_mem>>) src(%dma_wait3A_183 : memref<64x128xf32, #tpu.memory_space<vmem>>) dst(%dma_wait3A_179 : memref<64x128xf32, #tpu.memory_space<vmem_shared>>)
      tpu.yield
    }) : () -> ()
    %mul3A_46 = arith.constant 640 : i32
    %mul3A_47 = arith.muli %arg1, %mul3A_46 : i32
    %add3A_48 = arith.constant 576 : i32
    %add3A_49 = arith.addi %mul3A_47, %add3A_48 : i32
    %run_scoped3A_50 = arith.constant 0 : i32
    "tpu.region"() ({
      %run_scoped3A_159 = tpu.sem_alloc : memref<!tpu.dma_semaphore, #tpu.memory_space<semaphore_mem>>
      %dma_start3A_160 = arith.constant 0 : i32
      %dma_start3A_161 = arith.constant 0 : i32
      %dma_start3A_162 = tpu.memref_slice %arg9[%run_scoped3A_50, %dma_start3A_160, %dma_start3A_161] : memref<2x128x128xf32, #tpu.memory_space<vmem>> -> memref<1x64x128xf32, #tpu.memory_space<vmem>>
      %dma_start3A_163 = tpu.memref_squeeze %dma_start3A_162 : memref<1x64x128xf32, #tpu.memory_space<vmem>> -> memref<64x128xf32, #tpu.memory_space<vmem>>
      %dma_start3A_164 = arith.constant 0 : i32
      %dma_start3A_165 = tpu.memref_slice %arg10[%add3A_49, %dma_start3A_164] : memref<10240x128xf32, #tpu.memory_space<vmem_shared>> -> memref<64x128xf32, #tpu.memory_space<vmem_shared>>
      %dma_start3A_166 = arith.constant 0 : i32
      %dma_start3A_167 = tpu.memref_slice %arg10[%add3A_49, %dma_start3A_166] : memref<10240x128xf32, #tpu.memory_space<vmem_shared>> -> memref<64x128xf32, #tpu.memory_space<vmem_shared>>
      %dma_start3A_168 = arith.constant 0 : i32
      %dma_start3A_169 = arith.constant 0 : i32
      %dma_start3A_170 = tpu.memref_slice %arg9[%run_scoped3A_50, %dma_start3A_168, %dma_start3A_169] : memref<2x128x128xf32, #tpu.memory_space<vmem>> -> memref<1x64x128xf32, #tpu.memory_space<vmem>>
      %dma_start3A_171 = tpu.memref_squeeze %dma_start3A_170 : memref<1x64x128xf32, #tpu.memory_space<vmem>> -> memref<64x128xf32, #tpu.memory_space<vmem>>
      tpu.enqueue_dma source(%dma_start3A_171 : memref<64x128xf32, #tpu.memory_space<vmem>>) target(%dma_start3A_167 : memref<64x128xf32, #tpu.memory_space<vmem_shared>>) target_semaphore(%run_scoped3A_159 : memref<!tpu.dma_semaphore, #tpu.memory_space<semaphore_mem>>)
      %dma_wait3A_172 = arith.constant 0 : i32
      %dma_wait3A_173 = arith.constant 0 : i32
      %dma_wait3A_174 = tpu.memref_slice %arg9[%run_scoped3A_50, %dma_wait3A_172, %dma_wait3A_173] : memref<2x128x128xf32, #tpu.memory_space<vmem>> -> memref<1x64x128xf32, #tpu.memory_space<vmem>>
      %dma_wait3A_175 = tpu.memref_squeeze %dma_wait3A_174 : memref<1x64x128xf32, #tpu.memory_space<vmem>> -> memref<64x128xf32, #tpu.memory_space<vmem>>
      %dma_wait3A_176 = arith.constant 0 : i32
      %dma_wait3A_177 = tpu.memref_slice %arg10[%add3A_49, %dma_wait3A_176] : memref<10240x128xf32, #tpu.memory_space<vmem_shared>> -> memref<64x128xf32, #tpu.memory_space<vmem_shared>>
      %dma_wait3A_178 = arith.constant 0 : i32
      %dma_wait3A_179 = tpu.memref_slice %arg10[%add3A_49, %dma_wait3A_178] : memref<10240x128xf32, #tpu.memory_space<vmem_shared>> -> memref<64x128xf32, #tpu.memory_space<vmem_shared>>
      %dma_wait3A_180 = arith.constant 0 : i32
      %dma_wait3A_181 = arith.constant 0 : i32
      %dma_wait3A_182 = tpu.memref_slice %arg9[%run_scoped3A_50, %dma_wait3A_180, %dma_wait3A_181] : memref<2x128x128xf32, #tpu.memory_space<vmem>> -> memref<1x64x128xf32, #tpu.memory_space<vmem>>
      %dma_wait3A_183 = tpu.memref_squeeze %dma_wait3A_182 : memref<1x64x128xf32, #tpu.memory_space<vmem>> -> memref<64x128xf32, #tpu.memory_space<vmem>>
      tpu.wait_dma2 semaphore(%run_scoped3A_159 : memref<!tpu.dma_semaphore, #tpu.memory_space<semaphore_mem>>) src(%dma_wait3A_183 : memref<64x128xf32, #tpu.memory_space<vmem>>) dst(%dma_wait3A_179 : memref<64x128xf32, #tpu.memory_space<vmem_shared>>)
      tpu.yield
    }) : () -> ()
    %barrier3A = arith.constant 0 : index
    tpu.barrier barrier_id(%barrier3A)
    %run_scoped3A_51 = arith.constant 0 : i32
    "tpu.region"() ({
      %run_scoped3A_159 = tpu.sem_alloc : memref<!tpu.dma_semaphore, #tpu.memory_space<semaphore_mem>>
      %dma_start3A_160 = arith.constant 0 : i32
      %dma_start3A_161 = arith.constant 0 : i32
      %dma_start3A_162 = tpu.memref_slice %arg3[%add3A, %run_scoped3A_51, %dma_start3A_160, %dma_start3A_161] : memref<32x2x40x128xi32, #tpu.memory_space<hbm>> -> memref<1x1x40x128xi32, #tpu.memory_space<hbm>>
      %dma_start3A_163 = tpu.memref_squeeze %dma_start3A_162 : memref<1x1x40x128xi32, #tpu.memory_space<hbm>> -> memref<40x128xi32, #tpu.memory_space<hbm>>
      %dma_start3A_164 = arith.constant 0 : i32
      %dma_start3A_165 = arith.constant 0 : i32
      %dma_start3A_166 = tpu.memref_slice %arg3[%add3A, %run_scoped3A_51, %dma_start3A_164, %dma_start3A_165] : memref<32x2x40x128xi32, #tpu.memory_space<hbm>> -> memref<1x1x40x128xi32, #tpu.memory_space<hbm>>
      %dma_start3A_167 = tpu.memref_squeeze %dma_start3A_166 : memref<1x1x40x128xi32, #tpu.memory_space<hbm>> -> memref<40x128xi32, #tpu.memory_space<hbm>>
      tpu.enqueue_dma source(%dma_start3A_167 : memref<40x128xi32, #tpu.memory_space<hbm>>) target(%arg7 : memref<40x128xi32, #tpu.memory_space<vmem>>) target_semaphore(%run_scoped3A_159 : memref<!tpu.dma_semaphore, #tpu.memory_space<semaphore_mem>>)
      %dma_wait3A_168 = arith.constant 0 : i32
      %dma_wait3A_169 = arith.constant 0 : i32
      %dma_wait3A_170 = tpu.memref_slice %arg3[%add3A, %run_scoped3A_51, %dma_wait3A_168, %dma_wait3A_169] : memref<32x2x40x128xi32, #tpu.memory_space<hbm>> -> memref<1x1x40x128xi32, #tpu.memory_space<hbm>>
      %dma_wait3A_171 = tpu.memref_squeeze %dma_wait3A_170 : memref<1x1x40x128xi32, #tpu.memory_space<hbm>> -> memref<40x128xi32, #tpu.memory_space<hbm>>
      %dma_wait3A_172 = arith.constant 0 : i32
      %dma_wait3A_173 = arith.constant 0 : i32
      %dma_wait3A_174 = tpu.memref_slice %arg3[%add3A, %run_scoped3A_51, %dma_wait3A_172, %dma_wait3A_173] : memref<32x2x40x128xi32, #tpu.memory_space<hbm>> -> memref<1x1x40x128xi32, #tpu.memory_space<hbm>>
      %dma_wait3A_175 = tpu.memref_squeeze %dma_wait3A_174 : memref<1x1x40x128xi32, #tpu.memory_space<hbm>> -> memref<40x128xi32, #tpu.memory_space<hbm>>
      tpu.wait_dma2 semaphore(%run_scoped3A_159 : memref<!tpu.dma_semaphore, #tpu.memory_space<semaphore_mem>>) src(%dma_wait3A_175 : memref<40x128xi32, #tpu.memory_space<hbm>>) dst(%arg7 : memref<40x128xi32, #tpu.memory_space<vmem>>)
      tpu.yield
    }) : () -> ()
    %run_scoped3A_52 = arith.constant 0 : i32
    "tpu.region"() ({
      %run_scoped3A_159 = tpu.sem_alloc : memref<!tpu.dma_semaphore, #tpu.memory_space<semaphore_mem>>
      %dma_start3A_160 = arith.constant 0 : i32
      %dma_start3A_161 = arith.constant 0 : i32
      %dma_start3A_162 = tpu.memref_slice %arg4[%add3A, %run_scoped3A_52, %dma_start3A_160, %dma_start3A_161] : memref<32x2x40x128xi32, #tpu.memory_space<hbm>> -> memref<1x1x40x128xi32, #tpu.memory_space<hbm>>
      %dma_start3A_163 = tpu.memref_squeeze %dma_start3A_162 : memref<1x1x40x128xi32, #tpu.memory_space<hbm>> -> memref<40x128xi32, #tpu.memory_space<hbm>>
      %dma_start3A_164 = arith.constant 0 : i32
      %dma_start3A_165 = arith.constant 0 : i32
      %dma_start3A_166 = tpu.memref_slice %arg4[%add3A, %run_scoped3A_52, %dma_start3A_164, %dma_start3A_165] : memref<32x2x40x128xi32, #tpu.memory_space<hbm>> -> memref<1x1x40x128xi32, #tpu.memory_space<hbm>>
      %dma_start3A_167 = tpu.memref_squeeze %dma_start3A_166 : memref<1x1x40x128xi32, #tpu.memory_space<hbm>> -> memref<40x128xi32, #tpu.memory_space<hbm>>
      tpu.enqueue_dma source(%dma_start3A_167 : memref<40x128xi32, #tpu.memory_space<hbm>>) target(%arg8 : memref<40x128xi32, #tpu.memory_space<vmem>>) target_semaphore(%run_scoped3A_159 : memref<!tpu.dma_semaphore, #tpu.memory_space<semaphore_mem>>)
      %dma_wait3A_168 = arith.constant 0 : i32
      %dma_wait3A_169 = arith.constant 0 : i32
      %dma_wait3A_170 = tpu.memref_slice %arg4[%add3A, %run_scoped3A_52, %dma_wait3A_168, %dma_wait3A_169] : memref<32x2x40x128xi32, #tpu.memory_space<hbm>> -> memref<1x1x40x128xi32, #tpu.memory_space<hbm>>
      %dma_wait3A_171 = tpu.memref_squeeze %dma_wait3A_170 : memref<1x1x40x128xi32, #tpu.memory_space<hbm>> -> memref<40x128xi32, #tpu.memory_space<hbm>>
      %dma_wait3A_172 = arith.constant 0 : i32
      %dma_wait3A_173 = arith.constant 0 : i32
      %dma_wait3A_174 = tpu.memref_slice %arg4[%add3A, %run_scoped3A_52, %dma_wait3A_172, %dma_wait3A_173] : memref<32x2x40x128xi32, #tpu.memory_space<hbm>> -> memref<1x1x40x128xi32, #tpu.memory_space<hbm>>
      %dma_wait3A_175 = tpu.memref_squeeze %dma_wait3A_174 : memref<1x1x40x128xi32, #tpu.memory_space<hbm>> -> memref<40x128xi32, #tpu.memory_space<hbm>>
      tpu.wait_dma2 semaphore(%run_scoped3A_159 : memref<!tpu.dma_semaphore, #tpu.memory_space<semaphore_mem>>) src(%dma_wait3A_175 : memref<40x128xi32, #tpu.memory_space<hbm>>) dst(%arg8 : memref<40x128xi32, #tpu.memory_space<vmem>>)
      tpu.yield
    }) : () -> ()
    %dma_start3A = arith.constant 0 : i32
    %dma_start3A_53 = arith.constant 0 : i32
    %dma_start3A_54 = arith.constant 0 : i32
    %dma_start3A_55 = arith.constant 0 : i32
    %dma_start3A_56 = arith.constant 0 : i32
    %dma_start3A_57 = tpu.memref_slice %arg9[%dma_start3A_53, %dma_start3A_55, %dma_start3A_56] : memref<2x128x128xf32, #tpu.memory_space<vmem>> -> memref<1x64x128xf32, #tpu.memory_space<vmem>>
    %dma_start3A_58 = tpu.memref_squeeze %dma_start3A_57 : memref<1x64x128xf32, #tpu.memory_space<vmem>> -> memref<64x128xf32, #tpu.memory_space<vmem>>
    %dma_start3A_59 = arith.constant 0 : i32
    %dma_start3A_60 = tpu.memref_slice %arg7[%dma_start3A, %dma_start3A_59] : memref<40x128xi32, #tpu.memory_space<vmem>> -> memref<1x64xi32, #tpu.memory_space<vmem>>
    %dma_start3A_61 = tpu.memref_squeeze %dma_start3A_60 : memref<1x64xi32, #tpu.memory_space<vmem>> -> memref<64xi32, #tpu.memory_space<vmem>>
    %dma_start3A_62 = arith.constant 0 : i32
    %dma_start3A_63 = arith.constant 0 : i32
    %dma_start3A_64 = tpu.memref_slice %arg2[%dma_start3A_62, %dma_start3A_63] : memref<10240x128xf32, #tpu.memory_space<hbm>> -> memref<10240x128xf32, #tpu.memory_space<hbm>>
    %dma_start3A_65 = tpu.memref_slice %arg11[%dma_start3A_54] : memref<2x!tpu.dma_semaphore, #tpu.memory_space<semaphore_mem>> -> memref<1x!tpu.dma_semaphore, #tpu.memory_space<semaphore_mem>>
    %dma_start3A_66 = tpu.memref_squeeze %dma_start3A_65 : memref<1x!tpu.dma_semaphore, #tpu.memory_space<semaphore_mem>> -> memref<!tpu.dma_semaphore, #tpu.memory_space<semaphore_mem>>
    tpu.enqueue_indirect_dma source(%dma_start3A_64 : memref<10240x128xf32, #tpu.memory_space<hbm>>) target(%dma_start3A_58 : memref<64x128xf32, #tpu.memory_space<vmem>>) offsets(%dma_start3A_61 : memref<64xi32, #tpu.memory_space<vmem>>) semaphore(%dma_start3A_66 : memref<!tpu.dma_semaphore, #tpu.memory_space<semaphore_mem>>)
    %dma_start3A_67 = arith.constant 0 : i32
    %dma_start3A_68 = arith.constant 0 : i32
    %dma_start3A_69 = arith.constant 0 : i32
    %dma_start3A_70 = arith.constant 64 : i32
    %dma_start3A_71 = arith.constant 0 : i32
    %dma_start3A_72 = tpu.memref_slice %arg9[%dma_start3A_68, %dma_start3A_70, %dma_start3A_71] : memref<2x128x128xf32, #tpu.memory_space<vmem>> -> memref<1x64x128xf32, #tpu.memory_space<vmem>>
    %dma_start3A_73 = tpu.memref_squeeze %dma_start3A_72 : memref<1x64x128xf32, #tpu.memory_space<vmem>> -> memref<64x128xf32, #tpu.memory_space<vmem>>
    %dma_start3A_74 = arith.constant 64 : i32
    %dma_start3A_75 = tpu.memref_slice %arg7[%dma_start3A_67, %dma_start3A_74] : memref<40x128xi32, #tpu.memory_space<vmem>> -> memref<1x64xi32, #tpu.memory_space<vmem>>
    %dma_start3A_76 = tpu.memref_squeeze %dma_start3A_75 : memref<1x64xi32, #tpu.memory_space<vmem>> -> memref<64xi32, #tpu.memory_space<vmem>>
    %dma_start3A_77 = arith.constant 0 : i32
    %dma_start3A_78 = arith.constant 0 : i32
    %dma_start3A_79 = tpu.memref_slice %arg2[%dma_start3A_77, %dma_start3A_78] : memref<10240x128xf32, #tpu.memory_space<hbm>> -> memref<10240x128xf32, #tpu.memory_space<hbm>>
    %dma_start3A_80 = tpu.memref_slice %arg11[%dma_start3A_69] : memref<2x!tpu.dma_semaphore, #tpu.memory_space<semaphore_mem>> -> memref<1x!tpu.dma_semaphore, #tpu.memory_space<semaphore_mem>>
    %dma_start3A_81 = tpu.memref_squeeze %dma_start3A_80 : memref<1x!tpu.dma_semaphore, #tpu.memory_space<semaphore_mem>> -> memref<!tpu.dma_semaphore, #tpu.memory_space<semaphore_mem>>
    tpu.enqueue_indirect_dma source(%dma_start3A_79 : memref<10240x128xf32, #tpu.memory_space<hbm>>) target(%dma_start3A_73 : memref<64x128xf32, #tpu.memory_space<vmem>>) offsets(%dma_start3A_76 : memref<64xi32, #tpu.memory_space<vmem>>) semaphore(%dma_start3A_81 : memref<!tpu.dma_semaphore, #tpu.memory_space<semaphore_mem>>)
    %scan3A = arith.constant 0 : i32
    %scan3A_82 = arith.constant 0 : i32
    %scan3A_83 = arith.constant 20 : i32
    %scan3A_84 = arith.addi %scan3A_82, %scan3A_83 : i32
    %scan3A_85 = arith.constant 1 : i32
    scf.for %scan3A_159 = %scan3A_82 to %scan3A_84 step %scan3A_85  : i32 {
      %mul3A_160 = arith.constant 2 : i32
      %mul3A_161 = arith.muli %mul3A_160, %scan3A_159 : i32
      %add3A_162 = arith.constant 1 : i32
      %add3A_163 = arith.addi %mul3A_161, %add3A_162 : i32
      %dma_start3A_164 = arith.constant 1 : i32
      %dma_start3A_165 = arith.constant 1 : i32
      %dma_start3A_166 = arith.constant 0 : i32
      %dma_start3A_167 = arith.constant 0 : i32
      %dma_start3A_168 = tpu.memref_slice %arg9[%dma_start3A_164, %dma_start3A_166, %dma_start3A_167] : memref<2x128x128xf32, #tpu.memory_space<vmem>> -> memref<1x64x128xf32, #tpu.memory_space<vmem>>
      %dma_start3A_169 = tpu.memref_squeeze %dma_start3A_168 : memref<1x64x128xf32, #tpu.memory_space<vmem>> -> memref<64x128xf32, #tpu.memory_space<vmem>>
      %dma_start3A_170 = arith.constant 0 : i32
      %dma_start3A_171 = tpu.memref_slice %arg7[%add3A_163, %dma_start3A_170] : memref<40x128xi32, #tpu.memory_space<vmem>> -> memref<1x64xi32, #tpu.memory_space<vmem>>
      %dma_start3A_172 = tpu.memref_squeeze %dma_start3A_171 : memref<1x64xi32, #tpu.memory_space<vmem>> -> memref<64xi32, #tpu.memory_space<vmem>>
      %dma_start3A_173 = arith.constant 0 : i32
      %dma_start3A_174 = arith.constant 0 : i32
      %dma_start3A_175 = tpu.memref_slice %arg2[%dma_start3A_173, %dma_start3A_174] : memref<10240x128xf32, #tpu.memory_space<hbm>> -> memref<10240x128xf32, #tpu.memory_space<hbm>>
      %dma_start3A_176 = tpu.memref_slice %arg11[%dma_start3A_165] : memref<2x!tpu.dma_semaphore, #tpu.memory_space<semaphore_mem>> -> memref<1x!tpu.dma_semaphore, #tpu.memory_space<semaphore_mem>>
      %dma_start3A_177 = tpu.memref_squeeze %dma_start3A_176 : memref<1x!tpu.dma_semaphore, #tpu.memory_space<semaphore_mem>> -> memref<!tpu.dma_semaphore, #tpu.memory_space<semaphore_mem>>
      tpu.enqueue_indirect_dma source(%dma_start3A_175 : memref<10240x128xf32, #tpu.memory_space<hbm>>) target(%dma_start3A_169 : memref<64x128xf32, #tpu.memory_space<vmem>>) offsets(%dma_start3A_172 : memref<64xi32, #tpu.memory_space<vmem>>) semaphore(%dma_start3A_177 : memref<!tpu.dma_semaphore, #tpu.memory_space<semaphore_mem>>)
      %dma_start3A_178 = arith.constant 1 : i32
      %dma_start3A_179 = arith.constant 1 : i32
      %dma_start3A_180 = arith.constant 64 : i32
      %dma_start3A_181 = arith.constant 0 : i32
      %dma_start3A_182 = tpu.memref_slice %arg9[%dma_start3A_178, %dma_start3A_180, %dma_start3A_181] : memref<2x128x128xf32, #tpu.memory_space<vmem>> -> memref<1x64x128xf32, #tpu.memory_space<vmem>>
      %dma_start3A_183 = tpu.memref_squeeze %dma_start3A_182 : memref<1x64x128xf32, #tpu.memory_space<vmem>> -> memref<64x128xf32, #tpu.memory_space<vmem>>
      %dma_start3A_184 = arith.constant 64 : i32
      %dma_start3A_185 = tpu.memref_slice %arg7[%add3A_163, %dma_start3A_184] : memref<40x128xi32, #tpu.memory_space<vmem>> -> memref<1x64xi32, #tpu.memory_space<vmem>>
      %dma_start3A_186 = tpu.memref_squeeze %dma_start3A_185 : memref<1x64xi32, #tpu.memory_space<vmem>> -> memref<64xi32, #tpu.memory_space<vmem>>
      %dma_start3A_187 = arith.constant 0 : i32
      %dma_start3A_188 = arith.constant 0 : i32
      %dma_start3A_189 = tpu.memref_slice %arg2[%dma_start3A_187, %dma_start3A_188] : memref<10240x128xf32, #tpu.memory_space<hbm>> -> memref<10240x128xf32, #tpu.memory_space<hbm>>
      %dma_start3A_190 = tpu.memref_slice %arg11[%dma_start3A_179] : memref<2x!tpu.dma_semaphore, #tpu.memory_space<semaphore_mem>> -> memref<1x!tpu.dma_semaphore, #tpu.memory_space<semaphore_mem>>
      %dma_start3A_191 = tpu.memref_squeeze %dma_start3A_190 : memref<1x!tpu.dma_semaphore, #tpu.memory_space<semaphore_mem>> -> memref<!tpu.dma_semaphore, #tpu.memory_space<semaphore_mem>>
      tpu.enqueue_indirect_dma source(%dma_start3A_189 : memref<10240x128xf32, #tpu.memory_space<hbm>>) target(%dma_start3A_183 : memref<64x128xf32, #tpu.memory_space<vmem>>) offsets(%dma_start3A_186 : memref<64xi32, #tpu.memory_space<vmem>>) semaphore(%dma_start3A_191 : memref<!tpu.dma_semaphore, #tpu.memory_space<semaphore_mem>>)
      %dma_wait3A_192 = arith.constant 0 : i32
      %dma_wait3A_193 = arith.constant 0 : i32
      %dma_wait3A_194 = arith.constant 0 : i32
      %dma_wait3A_195 = arith.constant 0 : i32
      %dma_wait3A_196 = tpu.memref_slice %arg9[%dma_wait3A_192, %dma_wait3A_194, %dma_wait3A_195] : memref<2x128x128xf32, #tpu.memory_space<vmem>> -> memref<1x128x128xf32, #tpu.memory_space<vmem>>
      %dma_wait3A_197 = tpu.memref_squeeze %dma_wait3A_196 : memref<1x128x128xf32, #tpu.memory_space<vmem>> -> memref<128x128xf32, #tpu.memory_space<vmem>>
      %dma_wait3A_198 = arith.constant 0 : i32
      %dma_wait3A_199 = tpu.memref_slice %arg7[%mul3A_161, %dma_wait3A_198] : memref<40x128xi32, #tpu.memory_space<vmem>> -> memref<1x128xi32, #tpu.memory_space<vmem>>
      %dma_wait3A_200 = tpu.memref_squeeze %dma_wait3A_199 : memref<1x128xi32, #tpu.memory_space<vmem>> -> memref<128xi32, #tpu.memory_space<vmem>>
      %dma_wait3A_201 = arith.constant 0 : i32
      %dma_wait3A_202 = arith.constant 0 : i32
      %dma_wait3A_203 = tpu.memref_slice %arg2[%dma_wait3A_201, %dma_wait3A_202] : memref<10240x128xf32, #tpu.memory_space<hbm>> -> memref<10240x128xf32, #tpu.memory_space<hbm>>
      %dma_wait3A_204 = tpu.memref_slice %arg11[%dma_wait3A_193] : memref<2x!tpu.dma_semaphore, #tpu.memory_space<semaphore_mem>> -> memref<1x!tpu.dma_semaphore, #tpu.memory_space<semaphore_mem>>
      %dma_wait3A_205 = tpu.memref_squeeze %dma_wait3A_204 : memref<1x!tpu.dma_semaphore, #tpu.memory_space<semaphore_mem>> -> memref<!tpu.dma_semaphore, #tpu.memory_space<semaphore_mem>>
      tpu.wait_indirect_dma semaphore(%dma_wait3A_205 : memref<!tpu.dma_semaphore, #tpu.memory_space<semaphore_mem>>) src(%dma_wait3A_203 : memref<10240x128xf32, #tpu.memory_space<hbm>>) dst(%dma_wait3A_197 : memref<128x128xf32, #tpu.memory_space<vmem>>)
      %run_scoped3A_206 = arith.constant 0 : i32
      "tpu.region"() ({
        %run_scoped3A_257 = tpu.sem_alloc : memref<!tpu.dma_semaphore, #tpu.memory_space<semaphore_mem>>
        %dma_start3A_258 = arith.constant 0 : i32
        %dma_start3A_259 = arith.constant 0 : i32
        %dma_start3A_260 = tpu.memref_slice %arg9[%run_scoped3A_206, %dma_start3A_258, %dma_start3A_259] : memref<2x128x128xf32, #tpu.memory_space<vmem>> -> memref<1x128x128xf32, #tpu.memory_space<vmem>>
        %dma_start3A_261 = tpu.memref_squeeze %dma_start3A_260 : memref<1x128x128xf32, #tpu.memory_space<vmem>> -> memref<128x128xf32, #tpu.memory_space<vmem>>
        %dma_start3A_262 = arith.constant 0 : i32
        %dma_start3A_263 = tpu.memref_slice %arg8[%mul3A_161, %dma_start3A_262] : memref<40x128xi32, #tpu.memory_space<vmem>> -> memref<1x128xi32, #tpu.memory_space<vmem>>
        %dma_start3A_264 = tpu.memref_squeeze %dma_start3A_263 : memref<1x128xi32, #tpu.memory_space<vmem>> -> memref<128xi32, #tpu.memory_space<vmem>>
        %dma_start3A_265 = arith.constant 0 : i32
        %dma_start3A_266 = arith.constant 0 : i32
        %dma_start3A_267 = tpu.memref_slice %arg10[%dma_start3A_265, %dma_start3A_266] : memref<10240x128xf32, #tpu.memory_space<vmem_shared>> -> memref<10240x128xf32, #tpu.memory_space<vmem_shared>>
        tpu.enqueue_indirect_dma source(%dma_start3A_261 : memref<128x128xf32, #tpu.memory_space<vmem>>) target(%dma_start3A_267 : memref<10240x128xf32, #tpu.memory_space<vmem_shared>>) offsets(%dma_start3A_264 : memref<128xi32, #tpu.memory_space<vmem>>) semaphore(%run_scoped3A_257 : memref<!tpu.dma_semaphore, #tpu.memory_space<semaphore_mem>>) {add = true}
        %dma_wait3A_268 = arith.constant 0 : i32
        %dma_wait3A_269 = arith.constant 0 : i32
        %dma_wait3A_270 = tpu.memref_slice %arg9[%run_scoped3A_206, %dma_wait3A_268, %dma_wait3A_269] : memref<2x128x128xf32, #tpu.memory_space<vmem>> -> memref<1x128x128xf32, #tpu.memory_space<vmem>>
        %dma_wait3A_271 = tpu.memref_squeeze %dma_wait3A_270 : memref<1x128x128xf32, #tpu.memory_space<vmem>> -> memref<128x128xf32, #tpu.memory_space<vmem>>
        %dma_wait3A_272 = arith.constant 0 : i32
        %dma_wait3A_273 = tpu.memref_slice %arg8[%mul3A_161, %dma_wait3A_272] : memref<40x128xi32, #tpu.memory_space<vmem>> -> memref<1x128xi32, #tpu.memory_space<vmem>>
        %dma_wait3A_274 = tpu.memref_squeeze %dma_wait3A_273 : memref<1x128xi32, #tpu.memory_space<vmem>> -> memref<128xi32, #tpu.memory_space<vmem>>
        %dma_wait3A_275 = arith.constant 0 : i32
        %dma_wait3A_276 = arith.constant 0 : i32
        %dma_wait3A_277 = tpu.memref_slice %arg10[%dma_wait3A_275, %dma_wait3A_276] : memref<10240x128xf32, #tpu.memory_space<vmem_shared>> -> memref<10240x128xf32, #tpu.memory_space<vmem_shared>>
        tpu.wait_indirect_dma semaphore(%run_scoped3A_257 : memref<!tpu.dma_semaphore, #tpu.memory_space<semaphore_mem>>) src(%dma_wait3A_271 : memref<128x128xf32, #tpu.memory_space<vmem>>) dst(%dma_wait3A_277 : memref<10240x128xf32, #tpu.memory_space<vmem_shared>>)
        tpu.yield
      }) : () -> ()
      %add3A_207 = arith.constant 2 : i32
      %add3A_208 = arith.addi %mul3A_161, %add3A_207 : i32
      %min3A = arith.constant 39 : i32
      %min3A_209 = arith.minsi %add3A_208, %min3A : i32
      %dma_start3A_210 = arith.constant 0 : i32
      %dma_start3A_211 = arith.constant 0 : i32
      %dma_start3A_212 = arith.constant 0 : i32
      %dma_start3A_213 = arith.constant 0 : i32
      %dma_start3A_214 = tpu.memref_slice %arg9[%dma_start3A_210, %dma_start3A_212, %dma_start3A_213] : memref<2x128x128xf32, #tpu.memory_space<vmem>> -> memref<1x64x128xf32, #tpu.memory_space<vmem>>
      %dma_start3A_215 = tpu.memref_squeeze %dma_start3A_214 : memref<1x64x128xf32, #tpu.memory_space<vmem>> -> memref<64x128xf32, #tpu.memory_space<vmem>>
      %dma_start3A_216 = arith.constant 0 : i32
      %dma_start3A_217 = tpu.memref_slice %arg7[%min3A_209, %dma_start3A_216] : memref<40x128xi32, #tpu.memory_space<vmem>> -> memref<1x64xi32, #tpu.memory_space<vmem>>
      %dma_start3A_218 = tpu.memref_squeeze %dma_start3A_217 : memref<1x64xi32, #tpu.memory_space<vmem>> -> memref<64xi32, #tpu.memory_space<vmem>>
      %dma_start3A_219 = arith.constant 0 : i32
      %dma_start3A_220 = arith.constant 0 : i32
      %dma_start3A_221 = tpu.memref_slice %arg2[%dma_start3A_219, %dma_start3A_220] : memref<10240x128xf32, #tpu.memory_space<hbm>> -> memref<10240x128xf32, #tpu.memory_space<hbm>>
      %dma_start3A_222 = tpu.memref_slice %arg11[%dma_start3A_211] : memref<2x!tpu.dma_semaphore, #tpu.memory_space<semaphore_mem>> -> memref<1x!tpu.dma_semaphore, #tpu.memory_space<semaphore_mem>>
      %dma_start3A_223 = tpu.memref_squeeze %dma_start3A_222 : memref<1x!tpu.dma_semaphore, #tpu.memory_space<semaphore_mem>> -> memref<!tpu.dma_semaphore, #tpu.memory_space<semaphore_mem>>
      tpu.enqueue_indirect_dma source(%dma_start3A_221 : memref<10240x128xf32, #tpu.memory_space<hbm>>) target(%dma_start3A_215 : memref<64x128xf32, #tpu.memory_space<vmem>>) offsets(%dma_start3A_218 : memref<64xi32, #tpu.memory_space<vmem>>) semaphore(%dma_start3A_223 : memref<!tpu.dma_semaphore, #tpu.memory_space<semaphore_mem>>)
      %dma_start3A_224 = arith.constant 0 : i32
      %dma_start3A_225 = arith.constant 0 : i32
      %dma_start3A_226 = arith.constant 64 : i32
      %dma_start3A_227 = arith.constant 0 : i32
      %dma_start3A_228 = tpu.memref_slice %arg9[%dma_start3A_224, %dma_start3A_226, %dma_start3A_227] : memref<2x128x128xf32, #tpu.memory_space<vmem>> -> memref<1x64x128xf32, #tpu.memory_space<vmem>>
      %dma_start3A_229 = tpu.memref_squeeze %dma_start3A_228 : memref<1x64x128xf32, #tpu.memory_space<vmem>> -> memref<64x128xf32, #tpu.memory_space<vmem>>
      %dma_start3A_230 = arith.constant 64 : i32
      %dma_start3A_231 = tpu.memref_slice %arg7[%min3A_209, %dma_start3A_230] : memref<40x128xi32, #tpu.memory_space<vmem>> -> memref<1x64xi32, #tpu.memory_space<vmem>>
      %dma_start3A_232 = tpu.memref_squeeze %dma_start3A_231 : memref<1x64xi32, #tpu.memory_space<vmem>> -> memref<64xi32, #tpu.memory_space<vmem>>
      %dma_start3A_233 = arith.constant 0 : i32
      %dma_start3A_234 = arith.constant 0 : i32
      %dma_start3A_235 = tpu.memref_slice %arg2[%dma_start3A_233, %dma_start3A_234] : memref<10240x128xf32, #tpu.memory_space<hbm>> -> memref<10240x128xf32, #tpu.memory_space<hbm>>
      %dma_start3A_236 = tpu.memref_slice %arg11[%dma_start3A_225] : memref<2x!tpu.dma_semaphore, #tpu.memory_space<semaphore_mem>> -> memref<1x!tpu.dma_semaphore, #tpu.memory_space<semaphore_mem>>
      %dma_start3A_237 = tpu.memref_squeeze %dma_start3A_236 : memref<1x!tpu.dma_semaphore, #tpu.memory_space<semaphore_mem>> -> memref<!tpu.dma_semaphore, #tpu.memory_space<semaphore_mem>>
      tpu.enqueue_indirect_dma source(%dma_start3A_235 : memref<10240x128xf32, #tpu.memory_space<hbm>>) target(%dma_start3A_229 : memref<64x128xf32, #tpu.memory_space<vmem>>) offsets(%dma_start3A_232 : memref<64xi32, #tpu.memory_space<vmem>>) semaphore(%dma_start3A_237 : memref<!tpu.dma_semaphore, #tpu.memory_space<semaphore_mem>>)
      %add3A_238 = arith.constant 1 : i32
      %add3A_239 = arith.addi %mul3A_161, %add3A_238 : i32
      %dma_wait3A_240 = arith.constant 1 : i32
      %dma_wait3A_241 = arith.constant 1 : i32
      %dma_wait3A_242 = arith.constant 0 : i32
      %dma_wait3A_243 = arith.constant 0 : i32
      %dma_wait3A_244 = tpu.memref_slice %arg9[%dma_wait3A_240, %dma_wait3A_242, %dma_wait3A_243] : memref<2x128x128xf32, #tpu.memory_space<vmem>> -> memref<1x128x128xf32, #tpu.memory_space<vmem>>
      %dma_wait3A_245 = tpu.memref_squeeze %dma_wait3A_244 : memref<1x128x128xf32, #tpu.memory_space<vmem>> -> memref<128x128xf32, #tpu.memory_space<vmem>>
      %dma_wait3A_246 = arith.constant 0 : i32
      %dma_wait3A_247 = tpu.memref_slice %arg7[%add3A_239, %dma_wait3A_246] : memref<40x128xi32, #tpu.memory_space<vmem>> -> memref<1x128xi32, #tpu.memory_space<vmem>>
      %dma_wait3A_248 = tpu.memref_squeeze %dma_wait3A_247 : memref<1x128xi32, #tpu.memory_space<vmem>> -> memref<128xi32, #tpu.memory_space<vmem>>
      %dma_wait3A_249 = arith.constant 0 : i32
      %dma_wait3A_250 = arith.constant 0 : i32
      %dma_wait3A_251 = tpu.memref_slice %arg2[%dma_wait3A_249, %dma_wait3A_250] : memref<10240x128xf32, #tpu.memory_space<hbm>> -> memref<10240x128xf32, #tpu.memory_space<hbm>>
      %dma_wait3A_252 = tpu.memref_slice %arg11[%dma_wait3A_241] : memref<2x!tpu.dma_semaphore, #tpu.memory_space<semaphore_mem>> -> memref<1x!tpu.dma_semaphore, #tpu.memory_space<semaphore_mem>>
      %dma_wait3A_253 = tpu.memref_squeeze %dma_wait3A_252 : memref<1x!tpu.dma_semaphore, #tpu.memory_space<semaphore_mem>> -> memref<!tpu.dma_semaphore, #tpu.memory_space<semaphore_mem>>
      tpu.wait_indirect_dma semaphore(%dma_wait3A_253 : memref<!tpu.dma_semaphore, #tpu.memory_space<semaphore_mem>>) src(%dma_wait3A_251 : memref<10240x128xf32, #tpu.memory_space<hbm>>) dst(%dma_wait3A_245 : memref<128x128xf32, #tpu.memory_space<vmem>>)
      %add3A_254 = arith.constant 1 : i32
      %add3A_255 = arith.addi %mul3A_161, %add3A_254 : i32
      %run_scoped3A_256 = arith.constant 1 : i32
      "tpu.region"() ({
        %run_scoped3A_257 = tpu.sem_alloc : memref<!tpu.dma_semaphore, #tpu.memory_space<semaphore_mem>>
        %dma_start3A_258 = arith.constant 0 : i32
        %dma_start3A_259 = arith.constant 0 : i32
        %dma_start3A_260 = tpu.memref_slice %arg9[%run_scoped3A_256, %dma_start3A_258, %dma_start3A_259] : memref<2x128x128xf32, #tpu.memory_space<vmem>> -> memref<1x128x128xf32, #tpu.memory_space<vmem>>
        %dma_start3A_261 = tpu.memref_squeeze %dma_start3A_260 : memref<1x128x128xf32, #tpu.memory_space<vmem>> -> memref<128x128xf32, #tpu.memory_space<vmem>>
        %dma_start3A_262 = arith.constant 0 : i32
        %dma_start3A_263 = tpu.memref_slice %arg8[%add3A_255, %dma_start3A_262] : memref<40x128xi32, #tpu.memory_space<vmem>> -> memref<1x128xi32, #tpu.memory_space<vmem>>
        %dma_start3A_264 = tpu.memref_squeeze %dma_start3A_263 : memref<1x128xi32, #tpu.memory_space<vmem>> -> memref<128xi32, #tpu.memory_space<vmem>>
        %dma_start3A_265 = arith.constant 0 : i32
        %dma_start3A_266 = arith.constant 0 : i32
        %dma_start3A_267 = tpu.memref_slice %arg10[%dma_start3A_265, %dma_start3A_266] : memref<10240x128xf32, #tpu.memory_space<vmem_shared>> -> memref<10240x128xf32, #tpu.memory_space<vmem_shared>>
        tpu.enqueue_indirect_dma source(%dma_start3A_261 : memref<128x128xf32, #tpu.memory_space<vmem>>) target(%dma_start3A_267 : memref<10240x128xf32, #tpu.memory_space<vmem_shared>>) offsets(%dma_start3A_264 : memref<128xi32, #tpu.memory_space<vmem>>) semaphore(%run_scoped3A_257 : memref<!tpu.dma_semaphore, #tpu.memory_space<semaphore_mem>>) {add = true}
        %dma_wait3A_268 = arith.constant 0 : i32
        %dma_wait3A_269 = arith.constant 0 : i32
        %dma_wait3A_270 = tpu.memref_slice %arg9[%run_scoped3A_256, %dma_wait3A_268, %dma_wait3A_269] : memref<2x128x128xf32, #tpu.memory_space<vmem>> -> memref<1x128x128xf32, #tpu.memory_space<vmem>>
        %dma_wait3A_271 = tpu.memref_squeeze %dma_wait3A_270 : memref<1x128x128xf32, #tpu.memory_space<vmem>> -> memref<128x128xf32, #tpu.memory_space<vmem>>
        %dma_wait3A_272 = arith.constant 0 : i32
        %dma_wait3A_273 = tpu.memref_slice %arg8[%add3A_255, %dma_wait3A_272] : memref<40x128xi32, #tpu.memory_space<vmem>> -> memref<1x128xi32, #tpu.memory_space<vmem>>
        %dma_wait3A_274 = tpu.memref_squeeze %dma_wait3A_273 : memref<1x128xi32, #tpu.memory_space<vmem>> -> memref<128xi32, #tpu.memory_space<vmem>>
        %dma_wait3A_275 = arith.constant 0 : i32
        %dma_wait3A_276 = arith.constant 0 : i32
        %dma_wait3A_277 = tpu.memref_slice %arg10[%dma_wait3A_275, %dma_wait3A_276] : memref<10240x128xf32, #tpu.memory_space<vmem_shared>> -> memref<10240x128xf32, #tpu.memory_space<vmem_shared>>
        tpu.wait_indirect_dma semaphore(%run_scoped3A_257 : memref<!tpu.dma_semaphore, #tpu.memory_space<semaphore_mem>>) src(%dma_wait3A_271 : memref<128x128xf32, #tpu.memory_space<vmem>>) dst(%dma_wait3A_277 : memref<10240x128xf32, #tpu.memory_space<vmem_shared>>)
        tpu.yield
      }) : () -> ()
    }
    %scan3A_86 = arith.constant 20 : i32
    %dma_wait3A = arith.constant 39 : i32
    %dma_wait3A_87 = arith.constant 0 : i32
    %dma_wait3A_88 = arith.constant 0 : i32
    %dma_wait3A_89 = arith.constant 0 : i32
    %dma_wait3A_90 = arith.constant 0 : i32
    %dma_wait3A_91 = tpu.memref_slice %arg9[%dma_wait3A_87, %dma_wait3A_89, %dma_wait3A_90] : memref<2x128x128xf32, #tpu.memory_space<vmem>> -> memref<1x128x128xf32, #tpu.memory_space<vmem>>
    %dma_wait3A_92 = tpu.memref_squeeze %dma_wait3A_91 : memref<1x128x128xf32, #tpu.memory_space<vmem>> -> memref<128x128xf32, #tpu.memory_space<vmem>>
    %dma_wait3A_93 = arith.constant 0 : i32
    %dma_wait3A_94 = tpu.memref_slice %arg7[%dma_wait3A, %dma_wait3A_93] : memref<40x128xi32, #tpu.memory_space<vmem>> -> memref<1x128xi32, #tpu.memory_space<vmem>>
    %dma_wait3A_95 = tpu.memref_squeeze %dma_wait3A_94 : memref<1x128xi32, #tpu.memory_space<vmem>> -> memref<128xi32, #tpu.memory_space<vmem>>
    %dma_wait3A_96 = arith.constant 0 : i32
    %dma_wait3A_97 = arith.constant 0 : i32
    %dma_wait3A_98 = tpu.memref_slice %arg2[%dma_wait3A_96, %dma_wait3A_97] : memref<10240x128xf32, #tpu.memory_space<hbm>> -> memref<10240x128xf32, #tpu.memory_space<hbm>>
    %dma_wait3A_99 = tpu.memref_slice %arg11[%dma_wait3A_88] : memref<2x!tpu.dma_semaphore, #tpu.memory_space<semaphore_mem>> -> memref<1x!tpu.dma_semaphore, #tpu.memory_space<semaphore_mem>>
    %dma_wait3A_100 = tpu.memref_squeeze %dma_wait3A_99 : memref<1x!tpu.dma_semaphore, #tpu.memory_space<semaphore_mem>> -> memref<!tpu.dma_semaphore, #tpu.memory_space<semaphore_mem>>
    tpu.wait_indirect_dma semaphore(%dma_wait3A_100 : memref<!tpu.dma_semaphore, #tpu.memory_space<semaphore_mem>>) src(%dma_wait3A_98 : memref<10240x128xf32, #tpu.memory_space<hbm>>) dst(%dma_wait3A_92 : memref<128x128xf32, #tpu.memory_space<vmem>>)
    %run_scoped3A_101 = arith.constant 1 : i32
    "tpu.region"() ({
      %run_scoped3A_159 = tpu.sem_alloc : memref<!tpu.dma_semaphore, #tpu.memory_space<semaphore_mem>>
      %dma_start3A_160 = arith.constant 0 : i32
      %dma_start3A_161 = arith.constant 0 : i32
      %dma_start3A_162 = tpu.memref_slice %arg3[%add3A, %run_scoped3A_101, %dma_start3A_160, %dma_start3A_161] : memref<32x2x40x128xi32, #tpu.memory_space<hbm>> -> memref<1x1x40x128xi32, #tpu.memory_space<hbm>>
      %dma_start3A_163 = tpu.memref_squeeze %dma_start3A_162 : memref<1x1x40x128xi32, #tpu.memory_space<hbm>> -> memref<40x128xi32, #tpu.memory_space<hbm>>
      %dma_start3A_164 = arith.constant 0 : i32
      %dma_start3A_165 = arith.constant 0 : i32
      %dma_start3A_166 = tpu.memref_slice %arg3[%add3A, %run_scoped3A_101, %dma_start3A_164, %dma_start3A_165] : memref<32x2x40x128xi32, #tpu.memory_space<hbm>> -> memref<1x1x40x128xi32, #tpu.memory_space<hbm>>
      %dma_start3A_167 = tpu.memref_squeeze %dma_start3A_166 : memref<1x1x40x128xi32, #tpu.memory_space<hbm>> -> memref<40x128xi32, #tpu.memory_space<hbm>>
      tpu.enqueue_dma source(%dma_start3A_167 : memref<40x128xi32, #tpu.memory_space<hbm>>) target(%arg7 : memref<40x128xi32, #tpu.memory_space<vmem>>) target_semaphore(%run_scoped3A_159 : memref<!tpu.dma_semaphore, #tpu.memory_space<semaphore_mem>>)
      %dma_wait3A_168 = arith.constant 0 : i32
      %dma_wait3A_169 = arith.constant 0 : i32
      %dma_wait3A_170 = tpu.memref_slice %arg3[%add3A, %run_scoped3A_101, %dma_wait3A_168, %dma_wait3A_169] : memref<32x2x40x128xi32, #tpu.memory_space<hbm>> -> memref<1x1x40x128xi32, #tpu.memory_space<hbm>>
      %dma_wait3A_171 = tpu.memref_squeeze %dma_wait3A_170 : memref<1x1x40x128xi32, #tpu.memory_space<hbm>> -> memref<40x128xi32, #tpu.memory_space<hbm>>
      %dma_wait3A_172 = arith.constant 0 : i32
      %dma_wait3A_173 = arith.constant 0 : i32
      %dma_wait3A_174 = tpu.memref_slice %arg3[%add3A, %run_scoped3A_101, %dma_wait3A_172, %dma_wait3A_173] : memref<32x2x40x128xi32, #tpu.memory_space<hbm>> -> memref<1x1x40x128xi32, #tpu.memory_space<hbm>>
      %dma_wait3A_175 = tpu.memref_squeeze %dma_wait3A_174 : memref<1x1x40x128xi32, #tpu.memory_space<hbm>> -> memref<40x128xi32, #tpu.memory_space<hbm>>
      tpu.wait_dma2 semaphore(%run_scoped3A_159 : memref<!tpu.dma_semaphore, #tpu.memory_space<semaphore_mem>>) src(%dma_wait3A_175 : memref<40x128xi32, #tpu.memory_space<hbm>>) dst(%arg7 : memref<40x128xi32, #tpu.memory_space<vmem>>)
      tpu.yield
    }) : () -> ()
    %run_scoped3A_102 = arith.constant 1 : i32
    "tpu.region"() ({
      %run_scoped3A_159 = tpu.sem_alloc : memref<!tpu.dma_semaphore, #tpu.memory_space<semaphore_mem>>
      %dma_start3A_160 = arith.constant 0 : i32
      %dma_start3A_161 = arith.constant 0 : i32
      %dma_start3A_162 = tpu.memref_slice %arg4[%add3A, %run_scoped3A_102, %dma_start3A_160, %dma_start3A_161] : memref<32x2x40x128xi32, #tpu.memory_space<hbm>> -> memref<1x1x40x128xi32, #tpu.memory_space<hbm>>
      %dma_start3A_163 = tpu.memref_squeeze %dma_start3A_162 : memref<1x1x40x128xi32, #tpu.memory_space<hbm>> -> memref<40x128xi32, #tpu.memory_space<hbm>>
      %dma_start3A_164 = arith.constant 0 : i32
      %dma_start3A_165 = arith.constant 0 : i32
      %dma_start3A_166 = tpu.memref_slice %arg4[%add3A, %run_scoped3A_102, %dma_start3A_164, %dma_start3A_165] : memref<32x2x40x128xi32, #tpu.memory_space<hbm>> -> memref<1x1x40x128xi32, #tpu.memory_space<hbm>>
      %dma_start3A_167 = tpu.memref_squeeze %dma_start3A_166 : memref<1x1x40x128xi32, #tpu.memory_space<hbm>> -> memref<40x128xi32, #tpu.memory_space<hbm>>
      tpu.enqueue_dma source(%dma_start3A_167 : memref<40x128xi32, #tpu.memory_space<hbm>>) target(%arg8 : memref<40x128xi32, #tpu.memory_space<vmem>>) target_semaphore(%run_scoped3A_159 : memref<!tpu.dma_semaphore, #tpu.memory_space<semaphore_mem>>)
      %dma_wait3A_168 = arith.constant 0 : i32
      %dma_wait3A_169 = arith.constant 0 : i32
      %dma_wait3A_170 = tpu.memref_slice %arg4[%add3A, %run_scoped3A_102, %dma_wait3A_168, %dma_wait3A_169] : memref<32x2x40x128xi32, #tpu.memory_space<hbm>> -> memref<1x1x40x128xi32, #tpu.memory_space<hbm>>
      %dma_wait3A_171 = tpu.memref_squeeze %dma_wait3A_170 : memref<1x1x40x128xi32, #tpu.memory_space<hbm>> -> memref<40x128xi32, #tpu.memory_space<hbm>>
      %dma_wait3A_172 = arith.constant 0 : i32
      %dma_wait3A_173 = arith.constant 0 : i32
      %dma_wait3A_174 = tpu.memref_slice %arg4[%add3A, %run_scoped3A_102, %dma_wait3A_172, %dma_wait3A_173] : memref<32x2x40x128xi32, #tpu.memory_space<hbm>> -> memref<1x1x40x128xi32, #tpu.memory_space<hbm>>
      %dma_wait3A_175 = tpu.memref_squeeze %dma_wait3A_174 : memref<1x1x40x128xi32, #tpu.memory_space<hbm>> -> memref<40x128xi32, #tpu.memory_space<hbm>>
      tpu.wait_dma2 semaphore(%run_scoped3A_159 : memref<!tpu.dma_semaphore, #tpu.memory_space<semaphore_mem>>) src(%dma_wait3A_175 : memref<40x128xi32, #tpu.memory_space<hbm>>) dst(%arg8 : memref<40x128xi32, #tpu.memory_space<vmem>>)
      tpu.yield
    }) : () -> ()
    %dma_start3A_103 = arith.constant 0 : i32
    %dma_start3A_104 = arith.constant 0 : i32
    %dma_start3A_105 = arith.constant 0 : i32
    %dma_start3A_106 = arith.constant 0 : i32
    %dma_start3A_107 = arith.constant 0 : i32
    %dma_start3A_108 = tpu.memref_slice %arg9[%dma_start3A_104, %dma_start3A_106, %dma_start3A_107] : memref<2x128x128xf32, #tpu.memory_space<vmem>> -> memref<1x64x128xf32, #tpu.memory_space<vmem>>
    %dma_start3A_109 = tpu.memref_squeeze %dma_start3A_108 : memref<1x64x128xf32, #tpu.memory_space<vmem>> -> memref<64x128xf32, #tpu.memory_space<vmem>>
    %dma_start3A_110 = arith.constant 0 : i32
    %dma_start3A_111 = tpu.memref_slice %arg7[%dma_start3A_103, %dma_start3A_110] : memref<40x128xi32, #tpu.memory_space<vmem>> -> memref<1x64xi32, #tpu.memory_space<vmem>>
    %dma_start3A_112 = tpu.memref_squeeze %dma_start3A_111 : memref<1x64xi32, #tpu.memory_space<vmem>> -> memref<64xi32, #tpu.memory_space<vmem>>
    %dma_start3A_113 = arith.constant 0 : i32
    %dma_start3A_114 = arith.constant 0 : i32
    %dma_start3A_115 = tpu.memref_slice %arg2[%dma_start3A_113, %dma_start3A_114] : memref<10240x128xf32, #tpu.memory_space<hbm>> -> memref<10240x128xf32, #tpu.memory_space<hbm>>
    %dma_start3A_116 = tpu.memref_slice %arg11[%dma_start3A_105] : memref<2x!tpu.dma_semaphore, #tpu.memory_space<semaphore_mem>> -> memref<1x!tpu.dma_semaphore, #tpu.memory_space<semaphore_mem>>
    %dma_start3A_117 = tpu.memref_squeeze %dma_start3A_116 : memref<1x!tpu.dma_semaphore, #tpu.memory_space<semaphore_mem>> -> memref<!tpu.dma_semaphore, #tpu.memory_space<semaphore_mem>>
    tpu.enqueue_indirect_dma source(%dma_start3A_115 : memref<10240x128xf32, #tpu.memory_space<hbm>>) target(%dma_start3A_109 : memref<64x128xf32, #tpu.memory_space<vmem>>) offsets(%dma_start3A_112 : memref<64xi32, #tpu.memory_space<vmem>>) semaphore(%dma_start3A_117 : memref<!tpu.dma_semaphore, #tpu.memory_space<semaphore_mem>>)
    %dma_start3A_118 = arith.constant 0 : i32
    %dma_start3A_119 = arith.constant 0 : i32
    %dma_start3A_120 = arith.constant 0 : i32
    %dma_start3A_121 = arith.constant 64 : i32
    %dma_start3A_122 = arith.constant 0 : i32
    %dma_start3A_123 = tpu.memref_slice %arg9[%dma_start3A_119, %dma_start3A_121, %dma_start3A_122] : memref<2x128x128xf32, #tpu.memory_space<vmem>> -> memref<1x64x128xf32, #tpu.memory_space<vmem>>
    %dma_start3A_124 = tpu.memref_squeeze %dma_start3A_123 : memref<1x64x128xf32, #tpu.memory_space<vmem>> -> memref<64x128xf32, #tpu.memory_space<vmem>>
    %dma_start3A_125 = arith.constant 64 : i32
    %dma_start3A_126 = tpu.memref_slice %arg7[%dma_start3A_118, %dma_start3A_125] : memref<40x128xi32, #tpu.memory_space<vmem>> -> memref<1x64xi32, #tpu.memory_space<vmem>>
    %dma_start3A_127 = tpu.memref_squeeze %dma_start3A_126 : memref<1x64xi32, #tpu.memory_space<vmem>> -> memref<64xi32, #tpu.memory_space<vmem>>
    %dma_start3A_128 = arith.constant 0 : i32
    %dma_start3A_129 = arith.constant 0 : i32
    %dma_start3A_130 = tpu.memref_slice %arg2[%dma_start3A_128, %dma_start3A_129] : memref<10240x128xf32, #tpu.memory_space<hbm>> -> memref<10240x128xf32, #tpu.memory_space<hbm>>
    %dma_start3A_131 = tpu.memref_slice %arg11[%dma_start3A_120] : memref<2x!tpu.dma_semaphore, #tpu.memory_space<semaphore_mem>> -> memref<1x!tpu.dma_semaphore, #tpu.memory_space<semaphore_mem>>
    %dma_start3A_132 = tpu.memref_squeeze %dma_start3A_131 : memref<1x!tpu.dma_semaphore, #tpu.memory_space<semaphore_mem>> -> memref<!tpu.dma_semaphore, #tpu.memory_space<semaphore_mem>>
    tpu.enqueue_indirect_dma source(%dma_start3A_130 : memref<10240x128xf32, #tpu.memory_space<hbm>>) target(%dma_start3A_124 : memref<64x128xf32, #tpu.memory_space<vmem>>) offsets(%dma_start3A_127 : memref<64xi32, #tpu.memory_space<vmem>>) semaphore(%dma_start3A_132 : memref<!tpu.dma_semaphore, #tpu.memory_space<semaphore_mem>>)
    %scan3A_133 = arith.constant 0 : i32
    %scan3A_134 = arith.constant 0 : i32
    %scan3A_135 = arith.constant 20 : i32
    %scan3A_136 = arith.addi %scan3A_134, %scan3A_135 : i32
    %scan3A_137 = arith.constant 1 : i32
    scf.for %scan3A_159 = %scan3A_134 to %scan3A_136 step %scan3A_137  : i32 {
      %mul3A_160 = arith.constant 2 : i32
      %mul3A_161 = arith.muli %mul3A_160, %scan3A_159 : i32
      %add3A_162 = arith.constant 1 : i32
      %add3A_163 = arith.addi %mul3A_161, %add3A_162 : i32
      %dma_start3A_164 = arith.constant 1 : i32
      %dma_start3A_165 = arith.constant 1 : i32
      %dma_start3A_166 = arith.constant 0 : i32
      %dma_start3A_167 = arith.constant 0 : i32
      %dma_start3A_168 = tpu.memref_slice %arg9[%dma_start3A_164, %dma_start3A_166, %dma_start3A_167] : memref<2x128x128xf32, #tpu.memory_space<vmem>> -> memref<1x64x128xf32, #tpu.memory_space<vmem>>
      %dma_start3A_169 = tpu.memref_squeeze %dma_start3A_168 : memref<1x64x128xf32, #tpu.memory_space<vmem>> -> memref<64x128xf32, #tpu.memory_space<vmem>>
      %dma_start3A_170 = arith.constant 0 : i32
      %dma_start3A_171 = tpu.memref_slice %arg7[%add3A_163, %dma_start3A_170] : memref<40x128xi32, #tpu.memory_space<vmem>> -> memref<1x64xi32, #tpu.memory_space<vmem>>
      %dma_start3A_172 = tpu.memref_squeeze %dma_start3A_171 : memref<1x64xi32, #tpu.memory_space<vmem>> -> memref<64xi32, #tpu.memory_space<vmem>>
      %dma_start3A_173 = arith.constant 0 : i32
      %dma_start3A_174 = arith.constant 0 : i32
      %dma_start3A_175 = tpu.memref_slice %arg2[%dma_start3A_173, %dma_start3A_174] : memref<10240x128xf32, #tpu.memory_space<hbm>> -> memref<10240x128xf32, #tpu.memory_space<hbm>>
      %dma_start3A_176 = tpu.memref_slice %arg11[%dma_start3A_165] : memref<2x!tpu.dma_semaphore, #tpu.memory_space<semaphore_mem>> -> memref<1x!tpu.dma_semaphore, #tpu.memory_space<semaphore_mem>>
      %dma_start3A_177 = tpu.memref_squeeze %dma_start3A_176 : memref<1x!tpu.dma_semaphore, #tpu.memory_space<semaphore_mem>> -> memref<!tpu.dma_semaphore, #tpu.memory_space<semaphore_mem>>
      tpu.enqueue_indirect_dma source(%dma_start3A_175 : memref<10240x128xf32, #tpu.memory_space<hbm>>) target(%dma_start3A_169 : memref<64x128xf32, #tpu.memory_space<vmem>>) offsets(%dma_start3A_172 : memref<64xi32, #tpu.memory_space<vmem>>) semaphore(%dma_start3A_177 : memref<!tpu.dma_semaphore, #tpu.memory_space<semaphore_mem>>)
      %dma_start3A_178 = arith.constant 1 : i32
      %dma_start3A_179 = arith.constant 1 : i32
      %dma_start3A_180 = arith.constant 64 : i32
      %dma_start3A_181 = arith.constant 0 : i32
      %dma_start3A_182 = tpu.memref_slice %arg9[%dma_start3A_178, %dma_start3A_180, %dma_start3A_181] : memref<2x128x128xf32, #tpu.memory_space<vmem>> -> memref<1x64x128xf32, #tpu.memory_space<vmem>>
      %dma_start3A_183 = tpu.memref_squeeze %dma_start3A_182 : memref<1x64x128xf32, #tpu.memory_space<vmem>> -> memref<64x128xf32, #tpu.memory_space<vmem>>
      %dma_start3A_184 = arith.constant 64 : i32
      %dma_start3A_185 = tpu.memref_slice %arg7[%add3A_163, %dma_start3A_184] : memref<40x128xi32, #tpu.memory_space<vmem>> -> memref<1x64xi32, #tpu.memory_space<vmem>>
      %dma_start3A_186 = tpu.memref_squeeze %dma_start3A_185 : memref<1x64xi32, #tpu.memory_space<vmem>> -> memref<64xi32, #tpu.memory_space<vmem>>
      %dma_start3A_187 = arith.constant 0 : i32
      %dma_start3A_188 = arith.constant 0 : i32
      %dma_start3A_189 = tpu.memref_slice %arg2[%dma_start3A_187, %dma_start3A_188] : memref<10240x128xf32, #tpu.memory_space<hbm>> -> memref<10240x128xf32, #tpu.memory_space<hbm>>
      %dma_start3A_190 = tpu.memref_slice %arg11[%dma_start3A_179] : memref<2x!tpu.dma_semaphore, #tpu.memory_space<semaphore_mem>> -> memref<1x!tpu.dma_semaphore, #tpu.memory_space<semaphore_mem>>
      %dma_start3A_191 = tpu.memref_squeeze %dma_start3A_190 : memref<1x!tpu.dma_semaphore, #tpu.memory_space<semaphore_mem>> -> memref<!tpu.dma_semaphore, #tpu.memory_space<semaphore_mem>>
      tpu.enqueue_indirect_dma source(%dma_start3A_189 : memref<10240x128xf32, #tpu.memory_space<hbm>>) target(%dma_start3A_183 : memref<64x128xf32, #tpu.memory_space<vmem>>) offsets(%dma_start3A_186 : memref<64xi32, #tpu.memory_space<vmem>>) semaphore(%dma_start3A_191 : memref<!tpu.dma_semaphore, #tpu.memory_space<semaphore_mem>>)
      %dma_wait3A_192 = arith.constant 0 : i32
      %dma_wait3A_193 = arith.constant 0 : i32
      %dma_wait3A_194 = arith.constant 0 : i32
      %dma_wait3A_195 = arith.constant 0 : i32
      %dma_wait3A_196 = tpu.memref_slice %arg9[%dma_wait3A_192, %dma_wait3A_194, %dma_wait3A_195] : memref<2x128x128xf32, #tpu.memory_space<vmem>> -> memref<1x128x128xf32, #tpu.memory_space<vmem>>
      %dma_wait3A_197 = tpu.memref_squeeze %dma_wait3A_196 : memref<1x128x128xf32, #tpu.memory_space<vmem>> -> memref<128x128xf32, #tpu.memory_space<vmem>>
      %dma_wait3A_198 = arith.constant 0 : i32
      %dma_wait3A_199 = tpu.memref_slice %arg7[%mul3A_161, %dma_wait3A_198] : memref<40x128xi32, #tpu.memory_space<vmem>> -> memref<1x128xi32, #tpu.memory_space<vmem>>
      %dma_wait3A_200 = tpu.memref_squeeze %dma_wait3A_199 : memref<1x128xi32, #tpu.memory_space<vmem>> -> memref<128xi32, #tpu.memory_space<vmem>>
      %dma_wait3A_201 = arith.constant 0 : i32
      %dma_wait3A_202 = arith.constant 0 : i32
      %dma_wait3A_203 = tpu.memref_slice %arg2[%dma_wait3A_201, %dma_wait3A_202] : memref<10240x128xf32, #tpu.memory_space<hbm>> -> memref<10240x128xf32, #tpu.memory_space<hbm>>
      %dma_wait3A_204 = tpu.memref_slice %arg11[%dma_wait3A_193] : memref<2x!tpu.dma_semaphore, #tpu.memory_space<semaphore_mem>> -> memref<1x!tpu.dma_semaphore, #tpu.memory_space<semaphore_mem>>
      %dma_wait3A_205 = tpu.memref_squeeze %dma_wait3A_204 : memref<1x!tpu.dma_semaphore, #tpu.memory_space<semaphore_mem>> -> memref<!tpu.dma_semaphore, #tpu.memory_space<semaphore_mem>>
      tpu.wait_indirect_dma semaphore(%dma_wait3A_205 : memref<!tpu.dma_semaphore, #tpu.memory_space<semaphore_mem>>) src(%dma_wait3A_203 : memref<10240x128xf32, #tpu.memory_space<hbm>>) dst(%dma_wait3A_197 : memref<128x128xf32, #tpu.memory_space<vmem>>)
      %run_scoped3A_206 = arith.constant 0 : i32
      "tpu.region"() ({
        %run_scoped3A_257 = tpu.sem_alloc : memref<!tpu.dma_semaphore, #tpu.memory_space<semaphore_mem>>
        %dma_start3A_258 = arith.constant 0 : i32
        %dma_start3A_259 = arith.constant 0 : i32
        %dma_start3A_260 = tpu.memref_slice %arg9[%run_scoped3A_206, %dma_start3A_258, %dma_start3A_259] : memref<2x128x128xf32, #tpu.memory_space<vmem>> -> memref<1x128x128xf32, #tpu.memory_space<vmem>>
        %dma_start3A_261 = tpu.memref_squeeze %dma_start3A_260 : memref<1x128x128xf32, #tpu.memory_space<vmem>> -> memref<128x128xf32, #tpu.memory_space<vmem>>
        %dma_start3A_262 = arith.constant 0 : i32
        %dma_start3A_263 = tpu.memref_slice %arg8[%mul3A_161, %dma_start3A_262] : memref<40x128xi32, #tpu.memory_space<vmem>> -> memref<1x128xi32, #tpu.memory_space<vmem>>
        %dma_start3A_264 = tpu.memref_squeeze %dma_start3A_263 : memref<1x128xi32, #tpu.memory_space<vmem>> -> memref<128xi32, #tpu.memory_space<vmem>>
        %dma_start3A_265 = arith.constant 0 : i32
        %dma_start3A_266 = arith.constant 0 : i32
        %dma_start3A_267 = tpu.memref_slice %arg10[%dma_start3A_265, %dma_start3A_266] : memref<10240x128xf32, #tpu.memory_space<vmem_shared>> -> memref<10240x128xf32, #tpu.memory_space<vmem_shared>>
        tpu.enqueue_indirect_dma source(%dma_start3A_261 : memref<128x128xf32, #tpu.memory_space<vmem>>) target(%dma_start3A_267 : memref<10240x128xf32, #tpu.memory_space<vmem_shared>>) offsets(%dma_start3A_264 : memref<128xi32, #tpu.memory_space<vmem>>) semaphore(%run_scoped3A_257 : memref<!tpu.dma_semaphore, #tpu.memory_space<semaphore_mem>>) {add = true}
        %dma_wait3A_268 = arith.constant 0 : i32
        %dma_wait3A_269 = arith.constant 0 : i32
        %dma_wait3A_270 = tpu.memref_slice %arg9[%run_scoped3A_206, %dma_wait3A_268, %dma_wait3A_269] : memref<2x128x128xf32, #tpu.memory_space<vmem>> -> memref<1x128x128xf32, #tpu.memory_space<vmem>>
        %dma_wait3A_271 = tpu.memref_squeeze %dma_wait3A_270 : memref<1x128x128xf32, #tpu.memory_space<vmem>> -> memref<128x128xf32, #tpu.memory_space<vmem>>
        %dma_wait3A_272 = arith.constant 0 : i32
        %dma_wait3A_273 = tpu.memref_slice %arg8[%mul3A_161, %dma_wait3A_272] : memref<40x128xi32, #tpu.memory_space<vmem>> -> memref<1x128xi32, #tpu.memory_space<vmem>>
        %dma_wait3A_274 = tpu.memref_squeeze %dma_wait3A_273 : memref<1x128xi32, #tpu.memory_space<vmem>> -> memref<128xi32, #tpu.memory_space<vmem>>
        %dma_wait3A_275 = arith.constant 0 : i32
        %dma_wait3A_276 = arith.constant 0 : i32
        %dma_wait3A_277 = tpu.memref_slice %arg10[%dma_wait3A_275, %dma_wait3A_276] : memref<10240x128xf32, #tpu.memory_space<vmem_shared>> -> memref<10240x128xf32, #tpu.memory_space<vmem_shared>>
        tpu.wait_indirect_dma semaphore(%run_scoped3A_257 : memref<!tpu.dma_semaphore, #tpu.memory_space<semaphore_mem>>) src(%dma_wait3A_271 : memref<128x128xf32, #tpu.memory_space<vmem>>) dst(%dma_wait3A_277 : memref<10240x128xf32, #tpu.memory_space<vmem_shared>>)
        tpu.yield
      }) : () -> ()
      %add3A_207 = arith.constant 2 : i32
      %add3A_208 = arith.addi %mul3A_161, %add3A_207 : i32
      %min3A = arith.constant 39 : i32
      %min3A_209 = arith.minsi %add3A_208, %min3A : i32
      %dma_start3A_210 = arith.constant 0 : i32
      %dma_start3A_211 = arith.constant 0 : i32
      %dma_start3A_212 = arith.constant 0 : i32
      %dma_start3A_213 = arith.constant 0 : i32
      %dma_start3A_214 = tpu.memref_slice %arg9[%dma_start3A_210, %dma_start3A_212, %dma_start3A_213] : memref<2x128x128xf32, #tpu.memory_space<vmem>> -> memref<1x64x128xf32, #tpu.memory_space<vmem>>
      %dma_start3A_215 = tpu.memref_squeeze %dma_start3A_214 : memref<1x64x128xf32, #tpu.memory_space<vmem>> -> memref<64x128xf32, #tpu.memory_space<vmem>>
      %dma_start3A_216 = arith.constant 0 : i32
      %dma_start3A_217 = tpu.memref_slice %arg7[%min3A_209, %dma_start3A_216] : memref<40x128xi32, #tpu.memory_space<vmem>> -> memref<1x64xi32, #tpu.memory_space<vmem>>
      %dma_start3A_218 = tpu.memref_squeeze %dma_start3A_217 : memref<1x64xi32, #tpu.memory_space<vmem>> -> memref<64xi32, #tpu.memory_space<vmem>>
      %dma_start3A_219 = arith.constant 0 : i32
      %dma_start3A_220 = arith.constant 0 : i32
      %dma_start3A_221 = tpu.memref_slice %arg2[%dma_start3A_219, %dma_start3A_220] : memref<10240x128xf32, #tpu.memory_space<hbm>> -> memref<10240x128xf32, #tpu.memory_space<hbm>>
      %dma_start3A_222 = tpu.memref_slice %arg11[%dma_start3A_211] : memref<2x!tpu.dma_semaphore, #tpu.memory_space<semaphore_mem>> -> memref<1x!tpu.dma_semaphore, #tpu.memory_space<semaphore_mem>>
      %dma_start3A_223 = tpu.memref_squeeze %dma_start3A_222 : memref<1x!tpu.dma_semaphore, #tpu.memory_space<semaphore_mem>> -> memref<!tpu.dma_semaphore, #tpu.memory_space<semaphore_mem>>
      tpu.enqueue_indirect_dma source(%dma_start3A_221 : memref<10240x128xf32, #tpu.memory_space<hbm>>) target(%dma_start3A_215 : memref<64x128xf32, #tpu.memory_space<vmem>>) offsets(%dma_start3A_218 : memref<64xi32, #tpu.memory_space<vmem>>) semaphore(%dma_start3A_223 : memref<!tpu.dma_semaphore, #tpu.memory_space<semaphore_mem>>)
      %dma_start3A_224 = arith.constant 0 : i32
      %dma_start3A_225 = arith.constant 0 : i32
      %dma_start3A_226 = arith.constant 64 : i32
      %dma_start3A_227 = arith.constant 0 : i32
      %dma_start3A_228 = tpu.memref_slice %arg9[%dma_start3A_224, %dma_start3A_226, %dma_start3A_227] : memref<2x128x128xf32, #tpu.memory_space<vmem>> -> memref<1x64x128xf32, #tpu.memory_space<vmem>>
      %dma_start3A_229 = tpu.memref_squeeze %dma_start3A_228 : memref<1x64x128xf32, #tpu.memory_space<vmem>> -> memref<64x128xf32, #tpu.memory_space<vmem>>
      %dma_start3A_230 = arith.constant 64 : i32
      %dma_start3A_231 = tpu.memref_slice %arg7[%min3A_209, %dma_start3A_230] : memref<40x128xi32, #tpu.memory_space<vmem>> -> memref<1x64xi32, #tpu.memory_space<vmem>>
      %dma_start3A_232 = tpu.memref_squeeze %dma_start3A_231 : memref<1x64xi32, #tpu.memory_space<vmem>> -> memref<64xi32, #tpu.memory_space<vmem>>
      %dma_start3A_233 = arith.constant 0 : i32
      %dma_start3A_234 = arith.constant 0 : i32
      %dma_start3A_235 = tpu.memref_slice %arg2[%dma_start3A_233, %dma_start3A_234] : memref<10240x128xf32, #tpu.memory_space<hbm>> -> memref<10240x128xf32, #tpu.memory_space<hbm>>
      %dma_start3A_236 = tpu.memref_slice %arg11[%dma_start3A_225] : memref<2x!tpu.dma_semaphore, #tpu.memory_space<semaphore_mem>> -> memref<1x!tpu.dma_semaphore, #tpu.memory_space<semaphore_mem>>
      %dma_start3A_237 = tpu.memref_squeeze %dma_start3A_236 : memref<1x!tpu.dma_semaphore, #tpu.memory_space<semaphore_mem>> -> memref<!tpu.dma_semaphore, #tpu.memory_space<semaphore_mem>>
      tpu.enqueue_indirect_dma source(%dma_start3A_235 : memref<10240x128xf32, #tpu.memory_space<hbm>>) target(%dma_start3A_229 : memref<64x128xf32, #tpu.memory_space<vmem>>) offsets(%dma_start3A_232 : memref<64xi32, #tpu.memory_space<vmem>>) semaphore(%dma_start3A_237 : memref<!tpu.dma_semaphore, #tpu.memory_space<semaphore_mem>>)
      %add3A_238 = arith.constant 1 : i32
      %add3A_239 = arith.addi %mul3A_161, %add3A_238 : i32
      %dma_wait3A_240 = arith.constant 1 : i32
      %dma_wait3A_241 = arith.constant 1 : i32
      %dma_wait3A_242 = arith.constant 0 : i32
      %dma_wait3A_243 = arith.constant 0 : i32
      %dma_wait3A_244 = tpu.memref_slice %arg9[%dma_wait3A_240, %dma_wait3A_242, %dma_wait3A_243] : memref<2x128x128xf32, #tpu.memory_space<vmem>> -> memref<1x128x128xf32, #tpu.memory_space<vmem>>
      %dma_wait3A_245 = tpu.memref_squeeze %dma_wait3A_244 : memref<1x128x128xf32, #tpu.memory_space<vmem>> -> memref<128x128xf32, #tpu.memory_space<vmem>>
      %dma_wait3A_246 = arith.constant 0 : i32
      %dma_wait3A_247 = tpu.memref_slice %arg7[%add3A_239, %dma_wait3A_246] : memref<40x128xi32, #tpu.memory_space<vmem>> -> memref<1x128xi32, #tpu.memory_space<vmem>>
      %dma_wait3A_248 = tpu.memref_squeeze %dma_wait3A_247 : memref<1x128xi32, #tpu.memory_space<vmem>> -> memref<128xi32, #tpu.memory_space<vmem>>
      %dma_wait3A_249 = arith.constant 0 : i32
      %dma_wait3A_250 = arith.constant 0 : i32
      %dma_wait3A_251 = tpu.memref_slice %arg2[%dma_wait3A_249, %dma_wait3A_250] : memref<10240x128xf32, #tpu.memory_space<hbm>> -> memref<10240x128xf32, #tpu.memory_space<hbm>>
      %dma_wait3A_252 = tpu.memref_slice %arg11[%dma_wait3A_241] : memref<2x!tpu.dma_semaphore, #tpu.memory_space<semaphore_mem>> -> memref<1x!tpu.dma_semaphore, #tpu.memory_space<semaphore_mem>>
      %dma_wait3A_253 = tpu.memref_squeeze %dma_wait3A_252 : memref<1x!tpu.dma_semaphore, #tpu.memory_space<semaphore_mem>> -> memref<!tpu.dma_semaphore, #tpu.memory_space<semaphore_mem>>
      tpu.wait_indirect_dma semaphore(%dma_wait3A_253 : memref<!tpu.dma_semaphore, #tpu.memory_space<semaphore_mem>>) src(%dma_wait3A_251 : memref<10240x128xf32, #tpu.memory_space<hbm>>) dst(%dma_wait3A_245 : memref<128x128xf32, #tpu.memory_space<vmem>>)
      %add3A_254 = arith.constant 1 : i32
      %add3A_255 = arith.addi %mul3A_161, %add3A_254 : i32
      %run_scoped3A_256 = arith.constant 1 : i32
      "tpu.region"() ({
        %run_scoped3A_257 = tpu.sem_alloc : memref<!tpu.dma_semaphore, #tpu.memory_space<semaphore_mem>>
        %dma_start3A_258 = arith.constant 0 : i32
        %dma_start3A_259 = arith.constant 0 : i32
        %dma_start3A_260 = tpu.memref_slice %arg9[%run_scoped3A_256, %dma_start3A_258, %dma_start3A_259] : memref<2x128x128xf32, #tpu.memory_space<vmem>> -> memref<1x128x128xf32, #tpu.memory_space<vmem>>
        %dma_start3A_261 = tpu.memref_squeeze %dma_start3A_260 : memref<1x128x128xf32, #tpu.memory_space<vmem>> -> memref<128x128xf32, #tpu.memory_space<vmem>>
        %dma_start3A_262 = arith.constant 0 : i32
        %dma_start3A_263 = tpu.memref_slice %arg8[%add3A_255, %dma_start3A_262] : memref<40x128xi32, #tpu.memory_space<vmem>> -> memref<1x128xi32, #tpu.memory_space<vmem>>
        %dma_start3A_264 = tpu.memref_squeeze %dma_start3A_263 : memref<1x128xi32, #tpu.memory_space<vmem>> -> memref<128xi32, #tpu.memory_space<vmem>>
        %dma_start3A_265 = arith.constant 0 : i32
        %dma_start3A_266 = arith.constant 0 : i32
        %dma_start3A_267 = tpu.memref_slice %arg10[%dma_start3A_265, %dma_start3A_266] : memref<10240x128xf32, #tpu.memory_space<vmem_shared>> -> memref<10240x128xf32, #tpu.memory_space<vmem_shared>>
        tpu.enqueue_indirect_dma source(%dma_start3A_261 : memref<128x128xf32, #tpu.memory_space<vmem>>) target(%dma_start3A_267 : memref<10240x128xf32, #tpu.memory_space<vmem_shared>>) offsets(%dma_start3A_264 : memref<128xi32, #tpu.memory_space<vmem>>) semaphore(%run_scoped3A_257 : memref<!tpu.dma_semaphore, #tpu.memory_space<semaphore_mem>>) {add = true}
        %dma_wait3A_268 = arith.constant 0 : i32
        %dma_wait3A_269 = arith.constant 0 : i32
        %dma_wait3A_270 = tpu.memref_slice %arg9[%run_scoped3A_256, %dma_wait3A_268, %dma_wait3A_269] : memref<2x128x128xf32, #tpu.memory_space<vmem>> -> memref<1x128x128xf32, #tpu.memory_space<vmem>>
        %dma_wait3A_271 = tpu.memref_squeeze %dma_wait3A_270 : memref<1x128x128xf32, #tpu.memory_space<vmem>> -> memref<128x128xf32, #tpu.memory_space<vmem>>
        %dma_wait3A_272 = arith.constant 0 : i32
        %dma_wait3A_273 = tpu.memref_slice %arg8[%add3A_255, %dma_wait3A_272] : memref<40x128xi32, #tpu.memory_space<vmem>> -> memref<1x128xi32, #tpu.memory_space<vmem>>
        %dma_wait3A_274 = tpu.memref_squeeze %dma_wait3A_273 : memref<1x128xi32, #tpu.memory_space<vmem>> -> memref<128xi32, #tpu.memory_space<vmem>>
        %dma_wait3A_275 = arith.constant 0 : i32
        %dma_wait3A_276 = arith.constant 0 : i32
        %dma_wait3A_277 = tpu.memref_slice %arg10[%dma_wait3A_275, %dma_wait3A_276] : memref<10240x128xf32, #tpu.memory_space<vmem_shared>> -> memref<10240x128xf32, #tpu.memory_space<vmem_shared>>
        tpu.wait_indirect_dma semaphore(%run_scoped3A_257 : memref<!tpu.dma_semaphore, #tpu.memory_space<semaphore_mem>>) src(%dma_wait3A_271 : memref<128x128xf32, #tpu.memory_space<vmem>>) dst(%dma_wait3A_277 : memref<10240x128xf32, #tpu.memory_space<vmem_shared>>)
        tpu.yield
      }) : () -> ()
    }
    %scan3A_138 = arith.constant 20 : i32
    %dma_wait3A_139 = arith.constant 39 : i32
    %dma_wait3A_140 = arith.constant 0 : i32
    %dma_wait3A_141 = arith.constant 0 : i32
    %dma_wait3A_142 = arith.constant 0 : i32
    %dma_wait3A_143 = arith.constant 0 : i32
    %dma_wait3A_144 = tpu.memref_slice %arg9[%dma_wait3A_140, %dma_wait3A_142, %dma_wait3A_143] : memref<2x128x128xf32, #tpu.memory_space<vmem>> -> memref<1x128x128xf32, #tpu.memory_space<vmem>>
    %dma_wait3A_145 = tpu.memref_squeeze %dma_wait3A_144 : memref<1x128x128xf32, #tpu.memory_space<vmem>> -> memref<128x128xf32, #tpu.memory_space<vmem>>
    %dma_wait3A_146 = arith.constant 0 : i32
    %dma_wait3A_147 = tpu.memref_slice %arg7[%dma_wait3A_139, %dma_wait3A_146] : memref<40x128xi32, #tpu.memory_space<vmem>> -> memref<1x128xi32, #tpu.memory_space<vmem>>
    %dma_wait3A_148 = tpu.memref_squeeze %dma_wait3A_147 : memref<1x128xi32, #tpu.memory_space<vmem>> -> memref<128xi32, #tpu.memory_space<vmem>>
    %dma_wait3A_149 = arith.constant 0 : i32
    %dma_wait3A_150 = arith.constant 0 : i32
    %dma_wait3A_151 = tpu.memref_slice %arg2[%dma_wait3A_149, %dma_wait3A_150] : memref<10240x128xf32, #tpu.memory_space<hbm>> -> memref<10240x128xf32, #tpu.memory_space<hbm>>
    %dma_wait3A_152 = tpu.memref_slice %arg11[%dma_wait3A_141] : memref<2x!tpu.dma_semaphore, #tpu.memory_space<semaphore_mem>> -> memref<1x!tpu.dma_semaphore, #tpu.memory_space<semaphore_mem>>
    %dma_wait3A_153 = tpu.memref_squeeze %dma_wait3A_152 : memref<1x!tpu.dma_semaphore, #tpu.memory_space<semaphore_mem>> -> memref<!tpu.dma_semaphore, #tpu.memory_space<semaphore_mem>>
    tpu.wait_indirect_dma semaphore(%dma_wait3A_153 : memref<!tpu.dma_semaphore, #tpu.memory_space<semaphore_mem>>) src(%dma_wait3A_151 : memref<10240x128xf32, #tpu.memory_space<hbm>>) dst(%dma_wait3A_145 : memref<128x128xf32, #tpu.memory_space<vmem>>)
    %barrier3A_154 = arith.constant 0 : index
    tpu.barrier barrier_id(%barrier3A_154)
    %mul3A_155 = arith.constant 640 : i32
    %mul3A_156 = arith.muli %arg1, %mul3A_155 : i32
    %mul3A_157 = arith.constant 640 : i32
    %mul3A_158 = arith.muli %arg1, %mul3A_157 : i32
    "tpu.region"() ({
      %run_scoped3A_159 = tpu.sem_alloc : memref<!tpu.dma_semaphore, #tpu.memory_space<semaphore_mem>>
      %dma_start3A_160 = arith.constant 0 : i32
      %dma_start3A_161 = tpu.memref_slice %arg6[%arg0, %mul3A_158, %dma_start3A_160] : memref<2x10240x128xf32, #tpu.memory_space<hbm>> -> memref<1x640x128xf32, #tpu.memory_space<hbm>>
      %dma_start3A_162 = tpu.memref_squeeze %dma_start3A_161 : memref<1x640x128xf32, #tpu.memory_space<hbm>> -> memref<640x128xf32, #tpu.memory_space<hbm>>
      %dma_start3A_163 = arith.constant 0 : i32
      %dma_start3A_164 = tpu.memref_slice %arg10[%mul3A_156, %dma_start3A_163] : memref<10240x128xf32, #tpu.memory_space<vmem_shared>> -> memref<640x128xf32, #tpu.memory_space<vmem_shared>>
      tpu.enqueue_dma source(%dma_start3A_164 : memref<640x128xf32, #tpu.memory_space<vmem_shared>>) target(%dma_start3A_162 : memref<640x128xf32, #tpu.memory_space<hbm>>) target_semaphore(%run_scoped3A_159 : memref<!tpu.dma_semaphore, #tpu.memory_space<semaphore_mem>>)
      %dma_wait3A_165 = arith.constant 0 : i32
      %dma_wait3A_166 = tpu.memref_slice %arg6[%arg0, %mul3A_158, %dma_wait3A_165] : memref<2x10240x128xf32, #tpu.memory_space<hbm>> -> memref<1x640x128xf32, #tpu.memory_space<hbm>>
      %dma_wait3A_167 = tpu.memref_squeeze %dma_wait3A_166 : memref<1x640x128xf32, #tpu.memory_space<hbm>> -> memref<640x128xf32, #tpu.memory_space<hbm>>
      %dma_wait3A_168 = arith.constant 0 : i32
      %dma_wait3A_169 = tpu.memref_slice %arg10[%mul3A_156, %dma_wait3A_168] : memref<10240x128xf32, #tpu.memory_space<vmem_shared>> -> memref<640x128xf32, #tpu.memory_space<vmem_shared>>
      tpu.wait_dma2 semaphore(%run_scoped3A_159 : memref<!tpu.dma_semaphore, #tpu.memory_space<semaphore_mem>>) src(%dma_wait3A_169 : memref<640x128xf32, #tpu.memory_space<vmem_shared>>) dst(%dma_wait3A_167 : memref<640x128xf32, #tpu.memory_space<hbm>>)
      tpu.yield
    }) : () -> ()
    return
  }
}

#map = affine_map<(d0, d1) -> (0)>
#map1 = affine_map<(d0, d1) -> (0, 0)>
module attributes {stable_mosaic.version = 14 : i64} {
  func.func @deg_kernel(%arg0: i32, %arg1: i32, %arg2: memref<320000xi32, #tpu.memory_space<hbm>>, %arg3: memref<10240xf32, #tpu.memory_space<hbm>>, %arg4: memref<32x10240xf32, #tpu.memory_space<hbm>>, %arg5: memref<10000xi32, #tpu.memory_space<vmem>>, %arg6: memref<10240xf32, #tpu.memory_space<vmem>>) attributes {dimension_semantics = [#tpu.dimension_semantics<core_parallel>, #tpu.dimension_semantics<subcore_parallel>], iteration_bounds = array<i64: 2, 16>, scalar_prefetch = 0 : i64, scratch_operands = 2 : i64, tpu.core_type = #tpu.core_type<sc_vector_subcore>, window_params = [{transform_indices = #map}, {transform_indices = #map}, {transform_indices = #map1}]} {
    %mul3A = arith.constant 16 : i32
    %mul3A_0 = arith.muli %arg0, %mul3A : i32
    %add3A = arith.addi %mul3A_0, %arg1 : i32
    "tpu.region"() ({
      %run_scoped3A = tpu.sem_alloc : memref<!tpu.dma_semaphore, #tpu.memory_space<semaphore_mem>>
      tpu.enqueue_dma source(%arg3 : memref<10240xf32, #tpu.memory_space<hbm>>) target(%arg6 : memref<10240xf32, #tpu.memory_space<vmem>>) target_semaphore(%run_scoped3A : memref<!tpu.dma_semaphore, #tpu.memory_space<semaphore_mem>>)
      tpu.wait_dma2 semaphore(%run_scoped3A : memref<!tpu.dma_semaphore, #tpu.memory_space<semaphore_mem>>) src(%arg3 : memref<10240xf32, #tpu.memory_space<hbm>>) dst(%arg6 : memref<10240xf32, #tpu.memory_space<vmem>>)
      tpu.yield
    }) : () -> ()
    %mul3A_1 = arith.constant 10000 : i32
    %mul3A_2 = arith.muli %add3A, %mul3A_1 : i32
    "tpu.region"() ({
      %run_scoped3A = tpu.sem_alloc : memref<!tpu.dma_semaphore, #tpu.memory_space<semaphore_mem>>
      %dma_start3A = tpu.memref_slice %arg2[%mul3A_2] : memref<320000xi32, #tpu.memory_space<hbm>> -> memref<10000xi32, #tpu.memory_space<hbm>>
      %dma_start3A_9 = tpu.memref_slice %arg2[%mul3A_2] : memref<320000xi32, #tpu.memory_space<hbm>> -> memref<10000xi32, #tpu.memory_space<hbm>>
      tpu.enqueue_dma source(%dma_start3A_9 : memref<10000xi32, #tpu.memory_space<hbm>>) target(%arg5 : memref<10000xi32, #tpu.memory_space<vmem>>) target_semaphore(%run_scoped3A : memref<!tpu.dma_semaphore, #tpu.memory_space<semaphore_mem>>)
      %dma_wait3A = tpu.memref_slice %arg2[%mul3A_2] : memref<320000xi32, #tpu.memory_space<hbm>> -> memref<10000xi32, #tpu.memory_space<hbm>>
      %dma_wait3A_10 = tpu.memref_slice %arg2[%mul3A_2] : memref<320000xi32, #tpu.memory_space<hbm>> -> memref<10000xi32, #tpu.memory_space<hbm>>
      tpu.wait_dma2 semaphore(%run_scoped3A : memref<!tpu.dma_semaphore, #tpu.memory_space<semaphore_mem>>) src(%dma_wait3A_10 : memref<10000xi32, #tpu.memory_space<hbm>>) dst(%arg5 : memref<10000xi32, #tpu.memory_space<vmem>>)
      tpu.yield
    }) : () -> ()
    %broadcast_in_dim3A = arith.constant 1.000000e+00 : f32
    %broadcast_in_dim3A_3 = vector.broadcast %broadcast_in_dim3A : f32 to vector<16xf32>
    %scan3A = arith.constant 0 : i32
    %scan3A_4 = arith.constant 0 : i32
    %scan3A_5 = arith.constant 625 : i32
    %scan3A_6 = arith.addi %scan3A_4, %scan3A_5 : i32
    %scan3A_7 = arith.constant 1 : i32
    scf.for %scan3A_9 = %scan3A_4 to %scan3A_6 step %scan3A_7  : i32 {
      %mul3A_10 = arith.constant 16 : i32
      %mul3A_11 = arith.muli %scan3A_9, %mul3A_10 : i32
      %get3A = arith.index_cast %mul3A_11 : i32 to index
      %get3A_12 = tpu.vector_load %arg5[%get3A] {strides = array<i32>} : memref<10000xi32, #tpu.memory_space<vmem>>, vector<16xi32>,
      tpu.vector_store_idx %arg6[%get3A_12], %broadcast_in_dim3A_3 {add = true} : memref<10240xf32, #tpu.memory_space<vmem>>[vector<16xi32>], vector<16xf32>,
    }
    %scan3A_8 = arith.constant 625 : i32
    "tpu.region"() ({
      %run_scoped3A = tpu.sem_alloc : memref<!tpu.dma_semaphore, #tpu.memory_space<semaphore_mem>>
      %dma_start3A = arith.constant 0 : i32
      %dma_start3A_9 = tpu.memref_slice %arg4[%add3A, %dma_start3A] : memref<32x10240xf32, #tpu.memory_space<hbm>> -> memref<1x10240xf32, #tpu.memory_space<hbm>>
      %dma_start3A_10 = tpu.memref_squeeze %dma_start3A_9 : memref<1x10240xf32, #tpu.memory_space<hbm>> -> memref<10240xf32, #tpu.memory_space<hbm>>
      %dma_start3A_11 = arith.constant 0 : i32
      %dma_start3A_12 = tpu.memref_slice %arg4[%add3A, %dma_start3A_11] : memref<32x10240xf32, #tpu.memory_space<hbm>> -> memref<1x10240xf32, #tpu.memory_space<hbm>>
      %dma_start3A_13 = tpu.memref_squeeze %dma_start3A_12 : memref<1x10240xf32, #tpu.memory_space<hbm>> -> memref<10240xf32, #tpu.memory_space<hbm>>
      tpu.enqueue_dma source(%arg6 : memref<10240xf32, #tpu.memory_space<vmem>>) target(%dma_start3A_13 : memref<10240xf32, #tpu.memory_space<hbm>>) target_semaphore(%run_scoped3A : memref<!tpu.dma_semaphore, #tpu.memory_space<semaphore_mem>>)
      %dma_wait3A = arith.constant 0 : i32
      %dma_wait3A_14 = tpu.memref_slice %arg4[%add3A, %dma_wait3A] : memref<32x10240xf32, #tpu.memory_space<hbm>> -> memref<1x10240xf32, #tpu.memory_space<hbm>>
      %dma_wait3A_15 = tpu.memref_squeeze %dma_wait3A_14 : memref<1x10240xf32, #tpu.memory_space<hbm>> -> memref<10240xf32, #tpu.memory_space<hbm>>
      %dma_wait3A_16 = arith.constant 0 : i32
      %dma_wait3A_17 = tpu.memref_slice %arg4[%add3A, %dma_wait3A_16] : memref<32x10240xf32, #tpu.memory_space<hbm>> -> memref<1x10240xf32, #tpu.memory_space<hbm>>
      %dma_wait3A_18 = tpu.memref_squeeze %dma_wait3A_17 : memref<1x10240xf32, #tpu.memory_space<hbm>> -> memref<10240xf32, #tpu.memory_space<hbm>>
      tpu.wait_dma2 semaphore(%run_scoped3A : memref<!tpu.dma_semaphore, #tpu.memory_space<semaphore_mem>>) src(%arg6 : memref<10240xf32, #tpu.memory_space<vmem>>) dst(%dma_wait3A_18 : memref<10240xf32, #tpu.memory_space<hbm>>)
      tpu.yield
    }) : () -> ()
    return
  }
}

#map = affine_map<(d0, d1) -> (0, 0)>
#map1 = affine_map<(d0, d1) -> (0, 0, 0, 0)>
#map2 = affine_map<(d0, d1) -> (0, 0, 0)>
module attributes {stable_mosaic.version = 14 : i64} {
  func.func @hop_kernel(%arg0: i32, %arg1: i32, %arg2: memref<10240x128xf32, #tpu.memory_space<hbm>>, %arg3: memref<32x2x40x128xi32, #tpu.memory_space<hbm>>, %arg4: memref<32x2x40x128xi32, #tpu.memory_space<hbm>>, %arg5: memref<64x128xf32, #tpu.memory_space<hbm>>, %arg6: memref<2x10240x128xf32, #tpu.memory_space<hbm>>, %arg7: memref<40x128xi32, #tpu.memory_space<vmem>>, %arg8: memref<40x128xi32, #tpu.memory_space<vmem>>, %arg9: memref<2x128x128xf32, #tpu.memory_space<vmem>>, %arg10: memref<10240x128xf32, #tpu.memory_space<vmem_shared>>, %arg11: memref<2x!tpu.dma_semaphore, #tpu.memory_space<semaphore_mem>>) attributes {dimension_semantics = [#tpu.dimension_semantics<core_parallel>, #tpu.dimension_semantics<subcore_parallel>], iteration_bounds = array<i64: 2, 16>, scalar_prefetch = 0 : i64, scratch_operands = 5 : i64, tpu.core_type = #tpu.core_type<sc_vector_subcore>, window_params = [{transform_indices = #map}, {transform_indices = #map1}, {transform_indices = #map1}, {transform_indices = #map}, {transform_indices = #map2}]} {
    %mul3A = arith.constant 16 : i32
    %mul3A_0 = arith.muli %arg0, %mul3A : i32
    %add3A = arith.addi %mul3A_0, %arg1 : i32
    %run_scoped3A = arith.constant 0 : i32
    "tpu.region"() ({
      %run_scoped3A_159 = tpu.sem_alloc : memref<!tpu.dma_semaphore, #tpu.memory_space<semaphore_mem>>
      %dma_start3A_160 = arith.constant 0 : i32
      %dma_start3A_161 = arith.constant 0 : i32
      %dma_start3A_162 = tpu.memref_slice %arg9[%run_scoped3A, %dma_start3A_160, %dma_start3A_161] : memref<2x128x128xf32, #tpu.memory_space<vmem>> -> memref<1x64x128xf32, #tpu.memory_space<vmem>>
      %dma_start3A_163 = tpu.memref_squeeze %dma_start3A_162 : memref<1x64x128xf32, #tpu.memory_space<vmem>> -> memref<64x128xf32, #tpu.memory_space<vmem>>
      %dma_start3A_164 = arith.constant 0 : i32
      %dma_start3A_165 = arith.constant 0 : i32
      %dma_start3A_166 = tpu.memref_slice %arg9[%run_scoped3A, %dma_start3A_164, %dma_start3A_165] : memref<2x128x128xf32, #tpu.memory_space<vmem>> -> memref<1x64x128xf32, #tpu.memory_space<vmem>>
      %dma_start3A_167 = tpu.memref_squeeze %dma_start3A_166 : memref<1x64x128xf32, #tpu.memory_space<vmem>> -> memref<64x128xf32, #tpu.memory_space<vmem>>
      tpu.enqueue_dma source(%arg5 : memref<64x128xf32, #tpu.memory_space<hbm>>) target(%dma_start3A_167 : memref<64x128xf32, #tpu.memory_space<vmem>>) target_semaphore(%run_scoped3A_159 : memref<!tpu.dma_semaphore, #tpu.memory_space<semaphore_mem>>)
      %dma_wait3A_168 = arith.constant 0 : i32
      %dma_wait3A_169 = arith.constant 0 : i32
      %dma_wait3A_170 = tpu.memref_slice %arg9[%run_scoped3A, %dma_wait3A_168, %dma_wait3A_169] : memref<2x128x128xf32, #tpu.memory_space<vmem>> -> memref<1x64x128xf32, #tpu.memory_space<vmem>>
      %dma_wait3A_171 = tpu.memref_squeeze %dma_wait3A_170 : memref<1x64x128xf32, #tpu.memory_space<vmem>> -> memref<64x128xf32, #tpu.memory_space<vmem>>
      %dma_wait3A_172 = arith.constant 0 : i32
      %dma_wait3A_173 = arith.constant 0 : i32
      %dma_wait3A_174 = tpu.memref_slice %arg9[%run_scoped3A, %dma_wait3A_172, %dma_wait3A_173] : memref<2x128x128xf32, #tpu.memory_space<vmem>> -> memref<1x64x128xf32, #tpu.memory_space<vmem>>
      %dma_wait3A_175 = tpu.memref_squeeze %dma_wait3A_174 : memref<1x64x128xf32, #tpu.memory_space<vmem>> -> memref<64x128xf32, #tpu.memory_space<vmem>>
      tpu.wait_dma2 semaphore(%run_scoped3A_159 : memref<!tpu.dma_semaphore, #tpu.memory_space<semaphore_mem>>) src(%arg5 : memref<64x128xf32, #tpu.memory_space<hbm>>) dst(%dma_wait3A_175 : memref<64x128xf32, #tpu.memory_space<vmem>>)
      tpu.yield
    }) : () -> ()
    %mul3A_1 = arith.constant 640 : i32
    %mul3A_2 = arith.muli %arg1, %mul3A_1 : i32
    %add3A_3 = arith.constant 0 : i32
    %add3A_4 = arith.addi %mul3A_2, %add3A_3 : i32
    %run_scoped3A_5 = arith.constant 0 : i32
    "tpu.region"() ({
      %run_scoped3A_159 = tpu.sem_alloc : memref<!tpu.dma_semaphore, #tpu.memory_space<semaphore_mem>>
      %dma_start3A_160 = arith.constant 0 : i32
      %dma_start3A_161 = arith.constant 0 : i32
      %dma_start3A_162 = tpu.memref_slice %arg9[%run_scoped3A_5, %dma_start3A_160, %dma_start3A_161] : memref<2x128x128xf32, #tpu.memory_space<vmem>> -> memref<1x64x128xf32, #tpu.memory_space<vmem>>
      %dma_start3A_163 = tpu.memref_squeeze %dma_start3A_162 : memref<1x64x128xf32, #tpu.memory_space<vmem>> -> memref<64x128xf32, #tpu.memory_space<vmem>>
      %dma_start3A_164 = arith.constant 0 : i32
      %dma_start3A_165 = tpu.memref_slice %arg10[%add3A_4, %dma_start3A_164] : memref<10240x128xf32, #tpu.memory_space<vmem_shared>> -> memref<64x128xf32, #tpu.memory_space<vmem_shared>>
      %dma_start3A_166 = arith.constant 0 : i32
      %dma_start3A_167 = tpu.memref_slice %arg10[%add3A_4, %dma_start3A_166] : memref<10240x128xf32, #tpu.memory_space<vmem_shared>> -> memref<64x128xf32, #tpu.memory_space<vmem_shared>>
      %dma_start3A_168 = arith.constant 0 : i32
      %dma_start3A_169 = arith.constant 0 : i32
      %dma_start3A_170 = tpu.memref_slice %arg9[%run_scoped3A_5, %dma_start3A_168, %dma_start3A_169] : memref<2x128x128xf32, #tpu.memory_space<vmem>> -> memref<1x64x128xf32, #tpu.memory_space<vmem>>
      %dma_start3A_171 = tpu.memref_squeeze %dma_start3A_170 : memref<1x64x128xf32, #tpu.memory_space<vmem>> -> memref<64x128xf32, #tpu.memory_space<vmem>>
      tpu.enqueue_dma source(%dma_start3A_171 : memref<64x128xf32, #tpu.memory_space<vmem>>) target(%dma_start3A_167 : memref<64x128xf32, #tpu.memory_space<vmem_shared>>) target_semaphore(%run_scoped3A_159 : memref<!tpu.dma_semaphore, #tpu.memory_space<semaphore_mem>>)
      %dma_wait3A_172 = arith.constant 0 : i32
      %dma_wait3A_173 = arith.constant 0 : i32
      %dma_wait3A_174 = tpu.memref_slice %arg9[%run_scoped3A_5, %dma_wait3A_172, %dma_wait3A_173] : memref<2x128x128xf32, #tpu.memory_space<vmem>> -> memref<1x64x128xf32, #tpu.memory_space<vmem>>
      %dma_wait3A_175 = tpu.memref_squeeze %dma_wait3A_174 : memref<1x64x128xf32, #tpu.memory_space<vmem>> -> memref<64x128xf32, #tpu.memory_space<vmem>>
      %dma_wait3A_176 = arith.constant 0 : i32
      %dma_wait3A_177 = tpu.memref_slice %arg10[%add3A_4, %dma_wait3A_176] : memref<10240x128xf32, #tpu.memory_space<vmem_shared>> -> memref<64x128xf32, #tpu.memory_space<vmem_shared>>
      %dma_wait3A_178 = arith.constant 0 : i32
      %dma_wait3A_179 = tpu.memref_slice %arg10[%add3A_4, %dma_wait3A_178] : memref<10240x128xf32, #tpu.memory_space<vmem_shared>> -> memref<64x128xf32, #tpu.memory_space<vmem_shared>>
      %dma_wait3A_180 = arith.constant 0 : i32
      %dma_wait3A_181 = arith.constant 0 : i32
      %dma_wait3A_182 = tpu.memref_slice %arg9[%run_scoped3A_5, %dma_wait3A_180, %dma_wait3A_181] : memref<2x128x128xf32, #tpu.memory_space<vmem>> -> memref<1x64x128xf32, #tpu.memory_space<vmem>>
      %dma_wait3A_183 = tpu.memref_squeeze %dma_wait3A_182 : memref<1x64x128xf32, #tpu.memory_space<vmem>> -> memref<64x128xf32, #tpu.memory_space<vmem>>
      tpu.wait_dma2 semaphore(%run_scoped3A_159 : memref<!tpu.dma_semaphore, #tpu.memory_space<semaphore_mem>>) src(%dma_wait3A_183 : memref<64x128xf32, #tpu.memory_space<vmem>>) dst(%dma_wait3A_179 : memref<64x128xf32, #tpu.memory_space<vmem_shared>>)
      tpu.yield
    }) : () -> ()
    %mul3A_6 = arith.constant 640 : i32
    %mul3A_7 = arith.muli %arg1, %mul3A_6 : i32
    %add3A_8 = arith.constant 64 : i32
    %add3A_9 = arith.addi %mul3A_7, %add3A_8 : i32
    %run_scoped3A_10 = arith.constant 0 : i32
    "tpu.region"() ({
      %run_scoped3A_159 = tpu.sem_alloc : memref<!tpu.dma_semaphore, #tpu.memory_space<semaphore_mem>>
      %dma_start3A_160 = arith.constant 0 : i32
      %dma_start3A_161 = arith.constant 0 : i32
      %dma_start3A_162 = tpu.memref_slice %arg9[%run_scoped3A_10, %dma_start3A_160, %dma_start3A_161] : memref<2x128x128xf32, #tpu.memory_space<vmem>> -> memref<1x64x128xf32, #tpu.memory_space<vmem>>
      %dma_start3A_163 = tpu.memref_squeeze %dma_start3A_162 : memref<1x64x128xf32, #tpu.memory_space<vmem>> -> memref<64x128xf32, #tpu.memory_space<vmem>>
      %dma_start3A_164 = arith.constant 0 : i32
      %dma_start3A_165 = tpu.memref_slice %arg10[%add3A_9, %dma_start3A_164] : memref<10240x128xf32, #tpu.memory_space<vmem_shared>> -> memref<64x128xf32, #tpu.memory_space<vmem_shared>>
      %dma_start3A_166 = arith.constant 0 : i32
      %dma_start3A_167 = tpu.memref_slice %arg10[%add3A_9, %dma_start3A_166] : memref<10240x128xf32, #tpu.memory_space<vmem_shared>> -> memref<64x128xf32, #tpu.memory_space<vmem_shared>>
      %dma_start3A_168 = arith.constant 0 : i32
      %dma_start3A_169 = arith.constant 0 : i32
      %dma_start3A_170 = tpu.memref_slice %arg9[%run_scoped3A_10, %dma_start3A_168, %dma_start3A_169] : memref<2x128x128xf32, #tpu.memory_space<vmem>> -> memref<1x64x128xf32, #tpu.memory_space<vmem>>
      %dma_start3A_171 = tpu.memref_squeeze %dma_start3A_170 : memref<1x64x128xf32, #tpu.memory_space<vmem>> -> memref<64x128xf32, #tpu.memory_space<vmem>>
      tpu.enqueue_dma source(%dma_start3A_171 : memref<64x128xf32, #tpu.memory_space<vmem>>) target(%dma_start3A_167 : memref<64x128xf32, #tpu.memory_space<vmem_shared>>) target_semaphore(%run_scoped3A_159 : memref<!tpu.dma_semaphore, #tpu.memory_space<semaphore_mem>>)
      %dma_wait3A_172 = arith.constant 0 : i32
      %dma_wait3A_173 = arith.constant 0 : i32
      %dma_wait3A_174 = tpu.memref_slice %arg9[%run_scoped3A_10, %dma_wait3A_172, %dma_wait3A_173] : memref<2x128x128xf32, #tpu.memory_space<vmem>> -> memref<1x64x128xf32, #tpu.memory_space<vmem>>
      %dma_wait3A_175 = tpu.memref_squeeze %dma_wait3A_174 : memref<1x64x128xf32, #tpu.memory_space<vmem>> -> memref<64x128xf32, #tpu.memory_space<vmem>>
      %dma_wait3A_176 = arith.constant 0 : i32
      %dma_wait3A_177 = tpu.memref_slice %arg10[%add3A_9, %dma_wait3A_176] : memref<10240x128xf32, #tpu.memory_space<vmem_shared>> -> memref<64x128xf32, #tpu.memory_space<vmem_shared>>
      %dma_wait3A_178 = arith.constant 0 : i32
      %dma_wait3A_179 = tpu.memref_slice %arg10[%add3A_9, %dma_wait3A_178] : memref<10240x128xf32, #tpu.memory_space<vmem_shared>> -> memref<64x128xf32, #tpu.memory_space<vmem_shared>>
      %dma_wait3A_180 = arith.constant 0 : i32
      %dma_wait3A_181 = arith.constant 0 : i32
      %dma_wait3A_182 = tpu.memref_slice %arg9[%run_scoped3A_10, %dma_wait3A_180, %dma_wait3A_181] : memref<2x128x128xf32, #tpu.memory_space<vmem>> -> memref<1x64x128xf32, #tpu.memory_space<vmem>>
      %dma_wait3A_183 = tpu.memref_squeeze %dma_wait3A_182 : memref<1x64x128xf32, #tpu.memory_space<vmem>> -> memref<64x128xf32, #tpu.memory_space<vmem>>
      tpu.wait_dma2 semaphore(%run_scoped3A_159 : memref<!tpu.dma_semaphore, #tpu.memory_space<semaphore_mem>>) src(%dma_wait3A_183 : memref<64x128xf32, #tpu.memory_space<vmem>>) dst(%dma_wait3A_179 : memref<64x128xf32, #tpu.memory_space<vmem_shared>>)
      tpu.yield
    }) : () -> ()
    %mul3A_11 = arith.constant 640 : i32
    %mul3A_12 = arith.muli %arg1, %mul3A_11 : i32
    %add3A_13 = arith.constant 128 : i32
    %add3A_14 = arith.addi %mul3A_12, %add3A_13 : i32
    %run_scoped3A_15 = arith.constant 0 : i32
    "tpu.region"() ({
      %run_scoped3A_159 = tpu.sem_alloc : memref<!tpu.dma_semaphore, #tpu.memory_space<semaphore_mem>>
      %dma_start3A_160 = arith.constant 0 : i32
      %dma_start3A_161 = arith.constant 0 : i32
      %dma_start3A_162 = tpu.memref_slice %arg9[%run_scoped3A_15, %dma_start3A_160, %dma_start3A_161] : memref<2x128x128xf32, #tpu.memory_space<vmem>> -> memref<1x64x128xf32, #tpu.memory_space<vmem>>
      %dma_start3A_163 = tpu.memref_squeeze %dma_start3A_162 : memref<1x64x128xf32, #tpu.memory_space<vmem>> -> memref<64x128xf32, #tpu.memory_space<vmem>>
      %dma_start3A_164 = arith.constant 0 : i32
      %dma_start3A_165 = tpu.memref_slice %arg10[%add3A_14, %dma_start3A_164] : memref<10240x128xf32, #tpu.memory_space<vmem_shared>> -> memref<64x128xf32, #tpu.memory_space<vmem_shared>>
      %dma_start3A_166 = arith.constant 0 : i32
      %dma_start3A_167 = tpu.memref_slice %arg10[%add3A_14, %dma_start3A_166] : memref<10240x128xf32, #tpu.memory_space<vmem_shared>> -> memref<64x128xf32, #tpu.memory_space<vmem_shared>>
      %dma_start3A_168 = arith.constant 0 : i32
      %dma_start3A_169 = arith.constant 0 : i32
      %dma_start3A_170 = tpu.memref_slice %arg9[%run_scoped3A_15, %dma_start3A_168, %dma_start3A_169] : memref<2x128x128xf32, #tpu.memory_space<vmem>> -> memref<1x64x128xf32, #tpu.memory_space<vmem>>
      %dma_start3A_171 = tpu.memref_squeeze %dma_start3A_170 : memref<1x64x128xf32, #tpu.memory_space<vmem>> -> memref<64x128xf32, #tpu.memory_space<vmem>>
      tpu.enqueue_dma source(%dma_start3A_171 : memref<64x128xf32, #tpu.memory_space<vmem>>) target(%dma_start3A_167 : memref<64x128xf32, #tpu.memory_space<vmem_shared>>) target_semaphore(%run_scoped3A_159 : memref<!tpu.dma_semaphore, #tpu.memory_space<semaphore_mem>>)
      %dma_wait3A_172 = arith.constant 0 : i32
      %dma_wait3A_173 = arith.constant 0 : i32
      %dma_wait3A_174 = tpu.memref_slice %arg9[%run_scoped3A_15, %dma_wait3A_172, %dma_wait3A_173] : memref<2x128x128xf32, #tpu.memory_space<vmem>> -> memref<1x64x128xf32, #tpu.memory_space<vmem>>
      %dma_wait3A_175 = tpu.memref_squeeze %dma_wait3A_174 : memref<1x64x128xf32, #tpu.memory_space<vmem>> -> memref<64x128xf32, #tpu.memory_space<vmem>>
      %dma_wait3A_176 = arith.constant 0 : i32
      %dma_wait3A_177 = tpu.memref_slice %arg10[%add3A_14, %dma_wait3A_176] : memref<10240x128xf32, #tpu.memory_space<vmem_shared>> -> memref<64x128xf32, #tpu.memory_space<vmem_shared>>
      %dma_wait3A_178 = arith.constant 0 : i32
      %dma_wait3A_179 = tpu.memref_slice %arg10[%add3A_14, %dma_wait3A_178] : memref<10240x128xf32, #tpu.memory_space<vmem_shared>> -> memref<64x128xf32, #tpu.memory_space<vmem_shared>>
      %dma_wait3A_180 = arith.constant 0 : i32
      %dma_wait3A_181 = arith.constant 0 : i32
      %dma_wait3A_182 = tpu.memref_slice %arg9[%run_scoped3A_15, %dma_wait3A_180, %dma_wait3A_181] : memref<2x128x128xf32, #tpu.memory_space<vmem>> -> memref<1x64x128xf32, #tpu.memory_space<vmem>>
      %dma_wait3A_183 = tpu.memref_squeeze %dma_wait3A_182 : memref<1x64x128xf32, #tpu.memory_space<vmem>> -> memref<64x128xf32, #tpu.memory_space<vmem>>
      tpu.wait_dma2 semaphore(%run_scoped3A_159 : memref<!tpu.dma_semaphore, #tpu.memory_space<semaphore_mem>>) src(%dma_wait3A_183 : memref<64x128xf32, #tpu.memory_space<vmem>>) dst(%dma_wait3A_179 : memref<64x128xf32, #tpu.memory_space<vmem_shared>>)
      tpu.yield
    }) : () -> ()
    %mul3A_16 = arith.constant 640 : i32
    %mul3A_17 = arith.muli %arg1, %mul3A_16 : i32
    %add3A_18 = arith.constant 192 : i32
    %add3A_19 = arith.addi %mul3A_17, %add3A_18 : i32
    %run_scoped3A_20 = arith.constant 0 : i32
    "tpu.region"() ({
      %run_scoped3A_159 = tpu.sem_alloc : memref<!tpu.dma_semaphore, #tpu.memory_space<semaphore_mem>>
      %dma_start3A_160 = arith.constant 0 : i32
      %dma_start3A_161 = arith.constant 0 : i32
      %dma_start3A_162 = tpu.memref_slice %arg9[%run_scoped3A_20, %dma_start3A_160, %dma_start3A_161] : memref<2x128x128xf32, #tpu.memory_space<vmem>> -> memref<1x64x128xf32, #tpu.memory_space<vmem>>
      %dma_start3A_163 = tpu.memref_squeeze %dma_start3A_162 : memref<1x64x128xf32, #tpu.memory_space<vmem>> -> memref<64x128xf32, #tpu.memory_space<vmem>>
      %dma_start3A_164 = arith.constant 0 : i32
      %dma_start3A_165 = tpu.memref_slice %arg10[%add3A_19, %dma_start3A_164] : memref<10240x128xf32, #tpu.memory_space<vmem_shared>> -> memref<64x128xf32, #tpu.memory_space<vmem_shared>>
      %dma_start3A_166 = arith.constant 0 : i32
      %dma_start3A_167 = tpu.memref_slice %arg10[%add3A_19, %dma_start3A_166] : memref<10240x128xf32, #tpu.memory_space<vmem_shared>> -> memref<64x128xf32, #tpu.memory_space<vmem_shared>>
      %dma_start3A_168 = arith.constant 0 : i32
      %dma_start3A_169 = arith.constant 0 : i32
      %dma_start3A_170 = tpu.memref_slice %arg9[%run_scoped3A_20, %dma_start3A_168, %dma_start3A_169] : memref<2x128x128xf32, #tpu.memory_space<vmem>> -> memref<1x64x128xf32, #tpu.memory_space<vmem>>
      %dma_start3A_171 = tpu.memref_squeeze %dma_start3A_170 : memref<1x64x128xf32, #tpu.memory_space<vmem>> -> memref<64x128xf32, #tpu.memory_space<vmem>>
      tpu.enqueue_dma source(%dma_start3A_171 : memref<64x128xf32, #tpu.memory_space<vmem>>) target(%dma_start3A_167 : memref<64x128xf32, #tpu.memory_space<vmem_shared>>) target_semaphore(%run_scoped3A_159 : memref<!tpu.dma_semaphore, #tpu.memory_space<semaphore_mem>>)
      %dma_wait3A_172 = arith.constant 0 : i32
      %dma_wait3A_173 = arith.constant 0 : i32
      %dma_wait3A_174 = tpu.memref_slice %arg9[%run_scoped3A_20, %dma_wait3A_172, %dma_wait3A_173] : memref<2x128x128xf32, #tpu.memory_space<vmem>> -> memref<1x64x128xf32, #tpu.memory_space<vmem>>
      %dma_wait3A_175 = tpu.memref_squeeze %dma_wait3A_174 : memref<1x64x128xf32, #tpu.memory_space<vmem>> -> memref<64x128xf32, #tpu.memory_space<vmem>>
      %dma_wait3A_176 = arith.constant 0 : i32
      %dma_wait3A_177 = tpu.memref_slice %arg10[%add3A_19, %dma_wait3A_176] : memref<10240x128xf32, #tpu.memory_space<vmem_shared>> -> memref<64x128xf32, #tpu.memory_space<vmem_shared>>
      %dma_wait3A_178 = arith.constant 0 : i32
      %dma_wait3A_179 = tpu.memref_slice %arg10[%add3A_19, %dma_wait3A_178] : memref<10240x128xf32, #tpu.memory_space<vmem_shared>> -> memref<64x128xf32, #tpu.memory_space<vmem_shared>>
      %dma_wait3A_180 = arith.constant 0 : i32
      %dma_wait3A_181 = arith.constant 0 : i32
      %dma_wait3A_182 = tpu.memref_slice %arg9[%run_scoped3A_20, %dma_wait3A_180, %dma_wait3A_181] : memref<2x128x128xf32, #tpu.memory_space<vmem>> -> memref<1x64x128xf32, #tpu.memory_space<vmem>>
      %dma_wait3A_183 = tpu.memref_squeeze %dma_wait3A_182 : memref<1x64x128xf32, #tpu.memory_space<vmem>> -> memref<64x128xf32, #tpu.memory_space<vmem>>
      tpu.wait_dma2 semaphore(%run_scoped3A_159 : memref<!tpu.dma_semaphore, #tpu.memory_space<semaphore_mem>>) src(%dma_wait3A_183 : memref<64x128xf32, #tpu.memory_space<vmem>>) dst(%dma_wait3A_179 : memref<64x128xf32, #tpu.memory_space<vmem_shared>>)
      tpu.yield
    }) : () -> ()
    %mul3A_21 = arith.constant 640 : i32
    %mul3A_22 = arith.muli %arg1, %mul3A_21 : i32
    %add3A_23 = arith.constant 256 : i32
    %add3A_24 = arith.addi %mul3A_22, %add3A_23 : i32
    %run_scoped3A_25 = arith.constant 0 : i32
    "tpu.region"() ({
      %run_scoped3A_159 = tpu.sem_alloc : memref<!tpu.dma_semaphore, #tpu.memory_space<semaphore_mem>>
      %dma_start3A_160 = arith.constant 0 : i32
      %dma_start3A_161 = arith.constant 0 : i32
      %dma_start3A_162 = tpu.memref_slice %arg9[%run_scoped3A_25, %dma_start3A_160, %dma_start3A_161] : memref<2x128x128xf32, #tpu.memory_space<vmem>> -> memref<1x64x128xf32, #tpu.memory_space<vmem>>
      %dma_start3A_163 = tpu.memref_squeeze %dma_start3A_162 : memref<1x64x128xf32, #tpu.memory_space<vmem>> -> memref<64x128xf32, #tpu.memory_space<vmem>>
      %dma_start3A_164 = arith.constant 0 : i32
      %dma_start3A_165 = tpu.memref_slice %arg10[%add3A_24, %dma_start3A_164] : memref<10240x128xf32, #tpu.memory_space<vmem_shared>> -> memref<64x128xf32, #tpu.memory_space<vmem_shared>>
      %dma_start3A_166 = arith.constant 0 : i32
      %dma_start3A_167 = tpu.memref_slice %arg10[%add3A_24, %dma_start3A_166] : memref<10240x128xf32, #tpu.memory_space<vmem_shared>> -> memref<64x128xf32, #tpu.memory_space<vmem_shared>>
      %dma_start3A_168 = arith.constant 0 : i32
      %dma_start3A_169 = arith.constant 0 : i32
      %dma_start3A_170 = tpu.memref_slice %arg9[%run_scoped3A_25, %dma_start3A_168, %dma_start3A_169] : memref<2x128x128xf32, #tpu.memory_space<vmem>> -> memref<1x64x128xf32, #tpu.memory_space<vmem>>
      %dma_start3A_171 = tpu.memref_squeeze %dma_start3A_170 : memref<1x64x128xf32, #tpu.memory_space<vmem>> -> memref<64x128xf32, #tpu.memory_space<vmem>>
      tpu.enqueue_dma source(%dma_start3A_171 : memref<64x128xf32, #tpu.memory_space<vmem>>) target(%dma_start3A_167 : memref<64x128xf32, #tpu.memory_space<vmem_shared>>) target_semaphore(%run_scoped3A_159 : memref<!tpu.dma_semaphore, #tpu.memory_space<semaphore_mem>>)
      %dma_wait3A_172 = arith.constant 0 : i32
      %dma_wait3A_173 = arith.constant 0 : i32
      %dma_wait3A_174 = tpu.memref_slice %arg9[%run_scoped3A_25, %dma_wait3A_172, %dma_wait3A_173] : memref<2x128x128xf32, #tpu.memory_space<vmem>> -> memref<1x64x128xf32, #tpu.memory_space<vmem>>
      %dma_wait3A_175 = tpu.memref_squeeze %dma_wait3A_174 : memref<1x64x128xf32, #tpu.memory_space<vmem>> -> memref<64x128xf32, #tpu.memory_space<vmem>>
      %dma_wait3A_176 = arith.constant 0 : i32
      %dma_wait3A_177 = tpu.memref_slice %arg10[%add3A_24, %dma_wait3A_176] : memref<10240x128xf32, #tpu.memory_space<vmem_shared>> -> memref<64x128xf32, #tpu.memory_space<vmem_shared>>
      %dma_wait3A_178 = arith.constant 0 : i32
      %dma_wait3A_179 = tpu.memref_slice %arg10[%add3A_24, %dma_wait3A_178] : memref<10240x128xf32, #tpu.memory_space<vmem_shared>> -> memref<64x128xf32, #tpu.memory_space<vmem_shared>>
      %dma_wait3A_180 = arith.constant 0 : i32
      %dma_wait3A_181 = arith.constant 0 : i32
      %dma_wait3A_182 = tpu.memref_slice %arg9[%run_scoped3A_25, %dma_wait3A_180, %dma_wait3A_181] : memref<2x128x128xf32, #tpu.memory_space<vmem>> -> memref<1x64x128xf32, #tpu.memory_space<vmem>>
      %dma_wait3A_183 = tpu.memref_squeeze %dma_wait3A_182 : memref<1x64x128xf32, #tpu.memory_space<vmem>> -> memref<64x128xf32, #tpu.memory_space<vmem>>
      tpu.wait_dma2 semaphore(%run_scoped3A_159 : memref<!tpu.dma_semaphore, #tpu.memory_space<semaphore_mem>>) src(%dma_wait3A_183 : memref<64x128xf32, #tpu.memory_space<vmem>>) dst(%dma_wait3A_179 : memref<64x128xf32, #tpu.memory_space<vmem_shared>>)
      tpu.yield
    }) : () -> ()
    %mul3A_26 = arith.constant 640 : i32
    %mul3A_27 = arith.muli %arg1, %mul3A_26 : i32
    %add3A_28 = arith.constant 320 : i32
    %add3A_29 = arith.addi %mul3A_27, %add3A_28 : i32
    %run_scoped3A_30 = arith.constant 0 : i32
    "tpu.region"() ({
      %run_scoped3A_159 = tpu.sem_alloc : memref<!tpu.dma_semaphore, #tpu.memory_space<semaphore_mem>>
      %dma_start3A_160 = arith.constant 0 : i32
      %dma_start3A_161 = arith.constant 0 : i32
      %dma_start3A_162 = tpu.memref_slice %arg9[%run_scoped3A_30, %dma_start3A_160, %dma_start3A_161] : memref<2x128x128xf32, #tpu.memory_space<vmem>> -> memref<1x64x128xf32, #tpu.memory_space<vmem>>
      %dma_start3A_163 = tpu.memref_squeeze %dma_start3A_162 : memref<1x64x128xf32, #tpu.memory_space<vmem>> -> memref<64x128xf32, #tpu.memory_space<vmem>>
      %dma_start3A_164 = arith.constant 0 : i32
      %dma_start3A_165 = tpu.memref_slice %arg10[%add3A_29, %dma_start3A_164] : memref<10240x128xf32, #tpu.memory_space<vmem_shared>> -> memref<64x128xf32, #tpu.memory_space<vmem_shared>>
      %dma_start3A_166 = arith.constant 0 : i32
      %dma_start3A_167 = tpu.memref_slice %arg10[%add3A_29, %dma_start3A_166] : memref<10240x128xf32, #tpu.memory_space<vmem_shared>> -> memref<64x128xf32, #tpu.memory_space<vmem_shared>>
      %dma_start3A_168 = arith.constant 0 : i32
      %dma_start3A_169 = arith.constant 0 : i32
      %dma_start3A_170 = tpu.memref_slice %arg9[%run_scoped3A_30, %dma_start3A_168, %dma_start3A_169] : memref<2x128x128xf32, #tpu.memory_space<vmem>> -> memref<1x64x128xf32, #tpu.memory_space<vmem>>
      %dma_start3A_171 = tpu.memref_squeeze %dma_start3A_170 : memref<1x64x128xf32, #tpu.memory_space<vmem>> -> memref<64x128xf32, #tpu.memory_space<vmem>>
      tpu.enqueue_dma source(%dma_start3A_171 : memref<64x128xf32, #tpu.memory_space<vmem>>) target(%dma_start3A_167 : memref<64x128xf32, #tpu.memory_space<vmem_shared>>) target_semaphore(%run_scoped3A_159 : memref<!tpu.dma_semaphore, #tpu.memory_space<semaphore_mem>>)
      %dma_wait3A_172 = arith.constant 0 : i32
      %dma_wait3A_173 = arith.constant 0 : i32
      %dma_wait3A_174 = tpu.memref_slice %arg9[%run_scoped3A_30, %dma_wait3A_172, %dma_wait3A_173] : memref<2x128x128xf32, #tpu.memory_space<vmem>> -> memref<1x64x128xf32, #tpu.memory_space<vmem>>
      %dma_wait3A_175 = tpu.memref_squeeze %dma_wait3A_174 : memref<1x64x128xf32, #tpu.memory_space<vmem>> -> memref<64x128xf32, #tpu.memory_space<vmem>>
      %dma_wait3A_176 = arith.constant 0 : i32
      %dma_wait3A_177 = tpu.memref_slice %arg10[%add3A_29, %dma_wait3A_176] : memref<10240x128xf32, #tpu.memory_space<vmem_shared>> -> memref<64x128xf32, #tpu.memory_space<vmem_shared>>
      %dma_wait3A_178 = arith.constant 0 : i32
      %dma_wait3A_179 = tpu.memref_slice %arg10[%add3A_29, %dma_wait3A_178] : memref<10240x128xf32, #tpu.memory_space<vmem_shared>> -> memref<64x128xf32, #tpu.memory_space<vmem_shared>>
      %dma_wait3A_180 = arith.constant 0 : i32
      %dma_wait3A_181 = arith.constant 0 : i32
      %dma_wait3A_182 = tpu.memref_slice %arg9[%run_scoped3A_30, %dma_wait3A_180, %dma_wait3A_181] : memref<2x128x128xf32, #tpu.memory_space<vmem>> -> memref<1x64x128xf32, #tpu.memory_space<vmem>>
      %dma_wait3A_183 = tpu.memref_squeeze %dma_wait3A_182 : memref<1x64x128xf32, #tpu.memory_space<vmem>> -> memref<64x128xf32, #tpu.memory_space<vmem>>
      tpu.wait_dma2 semaphore(%run_scoped3A_159 : memref<!tpu.dma_semaphore, #tpu.memory_space<semaphore_mem>>) src(%dma_wait3A_183 : memref<64x128xf32, #tpu.memory_space<vmem>>) dst(%dma_wait3A_179 : memref<64x128xf32, #tpu.memory_space<vmem_shared>>)
      tpu.yield
    }) : () -> ()
    %mul3A_31 = arith.constant 640 : i32
    %mul3A_32 = arith.muli %arg1, %mul3A_31 : i32
    %add3A_33 = arith.constant 384 : i32
    %add3A_34 = arith.addi %mul3A_32, %add3A_33 : i32
    %run_scoped3A_35 = arith.constant 0 : i32
    "tpu.region"() ({
      %run_scoped3A_159 = tpu.sem_alloc : memref<!tpu.dma_semaphore, #tpu.memory_space<semaphore_mem>>
      %dma_start3A_160 = arith.constant 0 : i32
      %dma_start3A_161 = arith.constant 0 : i32
      %dma_start3A_162 = tpu.memref_slice %arg9[%run_scoped3A_35, %dma_start3A_160, %dma_start3A_161] : memref<2x128x128xf32, #tpu.memory_space<vmem>> -> memref<1x64x128xf32, #tpu.memory_space<vmem>>
      %dma_start3A_163 = tpu.memref_squeeze %dma_start3A_162 : memref<1x64x128xf32, #tpu.memory_space<vmem>> -> memref<64x128xf32, #tpu.memory_space<vmem>>
      %dma_start3A_164 = arith.constant 0 : i32
      %dma_start3A_165 = tpu.memref_slice %arg10[%add3A_34, %dma_start3A_164] : memref<10240x128xf32, #tpu.memory_space<vmem_shared>> -> memref<64x128xf32, #tpu.memory_space<vmem_shared>>
      %dma_start3A_166 = arith.constant 0 : i32
      %dma_start3A_167 = tpu.memref_slice %arg10[%add3A_34, %dma_start3A_166] : memref<10240x128xf32, #tpu.memory_space<vmem_shared>> -> memref<64x128xf32, #tpu.memory_space<vmem_shared>>
      %dma_start3A_168 = arith.constant 0 : i32
      %dma_start3A_169 = arith.constant 0 : i32
      %dma_start3A_170 = tpu.memref_slice %arg9[%run_scoped3A_35, %dma_start3A_168, %dma_start3A_169] : memref<2x128x128xf32, #tpu.memory_space<vmem>> -> memref<1x64x128xf32, #tpu.memory_space<vmem>>
      %dma_start3A_171 = tpu.memref_squeeze %dma_start3A_170 : memref<1x64x128xf32, #tpu.memory_space<vmem>> -> memref<64x128xf32, #tpu.memory_space<vmem>>
      tpu.enqueue_dma source(%dma_start3A_171 : memref<64x128xf32, #tpu.memory_space<vmem>>) target(%dma_start3A_167 : memref<64x128xf32, #tpu.memory_space<vmem_shared>>) target_semaphore(%run_scoped3A_159 : memref<!tpu.dma_semaphore, #tpu.memory_space<semaphore_mem>>)
      %dma_wait3A_172 = arith.constant 0 : i32
      %dma_wait3A_173 = arith.constant 0 : i32
      %dma_wait3A_174 = tpu.memref_slice %arg9[%run_scoped3A_35, %dma_wait3A_172, %dma_wait3A_173] : memref<2x128x128xf32, #tpu.memory_space<vmem>> -> memref<1x64x128xf32, #tpu.memory_space<vmem>>
      %dma_wait3A_175 = tpu.memref_squeeze %dma_wait3A_174 : memref<1x64x128xf32, #tpu.memory_space<vmem>> -> memref<64x128xf32, #tpu.memory_space<vmem>>
      %dma_wait3A_176 = arith.constant 0 : i32
      %dma_wait3A_177 = tpu.memref_slice %arg10[%add3A_34, %dma_wait3A_176] : memref<10240x128xf32, #tpu.memory_space<vmem_shared>> -> memref<64x128xf32, #tpu.memory_space<vmem_shared>>
      %dma_wait3A_178 = arith.constant 0 : i32
      %dma_wait3A_179 = tpu.memref_slice %arg10[%add3A_34, %dma_wait3A_178] : memref<10240x128xf32, #tpu.memory_space<vmem_shared>> -> memref<64x128xf32, #tpu.memory_space<vmem_shared>>
      %dma_wait3A_180 = arith.constant 0 : i32
      %dma_wait3A_181 = arith.constant 0 : i32
      %dma_wait3A_182 = tpu.memref_slice %arg9[%run_scoped3A_35, %dma_wait3A_180, %dma_wait3A_181] : memref<2x128x128xf32, #tpu.memory_space<vmem>> -> memref<1x64x128xf32, #tpu.memory_space<vmem>>
      %dma_wait3A_183 = tpu.memref_squeeze %dma_wait3A_182 : memref<1x64x128xf32, #tpu.memory_space<vmem>> -> memref<64x128xf32, #tpu.memory_space<vmem>>
      tpu.wait_dma2 semaphore(%run_scoped3A_159 : memref<!tpu.dma_semaphore, #tpu.memory_space<semaphore_mem>>) src(%dma_wait3A_183 : memref<64x128xf32, #tpu.memory_space<vmem>>) dst(%dma_wait3A_179 : memref<64x128xf32, #tpu.memory_space<vmem_shared>>)
      tpu.yield
    }) : () -> ()
    %mul3A_36 = arith.constant 640 : i32
    %mul3A_37 = arith.muli %arg1, %mul3A_36 : i32
    %add3A_38 = arith.constant 448 : i32
    %add3A_39 = arith.addi %mul3A_37, %add3A_38 : i32
    %run_scoped3A_40 = arith.constant 0 : i32
    "tpu.region"() ({
      %run_scoped3A_159 = tpu.sem_alloc : memref<!tpu.dma_semaphore, #tpu.memory_space<semaphore_mem>>
      %dma_start3A_160 = arith.constant 0 : i32
      %dma_start3A_161 = arith.constant 0 : i32
      %dma_start3A_162 = tpu.memref_slice %arg9[%run_scoped3A_40, %dma_start3A_160, %dma_start3A_161] : memref<2x128x128xf32, #tpu.memory_space<vmem>> -> memref<1x64x128xf32, #tpu.memory_space<vmem>>
      %dma_start3A_163 = tpu.memref_squeeze %dma_start3A_162 : memref<1x64x128xf32, #tpu.memory_space<vmem>> -> memref<64x128xf32, #tpu.memory_space<vmem>>
      %dma_start3A_164 = arith.constant 0 : i32
      %dma_start3A_165 = tpu.memref_slice %arg10[%add3A_39, %dma_start3A_164] : memref<10240x128xf32, #tpu.memory_space<vmem_shared>> -> memref<64x128xf32, #tpu.memory_space<vmem_shared>>
      %dma_start3A_166 = arith.constant 0 : i32
      %dma_start3A_167 = tpu.memref_slice %arg10[%add3A_39, %dma_start3A_166] : memref<10240x128xf32, #tpu.memory_space<vmem_shared>> -> memref<64x128xf32, #tpu.memory_space<vmem_shared>>
      %dma_start3A_168 = arith.constant 0 : i32
      %dma_start3A_169 = arith.constant 0 : i32
      %dma_start3A_170 = tpu.memref_slice %arg9[%run_scoped3A_40, %dma_start3A_168, %dma_start3A_169] : memref<2x128x128xf32, #tpu.memory_space<vmem>> -> memref<1x64x128xf32, #tpu.memory_space<vmem>>
      %dma_start3A_171 = tpu.memref_squeeze %dma_start3A_170 : memref<1x64x128xf32, #tpu.memory_space<vmem>> -> memref<64x128xf32, #tpu.memory_space<vmem>>
      tpu.enqueue_dma source(%dma_start3A_171 : memref<64x128xf32, #tpu.memory_space<vmem>>) target(%dma_start3A_167 : memref<64x128xf32, #tpu.memory_space<vmem_shared>>) target_semaphore(%run_scoped3A_159 : memref<!tpu.dma_semaphore, #tpu.memory_space<semaphore_mem>>)
      %dma_wait3A_172 = arith.constant 0 : i32
      %dma_wait3A_173 = arith.constant 0 : i32
      %dma_wait3A_174 = tpu.memref_slice %arg9[%run_scoped3A_40, %dma_wait3A_172, %dma_wait3A_173] : memref<2x128x128xf32, #tpu.memory_space<vmem>> -> memref<1x64x128xf32, #tpu.memory_space<vmem>>
      %dma_wait3A_175 = tpu.memref_squeeze %dma_wait3A_174 : memref<1x64x128xf32, #tpu.memory_space<vmem>> -> memref<64x128xf32, #tpu.memory_space<vmem>>
      %dma_wait3A_176 = arith.constant 0 : i32
      %dma_wait3A_177 = tpu.memref_slice %arg10[%add3A_39, %dma_wait3A_176] : memref<10240x128xf32, #tpu.memory_space<vmem_shared>> -> memref<64x128xf32, #tpu.memory_space<vmem_shared>>
      %dma_wait3A_178 = arith.constant 0 : i32
      %dma_wait3A_179 = tpu.memref_slice %arg10[%add3A_39, %dma_wait3A_178] : memref<10240x128xf32, #tpu.memory_space<vmem_shared>> -> memref<64x128xf32, #tpu.memory_space<vmem_shared>>
      %dma_wait3A_180 = arith.constant 0 : i32
      %dma_wait3A_181 = arith.constant 0 : i32
      %dma_wait3A_182 = tpu.memref_slice %arg9[%run_scoped3A_40, %dma_wait3A_180, %dma_wait3A_181] : memref<2x128x128xf32, #tpu.memory_space<vmem>> -> memref<1x64x128xf32, #tpu.memory_space<vmem>>
      %dma_wait3A_183 = tpu.memref_squeeze %dma_wait3A_182 : memref<1x64x128xf32, #tpu.memory_space<vmem>> -> memref<64x128xf32, #tpu.memory_space<vmem>>
      tpu.wait_dma2 semaphore(%run_scoped3A_159 : memref<!tpu.dma_semaphore, #tpu.memory_space<semaphore_mem>>) src(%dma_wait3A_183 : memref<64x128xf32, #tpu.memory_space<vmem>>) dst(%dma_wait3A_179 : memref<64x128xf32, #tpu.memory_space<vmem_shared>>)
      tpu.yield
    }) : () -> ()
    %mul3A_41 = arith.constant 640 : i32
    %mul3A_42 = arith.muli %arg1, %mul3A_41 : i32
    %add3A_43 = arith.constant 512 : i32
    %add3A_44 = arith.addi %mul3A_42, %add3A_43 : i32
    %run_scoped3A_45 = arith.constant 0 : i32
    "tpu.region"() ({
      %run_scoped3A_159 = tpu.sem_alloc : memref<!tpu.dma_semaphore, #tpu.memory_space<semaphore_mem>>
      %dma_start3A_160 = arith.constant 0 : i32
      %dma_start3A_161 = arith.constant 0 : i32
      %dma_start3A_162 = tpu.memref_slice %arg9[%run_scoped3A_45, %dma_start3A_160, %dma_start3A_161] : memref<2x128x128xf32, #tpu.memory_space<vmem>> -> memref<1x64x128xf32, #tpu.memory_space<vmem>>
      %dma_start3A_163 = tpu.memref_squeeze %dma_start3A_162 : memref<1x64x128xf32, #tpu.memory_space<vmem>> -> memref<64x128xf32, #tpu.memory_space<vmem>>
      %dma_start3A_164 = arith.constant 0 : i32
      %dma_start3A_165 = tpu.memref_slice %arg10[%add3A_44, %dma_start3A_164] : memref<10240x128xf32, #tpu.memory_space<vmem_shared>> -> memref<64x128xf32, #tpu.memory_space<vmem_shared>>
      %dma_start3A_166 = arith.constant 0 : i32
      %dma_start3A_167 = tpu.memref_slice %arg10[%add3A_44, %dma_start3A_166] : memref<10240x128xf32, #tpu.memory_space<vmem_shared>> -> memref<64x128xf32, #tpu.memory_space<vmem_shared>>
      %dma_start3A_168 = arith.constant 0 : i32
      %dma_start3A_169 = arith.constant 0 : i32
      %dma_start3A_170 = tpu.memref_slice %arg9[%run_scoped3A_45, %dma_start3A_168, %dma_start3A_169] : memref<2x128x128xf32, #tpu.memory_space<vmem>> -> memref<1x64x128xf32, #tpu.memory_space<vmem>>
      %dma_start3A_171 = tpu.memref_squeeze %dma_start3A_170 : memref<1x64x128xf32, #tpu.memory_space<vmem>> -> memref<64x128xf32, #tpu.memory_space<vmem>>
      tpu.enqueue_dma source(%dma_start3A_171 : memref<64x128xf32, #tpu.memory_space<vmem>>) target(%dma_start3A_167 : memref<64x128xf32, #tpu.memory_space<vmem_shared>>) target_semaphore(%run_scoped3A_159 : memref<!tpu.dma_semaphore, #tpu.memory_space<semaphore_mem>>)
      %dma_wait3A_172 = arith.constant 0 : i32
      %dma_wait3A_173 = arith.constant 0 : i32
      %dma_wait3A_174 = tpu.memref_slice %arg9[%run_scoped3A_45, %dma_wait3A_172, %dma_wait3A_173] : memref<2x128x128xf32, #tpu.memory_space<vmem>> -> memref<1x64x128xf32, #tpu.memory_space<vmem>>
      %dma_wait3A_175 = tpu.memref_squeeze %dma_wait3A_174 : memref<1x64x128xf32, #tpu.memory_space<vmem>> -> memref<64x128xf32, #tpu.memory_space<vmem>>
      %dma_wait3A_176 = arith.constant 0 : i32
      %dma_wait3A_177 = tpu.memref_slice %arg10[%add3A_44, %dma_wait3A_176] : memref<10240x128xf32, #tpu.memory_space<vmem_shared>> -> memref<64x128xf32, #tpu.memory_space<vmem_shared>>
      %dma_wait3A_178 = arith.constant 0 : i32
      %dma_wait3A_179 = tpu.memref_slice %arg10[%add3A_44, %dma_wait3A_178] : memref<10240x128xf32, #tpu.memory_space<vmem_shared>> -> memref<64x128xf32, #tpu.memory_space<vmem_shared>>
      %dma_wait3A_180 = arith.constant 0 : i32
      %dma_wait3A_181 = arith.constant 0 : i32
      %dma_wait3A_182 = tpu.memref_slice %arg9[%run_scoped3A_45, %dma_wait3A_180, %dma_wait3A_181] : memref<2x128x128xf32, #tpu.memory_space<vmem>> -> memref<1x64x128xf32, #tpu.memory_space<vmem>>
      %dma_wait3A_183 = tpu.memref_squeeze %dma_wait3A_182 : memref<1x64x128xf32, #tpu.memory_space<vmem>> -> memref<64x128xf32, #tpu.memory_space<vmem>>
      tpu.wait_dma2 semaphore(%run_scoped3A_159 : memref<!tpu.dma_semaphore, #tpu.memory_space<semaphore_mem>>) src(%dma_wait3A_183 : memref<64x128xf32, #tpu.memory_space<vmem>>) dst(%dma_wait3A_179 : memref<64x128xf32, #tpu.memory_space<vmem_shared>>)
      tpu.yield
    }) : () -> ()
    %mul3A_46 = arith.constant 640 : i32
    %mul3A_47 = arith.muli %arg1, %mul3A_46 : i32
    %add3A_48 = arith.constant 576 : i32
    %add3A_49 = arith.addi %mul3A_47, %add3A_48 : i32
    %run_scoped3A_50 = arith.constant 0 : i32
    "tpu.region"() ({
      %run_scoped3A_159 = tpu.sem_alloc : memref<!tpu.dma_semaphore, #tpu.memory_space<semaphore_mem>>
      %dma_start3A_160 = arith.constant 0 : i32
      %dma_start3A_161 = arith.constant 0 : i32
      %dma_start3A_162 = tpu.memref_slice %arg9[%run_scoped3A_50, %dma_start3A_160, %dma_start3A_161] : memref<2x128x128xf32, #tpu.memory_space<vmem>> -> memref<1x64x128xf32, #tpu.memory_space<vmem>>
      %dma_start3A_163 = tpu.memref_squeeze %dma_start3A_162 : memref<1x64x128xf32, #tpu.memory_space<vmem>> -> memref<64x128xf32, #tpu.memory_space<vmem>>
      %dma_start3A_164 = arith.constant 0 : i32
      %dma_start3A_165 = tpu.memref_slice %arg10[%add3A_49, %dma_start3A_164] : memref<10240x128xf32, #tpu.memory_space<vmem_shared>> -> memref<64x128xf32, #tpu.memory_space<vmem_shared>>
      %dma_start3A_166 = arith.constant 0 : i32
      %dma_start3A_167 = tpu.memref_slice %arg10[%add3A_49, %dma_start3A_166] : memref<10240x128xf32, #tpu.memory_space<vmem_shared>> -> memref<64x128xf32, #tpu.memory_space<vmem_shared>>
      %dma_start3A_168 = arith.constant 0 : i32
      %dma_start3A_169 = arith.constant 0 : i32
      %dma_start3A_170 = tpu.memref_slice %arg9[%run_scoped3A_50, %dma_start3A_168, %dma_start3A_169] : memref<2x128x128xf32, #tpu.memory_space<vmem>> -> memref<1x64x128xf32, #tpu.memory_space<vmem>>
      %dma_start3A_171 = tpu.memref_squeeze %dma_start3A_170 : memref<1x64x128xf32, #tpu.memory_space<vmem>> -> memref<64x128xf32, #tpu.memory_space<vmem>>
      tpu.enqueue_dma source(%dma_start3A_171 : memref<64x128xf32, #tpu.memory_space<vmem>>) target(%dma_start3A_167 : memref<64x128xf32, #tpu.memory_space<vmem_shared>>) target_semaphore(%run_scoped3A_159 : memref<!tpu.dma_semaphore, #tpu.memory_space<semaphore_mem>>)
      %dma_wait3A_172 = arith.constant 0 : i32
      %dma_wait3A_173 = arith.constant 0 : i32
      %dma_wait3A_174 = tpu.memref_slice %arg9[%run_scoped3A_50, %dma_wait3A_172, %dma_wait3A_173] : memref<2x128x128xf32, #tpu.memory_space<vmem>> -> memref<1x64x128xf32, #tpu.memory_space<vmem>>
      %dma_wait3A_175 = tpu.memref_squeeze %dma_wait3A_174 : memref<1x64x128xf32, #tpu.memory_space<vmem>> -> memref<64x128xf32, #tpu.memory_space<vmem>>
      %dma_wait3A_176 = arith.constant 0 : i32
      %dma_wait3A_177 = tpu.memref_slice %arg10[%add3A_49, %dma_wait3A_176] : memref<10240x128xf32, #tpu.memory_space<vmem_shared>> -> memref<64x128xf32, #tpu.memory_space<vmem_shared>>
      %dma_wait3A_178 = arith.constant 0 : i32
      %dma_wait3A_179 = tpu.memref_slice %arg10[%add3A_49, %dma_wait3A_178] : memref<10240x128xf32, #tpu.memory_space<vmem_shared>> -> memref<64x128xf32, #tpu.memory_space<vmem_shared>>
      %dma_wait3A_180 = arith.constant 0 : i32
      %dma_wait3A_181 = arith.constant 0 : i32
      %dma_wait3A_182 = tpu.memref_slice %arg9[%run_scoped3A_50, %dma_wait3A_180, %dma_wait3A_181] : memref<2x128x128xf32, #tpu.memory_space<vmem>> -> memref<1x64x128xf32, #tpu.memory_space<vmem>>
      %dma_wait3A_183 = tpu.memref_squeeze %dma_wait3A_182 : memref<1x64x128xf32, #tpu.memory_space<vmem>> -> memref<64x128xf32, #tpu.memory_space<vmem>>
      tpu.wait_dma2 semaphore(%run_scoped3A_159 : memref<!tpu.dma_semaphore, #tpu.memory_space<semaphore_mem>>) src(%dma_wait3A_183 : memref<64x128xf32, #tpu.memory_space<vmem>>) dst(%dma_wait3A_179 : memref<64x128xf32, #tpu.memory_space<vmem_shared>>)
      tpu.yield
    }) : () -> ()
    %barrier3A = arith.constant 0 : index
    tpu.barrier barrier_id(%barrier3A)
    %run_scoped3A_51 = arith.constant 0 : i32
    "tpu.region"() ({
      %run_scoped3A_159 = tpu.sem_alloc : memref<!tpu.dma_semaphore, #tpu.memory_space<semaphore_mem>>
      %dma_start3A_160 = arith.constant 0 : i32
      %dma_start3A_161 = arith.constant 0 : i32
      %dma_start3A_162 = tpu.memref_slice %arg3[%add3A, %run_scoped3A_51, %dma_start3A_160, %dma_start3A_161] : memref<32x2x40x128xi32, #tpu.memory_space<hbm>> -> memref<1x1x40x128xi32, #tpu.memory_space<hbm>>
      %dma_start3A_163 = tpu.memref_squeeze %dma_start3A_162 : memref<1x1x40x128xi32, #tpu.memory_space<hbm>> -> memref<40x128xi32, #tpu.memory_space<hbm>>
      %dma_start3A_164 = arith.constant 0 : i32
      %dma_start3A_165 = arith.constant 0 : i32
      %dma_start3A_166 = tpu.memref_slice %arg3[%add3A, %run_scoped3A_51, %dma_start3A_164, %dma_start3A_165] : memref<32x2x40x128xi32, #tpu.memory_space<hbm>> -> memref<1x1x40x128xi32, #tpu.memory_space<hbm>>
      %dma_start3A_167 = tpu.memref_squeeze %dma_start3A_166 : memref<1x1x40x128xi32, #tpu.memory_space<hbm>> -> memref<40x128xi32, #tpu.memory_space<hbm>>
      tpu.enqueue_dma source(%dma_start3A_167 : memref<40x128xi32, #tpu.memory_space<hbm>>) target(%arg7 : memref<40x128xi32, #tpu.memory_space<vmem>>) target_semaphore(%run_scoped3A_159 : memref<!tpu.dma_semaphore, #tpu.memory_space<semaphore_mem>>)
      %dma_wait3A_168 = arith.constant 0 : i32
      %dma_wait3A_169 = arith.constant 0 : i32
      %dma_wait3A_170 = tpu.memref_slice %arg3[%add3A, %run_scoped3A_51, %dma_wait3A_168, %dma_wait3A_169] : memref<32x2x40x128xi32, #tpu.memory_space<hbm>> -> memref<1x1x40x128xi32, #tpu.memory_space<hbm>>
      %dma_wait3A_171 = tpu.memref_squeeze %dma_wait3A_170 : memref<1x1x40x128xi32, #tpu.memory_space<hbm>> -> memref<40x128xi32, #tpu.memory_space<hbm>>
      %dma_wait3A_172 = arith.constant 0 : i32
      %dma_wait3A_173 = arith.constant 0 : i32
      %dma_wait3A_174 = tpu.memref_slice %arg3[%add3A, %run_scoped3A_51, %dma_wait3A_172, %dma_wait3A_173] : memref<32x2x40x128xi32, #tpu.memory_space<hbm>> -> memref<1x1x40x128xi32, #tpu.memory_space<hbm>>
      %dma_wait3A_175 = tpu.memref_squeeze %dma_wait3A_174 : memref<1x1x40x128xi32, #tpu.memory_space<hbm>> -> memref<40x128xi32, #tpu.memory_space<hbm>>
      tpu.wait_dma2 semaphore(%run_scoped3A_159 : memref<!tpu.dma_semaphore, #tpu.memory_space<semaphore_mem>>) src(%dma_wait3A_175 : memref<40x128xi32, #tpu.memory_space<hbm>>) dst(%arg7 : memref<40x128xi32, #tpu.memory_space<vmem>>)
      tpu.yield
    }) : () -> ()
    %run_scoped3A_52 = arith.constant 0 : i32
    "tpu.region"() ({
      %run_scoped3A_159 = tpu.sem_alloc : memref<!tpu.dma_semaphore, #tpu.memory_space<semaphore_mem>>
      %dma_start3A_160 = arith.constant 0 : i32
      %dma_start3A_161 = arith.constant 0 : i32
      %dma_start3A_162 = tpu.memref_slice %arg4[%add3A, %run_scoped3A_52, %dma_start3A_160, %dma_start3A_161] : memref<32x2x40x128xi32, #tpu.memory_space<hbm>> -> memref<1x1x40x128xi32, #tpu.memory_space<hbm>>
      %dma_start3A_163 = tpu.memref_squeeze %dma_start3A_162 : memref<1x1x40x128xi32, #tpu.memory_space<hbm>> -> memref<40x128xi32, #tpu.memory_space<hbm>>
      %dma_start3A_164 = arith.constant 0 : i32
      %dma_start3A_165 = arith.constant 0 : i32
      %dma_start3A_166 = tpu.memref_slice %arg4[%add3A, %run_scoped3A_52, %dma_start3A_164, %dma_start3A_165] : memref<32x2x40x128xi32, #tpu.memory_space<hbm>> -> memref<1x1x40x128xi32, #tpu.memory_space<hbm>>
      %dma_start3A_167 = tpu.memref_squeeze %dma_start3A_166 : memref<1x1x40x128xi32, #tpu.memory_space<hbm>> -> memref<40x128xi32, #tpu.memory_space<hbm>>
      tpu.enqueue_dma source(%dma_start3A_167 : memref<40x128xi32, #tpu.memory_space<hbm>>) target(%arg8 : memref<40x128xi32, #tpu.memory_space<vmem>>) target_semaphore(%run_scoped3A_159 : memref<!tpu.dma_semaphore, #tpu.memory_space<semaphore_mem>>)
      %dma_wait3A_168 = arith.constant 0 : i32
      %dma_wait3A_169 = arith.constant 0 : i32
      %dma_wait3A_170 = tpu.memref_slice %arg4[%add3A, %run_scoped3A_52, %dma_wait3A_168, %dma_wait3A_169] : memref<32x2x40x128xi32, #tpu.memory_space<hbm>> -> memref<1x1x40x128xi32, #tpu.memory_space<hbm>>
      %dma_wait3A_171 = tpu.memref_squeeze %dma_wait3A_170 : memref<1x1x40x128xi32, #tpu.memory_space<hbm>> -> memref<40x128xi32, #tpu.memory_space<hbm>>
      %dma_wait3A_172 = arith.constant 0 : i32
      %dma_wait3A_173 = arith.constant 0 : i32
      %dma_wait3A_174 = tpu.memref_slice %arg4[%add3A, %run_scoped3A_52, %dma_wait3A_172, %dma_wait3A_173] : memref<32x2x40x128xi32, #tpu.memory_space<hbm>> -> memref<1x1x40x128xi32, #tpu.memory_space<hbm>>
      %dma_wait3A_175 = tpu.memref_squeeze %dma_wait3A_174 : memref<1x1x40x128xi32, #tpu.memory_space<hbm>> -> memref<40x128xi32, #tpu.memory_space<hbm>>
      tpu.wait_dma2 semaphore(%run_scoped3A_159 : memref<!tpu.dma_semaphore, #tpu.memory_space<semaphore_mem>>) src(%dma_wait3A_175 : memref<40x128xi32, #tpu.memory_space<hbm>>) dst(%arg8 : memref<40x128xi32, #tpu.memory_space<vmem>>)
      tpu.yield
    }) : () -> ()
    %dma_start3A = arith.constant 0 : i32
    %dma_start3A_53 = arith.constant 0 : i32
    %dma_start3A_54 = arith.constant 0 : i32
    %dma_start3A_55 = arith.constant 0 : i32
    %dma_start3A_56 = arith.constant 0 : i32
    %dma_start3A_57 = tpu.memref_slice %arg9[%dma_start3A_53, %dma_start3A_55, %dma_start3A_56] : memref<2x128x128xf32, #tpu.memory_space<vmem>> -> memref<1x64x128xf32, #tpu.memory_space<vmem>>
    %dma_start3A_58 = tpu.memref_squeeze %dma_start3A_57 : memref<1x64x128xf32, #tpu.memory_space<vmem>> -> memref<64x128xf32, #tpu.memory_space<vmem>>
    %dma_start3A_59 = arith.constant 0 : i32
    %dma_start3A_60 = tpu.memref_slice %arg7[%dma_start3A, %dma_start3A_59] : memref<40x128xi32, #tpu.memory_space<vmem>> -> memref<1x64xi32, #tpu.memory_space<vmem>>
    %dma_start3A_61 = tpu.memref_squeeze %dma_start3A_60 : memref<1x64xi32, #tpu.memory_space<vmem>> -> memref<64xi32, #tpu.memory_space<vmem>>
    %dma_start3A_62 = arith.constant 0 : i32
    %dma_start3A_63 = arith.constant 0 : i32
    %dma_start3A_64 = tpu.memref_slice %arg2[%dma_start3A_62, %dma_start3A_63] : memref<10240x128xf32, #tpu.memory_space<hbm>> -> memref<10240x128xf32, #tpu.memory_space<hbm>>
    %dma_start3A_65 = tpu.memref_slice %arg11[%dma_start3A_54] : memref<2x!tpu.dma_semaphore, #tpu.memory_space<semaphore_mem>> -> memref<1x!tpu.dma_semaphore, #tpu.memory_space<semaphore_mem>>
    %dma_start3A_66 = tpu.memref_squeeze %dma_start3A_65 : memref<1x!tpu.dma_semaphore, #tpu.memory_space<semaphore_mem>> -> memref<!tpu.dma_semaphore, #tpu.memory_space<semaphore_mem>>
    tpu.enqueue_indirect_dma source(%dma_start3A_64 : memref<10240x128xf32, #tpu.memory_space<hbm>>) target(%dma_start3A_58 : memref<64x128xf32, #tpu.memory_space<vmem>>) offsets(%dma_start3A_61 : memref<64xi32, #tpu.memory_space<vmem>>) semaphore(%dma_start3A_66 : memref<!tpu.dma_semaphore, #tpu.memory_space<semaphore_mem>>)
    %dma_start3A_67 = arith.constant 0 : i32
    %dma_start3A_68 = arith.constant 0 : i32
    %dma_start3A_69 = arith.constant 0 : i32
    %dma_start3A_70 = arith.constant 64 : i32
    %dma_start3A_71 = arith.constant 0 : i32
    %dma_start3A_72 = tpu.memref_slice %arg9[%dma_start3A_68, %dma_start3A_70, %dma_start3A_71] : memref<2x128x128xf32, #tpu.memory_space<vmem>> -> memref<1x64x128xf32, #tpu.memory_space<vmem>>
    %dma_start3A_73 = tpu.memref_squeeze %dma_start3A_72 : memref<1x64x128xf32, #tpu.memory_space<vmem>> -> memref<64x128xf32, #tpu.memory_space<vmem>>
    %dma_start3A_74 = arith.constant 64 : i32
    %dma_start3A_75 = tpu.memref_slice %arg7[%dma_start3A_67, %dma_start3A_74] : memref<40x128xi32, #tpu.memory_space<vmem>> -> memref<1x64xi32, #tpu.memory_space<vmem>>
    %dma_start3A_76 = tpu.memref_squeeze %dma_start3A_75 : memref<1x64xi32, #tpu.memory_space<vmem>> -> memref<64xi32, #tpu.memory_space<vmem>>
    %dma_start3A_77 = arith.constant 0 : i32
    %dma_start3A_78 = arith.constant 0 : i32
    %dma_start3A_79 = tpu.memref_slice %arg2[%dma_start3A_77, %dma_start3A_78] : memref<10240x128xf32, #tpu.memory_space<hbm>> -> memref<10240x128xf32, #tpu.memory_space<hbm>>
    %dma_start3A_80 = tpu.memref_slice %arg11[%dma_start3A_69] : memref<2x!tpu.dma_semaphore, #tpu.memory_space<semaphore_mem>> -> memref<1x!tpu.dma_semaphore, #tpu.memory_space<semaphore_mem>>
    %dma_start3A_81 = tpu.memref_squeeze %dma_start3A_80 : memref<1x!tpu.dma_semaphore, #tpu.memory_space<semaphore_mem>> -> memref<!tpu.dma_semaphore, #tpu.memory_space<semaphore_mem>>
    tpu.enqueue_indirect_dma source(%dma_start3A_79 : memref<10240x128xf32, #tpu.memory_space<hbm>>) target(%dma_start3A_73 : memref<64x128xf32, #tpu.memory_space<vmem>>) offsets(%dma_start3A_76 : memref<64xi32, #tpu.memory_space<vmem>>) semaphore(%dma_start3A_81 : memref<!tpu.dma_semaphore, #tpu.memory_space<semaphore_mem>>)
    %scan3A = arith.constant 0 : i32
    %scan3A_82 = arith.constant 0 : i32
    %scan3A_83 = arith.constant 20 : i32
    %scan3A_84 = arith.addi %scan3A_82, %scan3A_83 : i32
    %scan3A_85 = arith.constant 1 : i32
    scf.for %scan3A_159 = %scan3A_82 to %scan3A_84 step %scan3A_85  : i32 {
      %mul3A_160 = arith.constant 2 : i32
      %mul3A_161 = arith.muli %mul3A_160, %scan3A_159 : i32
      %add3A_162 = arith.constant 1 : i32
      %add3A_163 = arith.addi %mul3A_161, %add3A_162 : i32
      %dma_start3A_164 = arith.constant 1 : i32
      %dma_start3A_165 = arith.constant 1 : i32
      %dma_start3A_166 = arith.constant 0 : i32
      %dma_start3A_167 = arith.constant 0 : i32
      %dma_start3A_168 = tpu.memref_slice %arg9[%dma_start3A_164, %dma_start3A_166, %dma_start3A_167] : memref<2x128x128xf32, #tpu.memory_space<vmem>> -> memref<1x64x128xf32, #tpu.memory_space<vmem>>
      %dma_start3A_169 = tpu.memref_squeeze %dma_start3A_168 : memref<1x64x128xf32, #tpu.memory_space<vmem>> -> memref<64x128xf32, #tpu.memory_space<vmem>>
      %dma_start3A_170 = arith.constant 0 : i32
      %dma_start3A_171 = tpu.memref_slice %arg7[%add3A_163, %dma_start3A_170] : memref<40x128xi32, #tpu.memory_space<vmem>> -> memref<1x64xi32, #tpu.memory_space<vmem>>
      %dma_start3A_172 = tpu.memref_squeeze %dma_start3A_171 : memref<1x64xi32, #tpu.memory_space<vmem>> -> memref<64xi32, #tpu.memory_space<vmem>>
      %dma_start3A_173 = arith.constant 0 : i32
      %dma_start3A_174 = arith.constant 0 : i32
      %dma_start3A_175 = tpu.memref_slice %arg2[%dma_start3A_173, %dma_start3A_174] : memref<10240x128xf32, #tpu.memory_space<hbm>> -> memref<10240x128xf32, #tpu.memory_space<hbm>>
      %dma_start3A_176 = tpu.memref_slice %arg11[%dma_start3A_165] : memref<2x!tpu.dma_semaphore, #tpu.memory_space<semaphore_mem>> -> memref<1x!tpu.dma_semaphore, #tpu.memory_space<semaphore_mem>>
      %dma_start3A_177 = tpu.memref_squeeze %dma_start3A_176 : memref<1x!tpu.dma_semaphore, #tpu.memory_space<semaphore_mem>> -> memref<!tpu.dma_semaphore, #tpu.memory_space<semaphore_mem>>
      tpu.enqueue_indirect_dma source(%dma_start3A_175 : memref<10240x128xf32, #tpu.memory_space<hbm>>) target(%dma_start3A_169 : memref<64x128xf32, #tpu.memory_space<vmem>>) offsets(%dma_start3A_172 : memref<64xi32, #tpu.memory_space<vmem>>) semaphore(%dma_start3A_177 : memref<!tpu.dma_semaphore, #tpu.memory_space<semaphore_mem>>)
      %dma_start3A_178 = arith.constant 1 : i32
      %dma_start3A_179 = arith.constant 1 : i32
      %dma_start3A_180 = arith.constant 64 : i32
      %dma_start3A_181 = arith.constant 0 : i32
      %dma_start3A_182 = tpu.memref_slice %arg9[%dma_start3A_178, %dma_start3A_180, %dma_start3A_181] : memref<2x128x128xf32, #tpu.memory_space<vmem>> -> memref<1x64x128xf32, #tpu.memory_space<vmem>>
      %dma_start3A_183 = tpu.memref_squeeze %dma_start3A_182 : memref<1x64x128xf32, #tpu.memory_space<vmem>> -> memref<64x128xf32, #tpu.memory_space<vmem>>
      %dma_start3A_184 = arith.constant 64 : i32
      %dma_start3A_185 = tpu.memref_slice %arg7[%add3A_163, %dma_start3A_184] : memref<40x128xi32, #tpu.memory_space<vmem>> -> memref<1x64xi32, #tpu.memory_space<vmem>>
      %dma_start3A_186 = tpu.memref_squeeze %dma_start3A_185 : memref<1x64xi32, #tpu.memory_space<vmem>> -> memref<64xi32, #tpu.memory_space<vmem>>
      %dma_start3A_187 = arith.constant 0 : i32
      %dma_start3A_188 = arith.constant 0 : i32
      %dma_start3A_189 = tpu.memref_slice %arg2[%dma_start3A_187, %dma_start3A_188] : memref<10240x128xf32, #tpu.memory_space<hbm>> -> memref<10240x128xf32, #tpu.memory_space<hbm>>
      %dma_start3A_190 = tpu.memref_slice %arg11[%dma_start3A_179] : memref<2x!tpu.dma_semaphore, #tpu.memory_space<semaphore_mem>> -> memref<1x!tpu.dma_semaphore, #tpu.memory_space<semaphore_mem>>
      %dma_start3A_191 = tpu.memref_squeeze %dma_start3A_190 : memref<1x!tpu.dma_semaphore, #tpu.memory_space<semaphore_mem>> -> memref<!tpu.dma_semaphore, #tpu.memory_space<semaphore_mem>>
      tpu.enqueue_indirect_dma source(%dma_start3A_189 : memref<10240x128xf32, #tpu.memory_space<hbm>>) target(%dma_start3A_183 : memref<64x128xf32, #tpu.memory_space<vmem>>) offsets(%dma_start3A_186 : memref<64xi32, #tpu.memory_space<vmem>>) semaphore(%dma_start3A_191 : memref<!tpu.dma_semaphore, #tpu.memory_space<semaphore_mem>>)
      %dma_wait3A_192 = arith.constant 0 : i32
      %dma_wait3A_193 = arith.constant 0 : i32
      %dma_wait3A_194 = arith.constant 0 : i32
      %dma_wait3A_195 = arith.constant 0 : i32
      %dma_wait3A_196 = tpu.memref_slice %arg9[%dma_wait3A_192, %dma_wait3A_194, %dma_wait3A_195] : memref<2x128x128xf32, #tpu.memory_space<vmem>> -> memref<1x128x128xf32, #tpu.memory_space<vmem>>
      %dma_wait3A_197 = tpu.memref_squeeze %dma_wait3A_196 : memref<1x128x128xf32, #tpu.memory_space<vmem>> -> memref<128x128xf32, #tpu.memory_space<vmem>>
      %dma_wait3A_198 = arith.constant 0 : i32
      %dma_wait3A_199 = tpu.memref_slice %arg7[%mul3A_161, %dma_wait3A_198] : memref<40x128xi32, #tpu.memory_space<vmem>> -> memref<1x128xi32, #tpu.memory_space<vmem>>
      %dma_wait3A_200 = tpu.memref_squeeze %dma_wait3A_199 : memref<1x128xi32, #tpu.memory_space<vmem>> -> memref<128xi32, #tpu.memory_space<vmem>>
      %dma_wait3A_201 = arith.constant 0 : i32
      %dma_wait3A_202 = arith.constant 0 : i32
      %dma_wait3A_203 = tpu.memref_slice %arg2[%dma_wait3A_201, %dma_wait3A_202] : memref<10240x128xf32, #tpu.memory_space<hbm>> -> memref<10240x128xf32, #tpu.memory_space<hbm>>
      %dma_wait3A_204 = tpu.memref_slice %arg11[%dma_wait3A_193] : memref<2x!tpu.dma_semaphore, #tpu.memory_space<semaphore_mem>> -> memref<1x!tpu.dma_semaphore, #tpu.memory_space<semaphore_mem>>
      %dma_wait3A_205 = tpu.memref_squeeze %dma_wait3A_204 : memref<1x!tpu.dma_semaphore, #tpu.memory_space<semaphore_mem>> -> memref<!tpu.dma_semaphore, #tpu.memory_space<semaphore_mem>>
      tpu.wait_indirect_dma semaphore(%dma_wait3A_205 : memref<!tpu.dma_semaphore, #tpu.memory_space<semaphore_mem>>) src(%dma_wait3A_203 : memref<10240x128xf32, #tpu.memory_space<hbm>>) dst(%dma_wait3A_197 : memref<128x128xf32, #tpu.memory_space<vmem>>)
      %run_scoped3A_206 = arith.constant 0 : i32
      "tpu.region"() ({
        %run_scoped3A_257 = tpu.sem_alloc : memref<!tpu.dma_semaphore, #tpu.memory_space<semaphore_mem>>
        %dma_start3A_258 = arith.constant 0 : i32
        %dma_start3A_259 = arith.constant 0 : i32
        %dma_start3A_260 = tpu.memref_slice %arg9[%run_scoped3A_206, %dma_start3A_258, %dma_start3A_259] : memref<2x128x128xf32, #tpu.memory_space<vmem>> -> memref<1x128x128xf32, #tpu.memory_space<vmem>>
        %dma_start3A_261 = tpu.memref_squeeze %dma_start3A_260 : memref<1x128x128xf32, #tpu.memory_space<vmem>> -> memref<128x128xf32, #tpu.memory_space<vmem>>
        %dma_start3A_262 = arith.constant 0 : i32
        %dma_start3A_263 = tpu.memref_slice %arg8[%mul3A_161, %dma_start3A_262] : memref<40x128xi32, #tpu.memory_space<vmem>> -> memref<1x128xi32, #tpu.memory_space<vmem>>
        %dma_start3A_264 = tpu.memref_squeeze %dma_start3A_263 : memref<1x128xi32, #tpu.memory_space<vmem>> -> memref<128xi32, #tpu.memory_space<vmem>>
        %dma_start3A_265 = arith.constant 0 : i32
        %dma_start3A_266 = arith.constant 0 : i32
        %dma_start3A_267 = tpu.memref_slice %arg10[%dma_start3A_265, %dma_start3A_266] : memref<10240x128xf32, #tpu.memory_space<vmem_shared>> -> memref<10240x128xf32, #tpu.memory_space<vmem_shared>>
        tpu.enqueue_indirect_dma source(%dma_start3A_261 : memref<128x128xf32, #tpu.memory_space<vmem>>) target(%dma_start3A_267 : memref<10240x128xf32, #tpu.memory_space<vmem_shared>>) offsets(%dma_start3A_264 : memref<128xi32, #tpu.memory_space<vmem>>) semaphore(%run_scoped3A_257 : memref<!tpu.dma_semaphore, #tpu.memory_space<semaphore_mem>>) {add = true}
        %dma_wait3A_268 = arith.constant 0 : i32
        %dma_wait3A_269 = arith.constant 0 : i32
        %dma_wait3A_270 = tpu.memref_slice %arg9[%run_scoped3A_206, %dma_wait3A_268, %dma_wait3A_269] : memref<2x128x128xf32, #tpu.memory_space<vmem>> -> memref<1x128x128xf32, #tpu.memory_space<vmem>>
        %dma_wait3A_271 = tpu.memref_squeeze %dma_wait3A_270 : memref<1x128x128xf32, #tpu.memory_space<vmem>> -> memref<128x128xf32, #tpu.memory_space<vmem>>
        %dma_wait3A_272 = arith.constant 0 : i32
        %dma_wait3A_273 = tpu.memref_slice %arg8[%mul3A_161, %dma_wait3A_272] : memref<40x128xi32, #tpu.memory_space<vmem>> -> memref<1x128xi32, #tpu.memory_space<vmem>>
        %dma_wait3A_274 = tpu.memref_squeeze %dma_wait3A_273 : memref<1x128xi32, #tpu.memory_space<vmem>> -> memref<128xi32, #tpu.memory_space<vmem>>
        %dma_wait3A_275 = arith.constant 0 : i32
        %dma_wait3A_276 = arith.constant 0 : i32
        %dma_wait3A_277 = tpu.memref_slice %arg10[%dma_wait3A_275, %dma_wait3A_276] : memref<10240x128xf32, #tpu.memory_space<vmem_shared>> -> memref<10240x128xf32, #tpu.memory_space<vmem_shared>>
        tpu.wait_indirect_dma semaphore(%run_scoped3A_257 : memref<!tpu.dma_semaphore, #tpu.memory_space<semaphore_mem>>) src(%dma_wait3A_271 : memref<128x128xf32, #tpu.memory_space<vmem>>) dst(%dma_wait3A_277 : memref<10240x128xf32, #tpu.memory_space<vmem_shared>>)
        tpu.yield
      }) : () -> ()
      %add3A_207 = arith.constant 2 : i32
      %add3A_208 = arith.addi %mul3A_161, %add3A_207 : i32
      %min3A = arith.constant 39 : i32
      %min3A_209 = arith.minsi %add3A_208, %min3A : i32
      %dma_start3A_210 = arith.constant 0 : i32
      %dma_start3A_211 = arith.constant 0 : i32
      %dma_start3A_212 = arith.constant 0 : i32
      %dma_start3A_213 = arith.constant 0 : i32
      %dma_start3A_214 = tpu.memref_slice %arg9[%dma_start3A_210, %dma_start3A_212, %dma_start3A_213] : memref<2x128x128xf32, #tpu.memory_space<vmem>> -> memref<1x64x128xf32, #tpu.memory_space<vmem>>
      %dma_start3A_215 = tpu.memref_squeeze %dma_start3A_214 : memref<1x64x128xf32, #tpu.memory_space<vmem>> -> memref<64x128xf32, #tpu.memory_space<vmem>>
      %dma_start3A_216 = arith.constant 0 : i32
      %dma_start3A_217 = tpu.memref_slice %arg7[%min3A_209, %dma_start3A_216] : memref<40x128xi32, #tpu.memory_space<vmem>> -> memref<1x64xi32, #tpu.memory_space<vmem>>
      %dma_start3A_218 = tpu.memref_squeeze %dma_start3A_217 : memref<1x64xi32, #tpu.memory_space<vmem>> -> memref<64xi32, #tpu.memory_space<vmem>>
      %dma_start3A_219 = arith.constant 0 : i32
      %dma_start3A_220 = arith.constant 0 : i32
      %dma_start3A_221 = tpu.memref_slice %arg2[%dma_start3A_219, %dma_start3A_220] : memref<10240x128xf32, #tpu.memory_space<hbm>> -> memref<10240x128xf32, #tpu.memory_space<hbm>>
      %dma_start3A_222 = tpu.memref_slice %arg11[%dma_start3A_211] : memref<2x!tpu.dma_semaphore, #tpu.memory_space<semaphore_mem>> -> memref<1x!tpu.dma_semaphore, #tpu.memory_space<semaphore_mem>>
      %dma_start3A_223 = tpu.memref_squeeze %dma_start3A_222 : memref<1x!tpu.dma_semaphore, #tpu.memory_space<semaphore_mem>> -> memref<!tpu.dma_semaphore, #tpu.memory_space<semaphore_mem>>
      tpu.enqueue_indirect_dma source(%dma_start3A_221 : memref<10240x128xf32, #tpu.memory_space<hbm>>) target(%dma_start3A_215 : memref<64x128xf32, #tpu.memory_space<vmem>>) offsets(%dma_start3A_218 : memref<64xi32, #tpu.memory_space<vmem>>) semaphore(%dma_start3A_223 : memref<!tpu.dma_semaphore, #tpu.memory_space<semaphore_mem>>)
      %dma_start3A_224 = arith.constant 0 : i32
      %dma_start3A_225 = arith.constant 0 : i32
      %dma_start3A_226 = arith.constant 64 : i32
      %dma_start3A_227 = arith.constant 0 : i32
      %dma_start3A_228 = tpu.memref_slice %arg9[%dma_start3A_224, %dma_start3A_226, %dma_start3A_227] : memref<2x128x128xf32, #tpu.memory_space<vmem>> -> memref<1x64x128xf32, #tpu.memory_space<vmem>>
      %dma_start3A_229 = tpu.memref_squeeze %dma_start3A_228 : memref<1x64x128xf32, #tpu.memory_space<vmem>> -> memref<64x128xf32, #tpu.memory_space<vmem>>
      %dma_start3A_230 = arith.constant 64 : i32
      %dma_start3A_231 = tpu.memref_slice %arg7[%min3A_209, %dma_start3A_230] : memref<40x128xi32, #tpu.memory_space<vmem>> -> memref<1x64xi32, #tpu.memory_space<vmem>>
      %dma_start3A_232 = tpu.memref_squeeze %dma_start3A_231 : memref<1x64xi32, #tpu.memory_space<vmem>> -> memref<64xi32, #tpu.memory_space<vmem>>
      %dma_start3A_233 = arith.constant 0 : i32
      %dma_start3A_234 = arith.constant 0 : i32
      %dma_start3A_235 = tpu.memref_slice %arg2[%dma_start3A_233, %dma_start3A_234] : memref<10240x128xf32, #tpu.memory_space<hbm>> -> memref<10240x128xf32, #tpu.memory_space<hbm>>
      %dma_start3A_236 = tpu.memref_slice %arg11[%dma_start3A_225] : memref<2x!tpu.dma_semaphore, #tpu.memory_space<semaphore_mem>> -> memref<1x!tpu.dma_semaphore, #tpu.memory_space<semaphore_mem>>
      %dma_start3A_237 = tpu.memref_squeeze %dma_start3A_236 : memref<1x!tpu.dma_semaphore, #tpu.memory_space<semaphore_mem>> -> memref<!tpu.dma_semaphore, #tpu.memory_space<semaphore_mem>>
      tpu.enqueue_indirect_dma source(%dma_start3A_235 : memref<10240x128xf32, #tpu.memory_space<hbm>>) target(%dma_start3A_229 : memref<64x128xf32, #tpu.memory_space<vmem>>) offsets(%dma_start3A_232 : memref<64xi32, #tpu.memory_space<vmem>>) semaphore(%dma_start3A_237 : memref<!tpu.dma_semaphore, #tpu.memory_space<semaphore_mem>>)
      %add3A_238 = arith.constant 1 : i32
      %add3A_239 = arith.addi %mul3A_161, %add3A_238 : i32
      %dma_wait3A_240 = arith.constant 1 : i32
      %dma_wait3A_241 = arith.constant 1 : i32
      %dma_wait3A_242 = arith.constant 0 : i32
      %dma_wait3A_243 = arith.constant 0 : i32
      %dma_wait3A_244 = tpu.memref_slice %arg9[%dma_wait3A_240, %dma_wait3A_242, %dma_wait3A_243] : memref<2x128x128xf32, #tpu.memory_space<vmem>> -> memref<1x128x128xf32, #tpu.memory_space<vmem>>
      %dma_wait3A_245 = tpu.memref_squeeze %dma_wait3A_244 : memref<1x128x128xf32, #tpu.memory_space<vmem>> -> memref<128x128xf32, #tpu.memory_space<vmem>>
      %dma_wait3A_246 = arith.constant 0 : i32
      %dma_wait3A_247 = tpu.memref_slice %arg7[%add3A_239, %dma_wait3A_246] : memref<40x128xi32, #tpu.memory_space<vmem>> -> memref<1x128xi32, #tpu.memory_space<vmem>>
      %dma_wait3A_248 = tpu.memref_squeeze %dma_wait3A_247 : memref<1x128xi32, #tpu.memory_space<vmem>> -> memref<128xi32, #tpu.memory_space<vmem>>
      %dma_wait3A_249 = arith.constant 0 : i32
      %dma_wait3A_250 = arith.constant 0 : i32
      %dma_wait3A_251 = tpu.memref_slice %arg2[%dma_wait3A_249, %dma_wait3A_250] : memref<10240x128xf32, #tpu.memory_space<hbm>> -> memref<10240x128xf32, #tpu.memory_space<hbm>>
      %dma_wait3A_252 = tpu.memref_slice %arg11[%dma_wait3A_241] : memref<2x!tpu.dma_semaphore, #tpu.memory_space<semaphore_mem>> -> memref<1x!tpu.dma_semaphore, #tpu.memory_space<semaphore_mem>>
      %dma_wait3A_253 = tpu.memref_squeeze %dma_wait3A_252 : memref<1x!tpu.dma_semaphore, #tpu.memory_space<semaphore_mem>> -> memref<!tpu.dma_semaphore, #tpu.memory_space<semaphore_mem>>
      tpu.wait_indirect_dma semaphore(%dma_wait3A_253 : memref<!tpu.dma_semaphore, #tpu.memory_space<semaphore_mem>>) src(%dma_wait3A_251 : memref<10240x128xf32, #tpu.memory_space<hbm>>) dst(%dma_wait3A_245 : memref<128x128xf32, #tpu.memory_space<vmem>>)
      %add3A_254 = arith.constant 1 : i32
      %add3A_255 = arith.addi %mul3A_161, %add3A_254 : i32
      %run_scoped3A_256 = arith.constant 1 : i32
      "tpu.region"() ({
        %run_scoped3A_257 = tpu.sem_alloc : memref<!tpu.dma_semaphore, #tpu.memory_space<semaphore_mem>>
        %dma_start3A_258 = arith.constant 0 : i32
        %dma_start3A_259 = arith.constant 0 : i32
        %dma_start3A_260 = tpu.memref_slice %arg9[%run_scoped3A_256, %dma_start3A_258, %dma_start3A_259] : memref<2x128x128xf32, #tpu.memory_space<vmem>> -> memref<1x128x128xf32, #tpu.memory_space<vmem>>
        %dma_start3A_261 = tpu.memref_squeeze %dma_start3A_260 : memref<1x128x128xf32, #tpu.memory_space<vmem>> -> memref<128x128xf32, #tpu.memory_space<vmem>>
        %dma_start3A_262 = arith.constant 0 : i32
        %dma_start3A_263 = tpu.memref_slice %arg8[%add3A_255, %dma_start3A_262] : memref<40x128xi32, #tpu.memory_space<vmem>> -> memref<1x128xi32, #tpu.memory_space<vmem>>
        %dma_start3A_264 = tpu.memref_squeeze %dma_start3A_263 : memref<1x128xi32, #tpu.memory_space<vmem>> -> memref<128xi32, #tpu.memory_space<vmem>>
        %dma_start3A_265 = arith.constant 0 : i32
        %dma_start3A_266 = arith.constant 0 : i32
        %dma_start3A_267 = tpu.memref_slice %arg10[%dma_start3A_265, %dma_start3A_266] : memref<10240x128xf32, #tpu.memory_space<vmem_shared>> -> memref<10240x128xf32, #tpu.memory_space<vmem_shared>>
        tpu.enqueue_indirect_dma source(%dma_start3A_261 : memref<128x128xf32, #tpu.memory_space<vmem>>) target(%dma_start3A_267 : memref<10240x128xf32, #tpu.memory_space<vmem_shared>>) offsets(%dma_start3A_264 : memref<128xi32, #tpu.memory_space<vmem>>) semaphore(%run_scoped3A_257 : memref<!tpu.dma_semaphore, #tpu.memory_space<semaphore_mem>>) {add = true}
        %dma_wait3A_268 = arith.constant 0 : i32
        %dma_wait3A_269 = arith.constant 0 : i32
        %dma_wait3A_270 = tpu.memref_slice %arg9[%run_scoped3A_256, %dma_wait3A_268, %dma_wait3A_269] : memref<2x128x128xf32, #tpu.memory_space<vmem>> -> memref<1x128x128xf32, #tpu.memory_space<vmem>>
        %dma_wait3A_271 = tpu.memref_squeeze %dma_wait3A_270 : memref<1x128x128xf32, #tpu.memory_space<vmem>> -> memref<128x128xf32, #tpu.memory_space<vmem>>
        %dma_wait3A_272 = arith.constant 0 : i32
        %dma_wait3A_273 = tpu.memref_slice %arg8[%add3A_255, %dma_wait3A_272] : memref<40x128xi32, #tpu.memory_space<vmem>> -> memref<1x128xi32, #tpu.memory_space<vmem>>
        %dma_wait3A_274 = tpu.memref_squeeze %dma_wait3A_273 : memref<1x128xi32, #tpu.memory_space<vmem>> -> memref<128xi32, #tpu.memory_space<vmem>>
        %dma_wait3A_275 = arith.constant 0 : i32
        %dma_wait3A_276 = arith.constant 0 : i32
        %dma_wait3A_277 = tpu.memref_slice %arg10[%dma_wait3A_275, %dma_wait3A_276] : memref<10240x128xf32, #tpu.memory_space<vmem_shared>> -> memref<10240x128xf32, #tpu.memory_space<vmem_shared>>
        tpu.wait_indirect_dma semaphore(%run_scoped3A_257 : memref<!tpu.dma_semaphore, #tpu.memory_space<semaphore_mem>>) src(%dma_wait3A_271 : memref<128x128xf32, #tpu.memory_space<vmem>>) dst(%dma_wait3A_277 : memref<10240x128xf32, #tpu.memory_space<vmem_shared>>)
        tpu.yield
      }) : () -> ()
    }
    %scan3A_86 = arith.constant 20 : i32
    %dma_wait3A = arith.constant 39 : i32
    %dma_wait3A_87 = arith.constant 0 : i32
    %dma_wait3A_88 = arith.constant 0 : i32
    %dma_wait3A_89 = arith.constant 0 : i32
    %dma_wait3A_90 = arith.constant 0 : i32
    %dma_wait3A_91 = tpu.memref_slice %arg9[%dma_wait3A_87, %dma_wait3A_89, %dma_wait3A_90] : memref<2x128x128xf32, #tpu.memory_space<vmem>> -> memref<1x128x128xf32, #tpu.memory_space<vmem>>
    %dma_wait3A_92 = tpu.memref_squeeze %dma_wait3A_91 : memref<1x128x128xf32, #tpu.memory_space<vmem>> -> memref<128x128xf32, #tpu.memory_space<vmem>>
    %dma_wait3A_93 = arith.constant 0 : i32
    %dma_wait3A_94 = tpu.memref_slice %arg7[%dma_wait3A, %dma_wait3A_93] : memref<40x128xi32, #tpu.memory_space<vmem>> -> memref<1x128xi32, #tpu.memory_space<vmem>>
    %dma_wait3A_95 = tpu.memref_squeeze %dma_wait3A_94 : memref<1x128xi32, #tpu.memory_space<vmem>> -> memref<128xi32, #tpu.memory_space<vmem>>
    %dma_wait3A_96 = arith.constant 0 : i32
    %dma_wait3A_97 = arith.constant 0 : i32
    %dma_wait3A_98 = tpu.memref_slice %arg2[%dma_wait3A_96, %dma_wait3A_97] : memref<10240x128xf32, #tpu.memory_space<hbm>> -> memref<10240x128xf32, #tpu.memory_space<hbm>>
    %dma_wait3A_99 = tpu.memref_slice %arg11[%dma_wait3A_88] : memref<2x!tpu.dma_semaphore, #tpu.memory_space<semaphore_mem>> -> memref<1x!tpu.dma_semaphore, #tpu.memory_space<semaphore_mem>>
    %dma_wait3A_100 = tpu.memref_squeeze %dma_wait3A_99 : memref<1x!tpu.dma_semaphore, #tpu.memory_space<semaphore_mem>> -> memref<!tpu.dma_semaphore, #tpu.memory_space<semaphore_mem>>
    tpu.wait_indirect_dma semaphore(%dma_wait3A_100 : memref<!tpu.dma_semaphore, #tpu.memory_space<semaphore_mem>>) src(%dma_wait3A_98 : memref<10240x128xf32, #tpu.memory_space<hbm>>) dst(%dma_wait3A_92 : memref<128x128xf32, #tpu.memory_space<vmem>>)
    %run_scoped3A_101 = arith.constant 1 : i32
    "tpu.region"() ({
      %run_scoped3A_159 = tpu.sem_alloc : memref<!tpu.dma_semaphore, #tpu.memory_space<semaphore_mem>>
      %dma_start3A_160 = arith.constant 0 : i32
      %dma_start3A_161 = arith.constant 0 : i32
      %dma_start3A_162 = tpu.memref_slice %arg3[%add3A, %run_scoped3A_101, %dma_start3A_160, %dma_start3A_161] : memref<32x2x40x128xi32, #tpu.memory_space<hbm>> -> memref<1x1x40x128xi32, #tpu.memory_space<hbm>>
      %dma_start3A_163 = tpu.memref_squeeze %dma_start3A_162 : memref<1x1x40x128xi32, #tpu.memory_space<hbm>> -> memref<40x128xi32, #tpu.memory_space<hbm>>
      %dma_start3A_164 = arith.constant 0 : i32
      %dma_start3A_165 = arith.constant 0 : i32
      %dma_start3A_166 = tpu.memref_slice %arg3[%add3A, %run_scoped3A_101, %dma_start3A_164, %dma_start3A_165] : memref<32x2x40x128xi32, #tpu.memory_space<hbm>> -> memref<1x1x40x128xi32, #tpu.memory_space<hbm>>
      %dma_start3A_167 = tpu.memref_squeeze %dma_start3A_166 : memref<1x1x40x128xi32, #tpu.memory_space<hbm>> -> memref<40x128xi32, #tpu.memory_space<hbm>>
      tpu.enqueue_dma source(%dma_start3A_167 : memref<40x128xi32, #tpu.memory_space<hbm>>) target(%arg7 : memref<40x128xi32, #tpu.memory_space<vmem>>) target_semaphore(%run_scoped3A_159 : memref<!tpu.dma_semaphore, #tpu.memory_space<semaphore_mem>>)
      %dma_wait3A_168 = arith.constant 0 : i32
      %dma_wait3A_169 = arith.constant 0 : i32
      %dma_wait3A_170 = tpu.memref_slice %arg3[%add3A, %run_scoped3A_101, %dma_wait3A_168, %dma_wait3A_169] : memref<32x2x40x128xi32, #tpu.memory_space<hbm>> -> memref<1x1x40x128xi32, #tpu.memory_space<hbm>>
      %dma_wait3A_171 = tpu.memref_squeeze %dma_wait3A_170 : memref<1x1x40x128xi32, #tpu.memory_space<hbm>> -> memref<40x128xi32, #tpu.memory_space<hbm>>
      %dma_wait3A_172 = arith.constant 0 : i32
      %dma_wait3A_173 = arith.constant 0 : i32
      %dma_wait3A_174 = tpu.memref_slice %arg3[%add3A, %run_scoped3A_101, %dma_wait3A_172, %dma_wait3A_173] : memref<32x2x40x128xi32, #tpu.memory_space<hbm>> -> memref<1x1x40x128xi32, #tpu.memory_space<hbm>>
      %dma_wait3A_175 = tpu.memref_squeeze %dma_wait3A_174 : memref<1x1x40x128xi32, #tpu.memory_space<hbm>> -> memref<40x128xi32, #tpu.memory_space<hbm>>
      tpu.wait_dma2 semaphore(%run_scoped3A_159 : memref<!tpu.dma_semaphore, #tpu.memory_space<semaphore_mem>>) src(%dma_wait3A_175 : memref<40x128xi32, #tpu.memory_space<hbm>>) dst(%arg7 : memref<40x128xi32, #tpu.memory_space<vmem>>)
      tpu.yield
    }) : () -> ()
    %run_scoped3A_102 = arith.constant 1 : i32
    "tpu.region"() ({
      %run_scoped3A_159 = tpu.sem_alloc : memref<!tpu.dma_semaphore, #tpu.memory_space<semaphore_mem>>
      %dma_start3A_160 = arith.constant 0 : i32
      %dma_start3A_161 = arith.constant 0 : i32
      %dma_start3A_162 = tpu.memref_slice %arg4[%add3A, %run_scoped3A_102, %dma_start3A_160, %dma_start3A_161] : memref<32x2x40x128xi32, #tpu.memory_space<hbm>> -> memref<1x1x40x128xi32, #tpu.memory_space<hbm>>
      %dma_start3A_163 = tpu.memref_squeeze %dma_start3A_162 : memref<1x1x40x128xi32, #tpu.memory_space<hbm>> -> memref<40x128xi32, #tpu.memory_space<hbm>>
      %dma_start3A_164 = arith.constant 0 : i32
      %dma_start3A_165 = arith.constant 0 : i32
      %dma_start3A_166 = tpu.memref_slice %arg4[%add3A, %run_scoped3A_102, %dma_start3A_164, %dma_start3A_165] : memref<32x2x40x128xi32, #tpu.memory_space<hbm>> -> memref<1x1x40x128xi32, #tpu.memory_space<hbm>>
      %dma_start3A_167 = tpu.memref_squeeze %dma_start3A_166 : memref<1x1x40x128xi32, #tpu.memory_space<hbm>> -> memref<40x128xi32, #tpu.memory_space<hbm>>
      tpu.enqueue_dma source(%dma_start3A_167 : memref<40x128xi32, #tpu.memory_space<hbm>>) target(%arg8 : memref<40x128xi32, #tpu.memory_space<vmem>>) target_semaphore(%run_scoped3A_159 : memref<!tpu.dma_semaphore, #tpu.memory_space<semaphore_mem>>)
      %dma_wait3A_168 = arith.constant 0 : i32
      %dma_wait3A_169 = arith.constant 0 : i32
      %dma_wait3A_170 = tpu.memref_slice %arg4[%add3A, %run_scoped3A_102, %dma_wait3A_168, %dma_wait3A_169] : memref<32x2x40x128xi32, #tpu.memory_space<hbm>> -> memref<1x1x40x128xi32, #tpu.memory_space<hbm>>
      %dma_wait3A_171 = tpu.memref_squeeze %dma_wait3A_170 : memref<1x1x40x128xi32, #tpu.memory_space<hbm>> -> memref<40x128xi32, #tpu.memory_space<hbm>>
      %dma_wait3A_172 = arith.constant 0 : i32
      %dma_wait3A_173 = arith.constant 0 : i32
      %dma_wait3A_174 = tpu.memref_slice %arg4[%add3A, %run_scoped3A_102, %dma_wait3A_172, %dma_wait3A_173] : memref<32x2x40x128xi32, #tpu.memory_space<hbm>> -> memref<1x1x40x128xi32, #tpu.memory_space<hbm>>
      %dma_wait3A_175 = tpu.memref_squeeze %dma_wait3A_174 : memref<1x1x40x128xi32, #tpu.memory_space<hbm>> -> memref<40x128xi32, #tpu.memory_space<hbm>>
      tpu.wait_dma2 semaphore(%run_scoped3A_159 : memref<!tpu.dma_semaphore, #tpu.memory_space<semaphore_mem>>) src(%dma_wait3A_175 : memref<40x128xi32, #tpu.memory_space<hbm>>) dst(%arg8 : memref<40x128xi32, #tpu.memory_space<vmem>>)
      tpu.yield
    }) : () -> ()
    %dma_start3A_103 = arith.constant 0 : i32
    %dma_start3A_104 = arith.constant 0 : i32
    %dma_start3A_105 = arith.constant 0 : i32
    %dma_start3A_106 = arith.constant 0 : i32
    %dma_start3A_107 = arith.constant 0 : i32
    %dma_start3A_108 = tpu.memref_slice %arg9[%dma_start3A_104, %dma_start3A_106, %dma_start3A_107] : memref<2x128x128xf32, #tpu.memory_space<vmem>> -> memref<1x64x128xf32, #tpu.memory_space<vmem>>
    %dma_start3A_109 = tpu.memref_squeeze %dma_start3A_108 : memref<1x64x128xf32, #tpu.memory_space<vmem>> -> memref<64x128xf32, #tpu.memory_space<vmem>>
    %dma_start3A_110 = arith.constant 0 : i32
    %dma_start3A_111 = tpu.memref_slice %arg7[%dma_start3A_103, %dma_start3A_110] : memref<40x128xi32, #tpu.memory_space<vmem>> -> memref<1x64xi32, #tpu.memory_space<vmem>>
    %dma_start3A_112 = tpu.memref_squeeze %dma_start3A_111 : memref<1x64xi32, #tpu.memory_space<vmem>> -> memref<64xi32, #tpu.memory_space<vmem>>
    %dma_start3A_113 = arith.constant 0 : i32
    %dma_start3A_114 = arith.constant 0 : i32
    %dma_start3A_115 = tpu.memref_slice %arg2[%dma_start3A_113, %dma_start3A_114] : memref<10240x128xf32, #tpu.memory_space<hbm>> -> memref<10240x128xf32, #tpu.memory_space<hbm>>
    %dma_start3A_116 = tpu.memref_slice %arg11[%dma_start3A_105] : memref<2x!tpu.dma_semaphore, #tpu.memory_space<semaphore_mem>> -> memref<1x!tpu.dma_semaphore, #tpu.memory_space<semaphore_mem>>
    %dma_start3A_117 = tpu.memref_squeeze %dma_start3A_116 : memref<1x!tpu.dma_semaphore, #tpu.memory_space<semaphore_mem>> -> memref<!tpu.dma_semaphore, #tpu.memory_space<semaphore_mem>>
    tpu.enqueue_indirect_dma source(%dma_start3A_115 : memref<10240x128xf32, #tpu.memory_space<hbm>>) target(%dma_start3A_109 : memref<64x128xf32, #tpu.memory_space<vmem>>) offsets(%dma_start3A_112 : memref<64xi32, #tpu.memory_space<vmem>>) semaphore(%dma_start3A_117 : memref<!tpu.dma_semaphore, #tpu.memory_space<semaphore_mem>>)
    %dma_start3A_118 = arith.constant 0 : i32
    %dma_start3A_119 = arith.constant 0 : i32
    %dma_start3A_120 = arith.constant 0 : i32
    %dma_start3A_121 = arith.constant 64 : i32
    %dma_start3A_122 = arith.constant 0 : i32
    %dma_start3A_123 = tpu.memref_slice %arg9[%dma_start3A_119, %dma_start3A_121, %dma_start3A_122] : memref<2x128x128xf32, #tpu.memory_space<vmem>> -> memref<1x64x128xf32, #tpu.memory_space<vmem>>
    %dma_start3A_124 = tpu.memref_squeeze %dma_start3A_123 : memref<1x64x128xf32, #tpu.memory_space<vmem>> -> memref<64x128xf32, #tpu.memory_space<vmem>>
    %dma_start3A_125 = arith.constant 64 : i32
    %dma_start3A_126 = tpu.memref_slice %arg7[%dma_start3A_118, %dma_start3A_125] : memref<40x128xi32, #tpu.memory_space<vmem>> -> memref<1x64xi32, #tpu.memory_space<vmem>>
    %dma_start3A_127 = tpu.memref_squeeze %dma_start3A_126 : memref<1x64xi32, #tpu.memory_space<vmem>> -> memref<64xi32, #tpu.memory_space<vmem>>
    %dma_start3A_128 = arith.constant 0 : i32
    %dma_start3A_129 = arith.constant 0 : i32
    %dma_start3A_130 = tpu.memref_slice %arg2[%dma_start3A_128, %dma_start3A_129] : memref<10240x128xf32, #tpu.memory_space<hbm>> -> memref<10240x128xf32, #tpu.memory_space<hbm>>
    %dma_start3A_131 = tpu.memref_slice %arg11[%dma_start3A_120] : memref<2x!tpu.dma_semaphore, #tpu.memory_space<semaphore_mem>> -> memref<1x!tpu.dma_semaphore, #tpu.memory_space<semaphore_mem>>
    %dma_start3A_132 = tpu.memref_squeeze %dma_start3A_131 : memref<1x!tpu.dma_semaphore, #tpu.memory_space<semaphore_mem>> -> memref<!tpu.dma_semaphore, #tpu.memory_space<semaphore_mem>>
    tpu.enqueue_indirect_dma source(%dma_start3A_130 : memref<10240x128xf32, #tpu.memory_space<hbm>>) target(%dma_start3A_124 : memref<64x128xf32, #tpu.memory_space<vmem>>) offsets(%dma_start3A_127 : memref<64xi32, #tpu.memory_space<vmem>>) semaphore(%dma_start3A_132 : memref<!tpu.dma_semaphore, #tpu.memory_space<semaphore_mem>>)
    %scan3A_133 = arith.constant 0 : i32
    %scan3A_134 = arith.constant 0 : i32
    %scan3A_135 = arith.constant 20 : i32
    %scan3A_136 = arith.addi %scan3A_134, %scan3A_135 : i32
    %scan3A_137 = arith.constant 1 : i32
    scf.for %scan3A_159 = %scan3A_134 to %scan3A_136 step %scan3A_137  : i32 {
      %mul3A_160 = arith.constant 2 : i32
      %mul3A_161 = arith.muli %mul3A_160, %scan3A_159 : i32
      %add3A_162 = arith.constant 1 : i32
      %add3A_163 = arith.addi %mul3A_161, %add3A_162 : i32
      %dma_start3A_164 = arith.constant 1 : i32
      %dma_start3A_165 = arith.constant 1 : i32
      %dma_start3A_166 = arith.constant 0 : i32
      %dma_start3A_167 = arith.constant 0 : i32
      %dma_start3A_168 = tpu.memref_slice %arg9[%dma_start3A_164, %dma_start3A_166, %dma_start3A_167] : memref<2x128x128xf32, #tpu.memory_space<vmem>> -> memref<1x64x128xf32, #tpu.memory_space<vmem>>
      %dma_start3A_169 = tpu.memref_squeeze %dma_start3A_168 : memref<1x64x128xf32, #tpu.memory_space<vmem>> -> memref<64x128xf32, #tpu.memory_space<vmem>>
      %dma_start3A_170 = arith.constant 0 : i32
      %dma_start3A_171 = tpu.memref_slice %arg7[%add3A_163, %dma_start3A_170] : memref<40x128xi32, #tpu.memory_space<vmem>> -> memref<1x64xi32, #tpu.memory_space<vmem>>
      %dma_start3A_172 = tpu.memref_squeeze %dma_start3A_171 : memref<1x64xi32, #tpu.memory_space<vmem>> -> memref<64xi32, #tpu.memory_space<vmem>>
      %dma_start3A_173 = arith.constant 0 : i32
      %dma_start3A_174 = arith.constant 0 : i32
      %dma_start3A_175 = tpu.memref_slice %arg2[%dma_start3A_173, %dma_start3A_174] : memref<10240x128xf32, #tpu.memory_space<hbm>> -> memref<10240x128xf32, #tpu.memory_space<hbm>>
      %dma_start3A_176 = tpu.memref_slice %arg11[%dma_start3A_165] : memref<2x!tpu.dma_semaphore, #tpu.memory_space<semaphore_mem>> -> memref<1x!tpu.dma_semaphore, #tpu.memory_space<semaphore_mem>>
      %dma_start3A_177 = tpu.memref_squeeze %dma_start3A_176 : memref<1x!tpu.dma_semaphore, #tpu.memory_space<semaphore_mem>> -> memref<!tpu.dma_semaphore, #tpu.memory_space<semaphore_mem>>
      tpu.enqueue_indirect_dma source(%dma_start3A_175 : memref<10240x128xf32, #tpu.memory_space<hbm>>) target(%dma_start3A_169 : memref<64x128xf32, #tpu.memory_space<vmem>>) offsets(%dma_start3A_172 : memref<64xi32, #tpu.memory_space<vmem>>) semaphore(%dma_start3A_177 : memref<!tpu.dma_semaphore, #tpu.memory_space<semaphore_mem>>)
      %dma_start3A_178 = arith.constant 1 : i32
      %dma_start3A_179 = arith.constant 1 : i32
      %dma_start3A_180 = arith.constant 64 : i32
      %dma_start3A_181 = arith.constant 0 : i32
      %dma_start3A_182 = tpu.memref_slice %arg9[%dma_start3A_178, %dma_start3A_180, %dma_start3A_181] : memref<2x128x128xf32, #tpu.memory_space<vmem>> -> memref<1x64x128xf32, #tpu.memory_space<vmem>>
      %dma_start3A_183 = tpu.memref_squeeze %dma_start3A_182 : memref<1x64x128xf32, #tpu.memory_space<vmem>> -> memref<64x128xf32, #tpu.memory_space<vmem>>
      %dma_start3A_184 = arith.constant 64 : i32
      %dma_start3A_185 = tpu.memref_slice %arg7[%add3A_163, %dma_start3A_184] : memref<40x128xi32, #tpu.memory_space<vmem>> -> memref<1x64xi32, #tpu.memory_space<vmem>>
      %dma_start3A_186 = tpu.memref_squeeze %dma_start3A_185 : memref<1x64xi32, #tpu.memory_space<vmem>> -> memref<64xi32, #tpu.memory_space<vmem>>
      %dma_start3A_187 = arith.constant 0 : i32
      %dma_start3A_188 = arith.constant 0 : i32
      %dma_start3A_189 = tpu.memref_slice %arg2[%dma_start3A_187, %dma_start3A_188] : memref<10240x128xf32, #tpu.memory_space<hbm>> -> memref<10240x128xf32, #tpu.memory_space<hbm>>
      %dma_start3A_190 = tpu.memref_slice %arg11[%dma_start3A_179] : memref<2x!tpu.dma_semaphore, #tpu.memory_space<semaphore_mem>> -> memref<1x!tpu.dma_semaphore, #tpu.memory_space<semaphore_mem>>
      %dma_start3A_191 = tpu.memref_squeeze %dma_start3A_190 : memref<1x!tpu.dma_semaphore, #tpu.memory_space<semaphore_mem>> -> memref<!tpu.dma_semaphore, #tpu.memory_space<semaphore_mem>>
      tpu.enqueue_indirect_dma source(%dma_start3A_189 : memref<10240x128xf32, #tpu.memory_space<hbm>>) target(%dma_start3A_183 : memref<64x128xf32, #tpu.memory_space<vmem>>) offsets(%dma_start3A_186 : memref<64xi32, #tpu.memory_space<vmem>>) semaphore(%dma_start3A_191 : memref<!tpu.dma_semaphore, #tpu.memory_space<semaphore_mem>>)
      %dma_wait3A_192 = arith.constant 0 : i32
      %dma_wait3A_193 = arith.constant 0 : i32
      %dma_wait3A_194 = arith.constant 0 : i32
      %dma_wait3A_195 = arith.constant 0 : i32
      %dma_wait3A_196 = tpu.memref_slice %arg9[%dma_wait3A_192, %dma_wait3A_194, %dma_wait3A_195] : memref<2x128x128xf32, #tpu.memory_space<vmem>> -> memref<1x128x128xf32, #tpu.memory_space<vmem>>
      %dma_wait3A_197 = tpu.memref_squeeze %dma_wait3A_196 : memref<1x128x128xf32, #tpu.memory_space<vmem>> -> memref<128x128xf32, #tpu.memory_space<vmem>>
      %dma_wait3A_198 = arith.constant 0 : i32
      %dma_wait3A_199 = tpu.memref_slice %arg7[%mul3A_161, %dma_wait3A_198] : memref<40x128xi32, #tpu.memory_space<vmem>> -> memref<1x128xi32, #tpu.memory_space<vmem>>
      %dma_wait3A_200 = tpu.memref_squeeze %dma_wait3A_199 : memref<1x128xi32, #tpu.memory_space<vmem>> -> memref<128xi32, #tpu.memory_space<vmem>>
      %dma_wait3A_201 = arith.constant 0 : i32
      %dma_wait3A_202 = arith.constant 0 : i32
      %dma_wait3A_203 = tpu.memref_slice %arg2[%dma_wait3A_201, %dma_wait3A_202] : memref<10240x128xf32, #tpu.memory_space<hbm>> -> memref<10240x128xf32, #tpu.memory_space<hbm>>
      %dma_wait3A_204 = tpu.memref_slice %arg11[%dma_wait3A_193] : memref<2x!tpu.dma_semaphore, #tpu.memory_space<semaphore_mem>> -> memref<1x!tpu.dma_semaphore, #tpu.memory_space<semaphore_mem>>
      %dma_wait3A_205 = tpu.memref_squeeze %dma_wait3A_204 : memref<1x!tpu.dma_semaphore, #tpu.memory_space<semaphore_mem>> -> memref<!tpu.dma_semaphore, #tpu.memory_space<semaphore_mem>>
      tpu.wait_indirect_dma semaphore(%dma_wait3A_205 : memref<!tpu.dma_semaphore, #tpu.memory_space<semaphore_mem>>) src(%dma_wait3A_203 : memref<10240x128xf32, #tpu.memory_space<hbm>>) dst(%dma_wait3A_197 : memref<128x128xf32, #tpu.memory_space<vmem>>)
      %run_scoped3A_206 = arith.constant 0 : i32
      "tpu.region"() ({
        %run_scoped3A_257 = tpu.sem_alloc : memref<!tpu.dma_semaphore, #tpu.memory_space<semaphore_mem>>
        %dma_start3A_258 = arith.constant 0 : i32
        %dma_start3A_259 = arith.constant 0 : i32
        %dma_start3A_260 = tpu.memref_slice %arg9[%run_scoped3A_206, %dma_start3A_258, %dma_start3A_259] : memref<2x128x128xf32, #tpu.memory_space<vmem>> -> memref<1x128x128xf32, #tpu.memory_space<vmem>>
        %dma_start3A_261 = tpu.memref_squeeze %dma_start3A_260 : memref<1x128x128xf32, #tpu.memory_space<vmem>> -> memref<128x128xf32, #tpu.memory_space<vmem>>
        %dma_start3A_262 = arith.constant 0 : i32
        %dma_start3A_263 = tpu.memref_slice %arg8[%mul3A_161, %dma_start3A_262] : memref<40x128xi32, #tpu.memory_space<vmem>> -> memref<1x128xi32, #tpu.memory_space<vmem>>
        %dma_start3A_264 = tpu.memref_squeeze %dma_start3A_263 : memref<1x128xi32, #tpu.memory_space<vmem>> -> memref<128xi32, #tpu.memory_space<vmem>>
        %dma_start3A_265 = arith.constant 0 : i32
        %dma_start3A_266 = arith.constant 0 : i32
        %dma_start3A_267 = tpu.memref_slice %arg10[%dma_start3A_265, %dma_start3A_266] : memref<10240x128xf32, #tpu.memory_space<vmem_shared>> -> memref<10240x128xf32, #tpu.memory_space<vmem_shared>>
        tpu.enqueue_indirect_dma source(%dma_start3A_261 : memref<128x128xf32, #tpu.memory_space<vmem>>) target(%dma_start3A_267 : memref<10240x128xf32, #tpu.memory_space<vmem_shared>>) offsets(%dma_start3A_264 : memref<128xi32, #tpu.memory_space<vmem>>) semaphore(%run_scoped3A_257 : memref<!tpu.dma_semaphore, #tpu.memory_space<semaphore_mem>>) {add = true}
        %dma_wait3A_268 = arith.constant 0 : i32
        %dma_wait3A_269 = arith.constant 0 : i32
        %dma_wait3A_270 = tpu.memref_slice %arg9[%run_scoped3A_206, %dma_wait3A_268, %dma_wait3A_269] : memref<2x128x128xf32, #tpu.memory_space<vmem>> -> memref<1x128x128xf32, #tpu.memory_space<vmem>>
        %dma_wait3A_271 = tpu.memref_squeeze %dma_wait3A_270 : memref<1x128x128xf32, #tpu.memory_space<vmem>> -> memref<128x128xf32, #tpu.memory_space<vmem>>
        %dma_wait3A_272 = arith.constant 0 : i32
        %dma_wait3A_273 = tpu.memref_slice %arg8[%mul3A_161, %dma_wait3A_272] : memref<40x128xi32, #tpu.memory_space<vmem>> -> memref<1x128xi32, #tpu.memory_space<vmem>>
        %dma_wait3A_274 = tpu.memref_squeeze %dma_wait3A_273 : memref<1x128xi32, #tpu.memory_space<vmem>> -> memref<128xi32, #tpu.memory_space<vmem>>
        %dma_wait3A_275 = arith.constant 0 : i32
        %dma_wait3A_276 = arith.constant 0 : i32
        %dma_wait3A_277 = tpu.memref_slice %arg10[%dma_wait3A_275, %dma_wait3A_276] : memref<10240x128xf32, #tpu.memory_space<vmem_shared>> -> memref<10240x128xf32, #tpu.memory_space<vmem_shared>>
        tpu.wait_indirect_dma semaphore(%run_scoped3A_257 : memref<!tpu.dma_semaphore, #tpu.memory_space<semaphore_mem>>) src(%dma_wait3A_271 : memref<128x128xf32, #tpu.memory_space<vmem>>) dst(%dma_wait3A_277 : memref<10240x128xf32, #tpu.memory_space<vmem_shared>>)
        tpu.yield
      }) : () -> ()
      %add3A_207 = arith.constant 2 : i32
      %add3A_208 = arith.addi %mul3A_161, %add3A_207 : i32
      %min3A = arith.constant 39 : i32
      %min3A_209 = arith.minsi %add3A_208, %min3A : i32
      %dma_start3A_210 = arith.constant 0 : i32
      %dma_start3A_211 = arith.constant 0 : i32
      %dma_start3A_212 = arith.constant 0 : i32
      %dma_start3A_213 = arith.constant 0 : i32
      %dma_start3A_214 = tpu.memref_slice %arg9[%dma_start3A_210, %dma_start3A_212, %dma_start3A_213] : memref<2x128x128xf32, #tpu.memory_space<vmem>> -> memref<1x64x128xf32, #tpu.memory_space<vmem>>
      %dma_start3A_215 = tpu.memref_squeeze %dma_start3A_214 : memref<1x64x128xf32, #tpu.memory_space<vmem>> -> memref<64x128xf32, #tpu.memory_space<vmem>>
      %dma_start3A_216 = arith.constant 0 : i32
      %dma_start3A_217 = tpu.memref_slice %arg7[%min3A_209, %dma_start3A_216] : memref<40x128xi32, #tpu.memory_space<vmem>> -> memref<1x64xi32, #tpu.memory_space<vmem>>
      %dma_start3A_218 = tpu.memref_squeeze %dma_start3A_217 : memref<1x64xi32, #tpu.memory_space<vmem>> -> memref<64xi32, #tpu.memory_space<vmem>>
      %dma_start3A_219 = arith.constant 0 : i32
      %dma_start3A_220 = arith.constant 0 : i32
      %dma_start3A_221 = tpu.memref_slice %arg2[%dma_start3A_219, %dma_start3A_220] : memref<10240x128xf32, #tpu.memory_space<hbm>> -> memref<10240x128xf32, #tpu.memory_space<hbm>>
      %dma_start3A_222 = tpu.memref_slice %arg11[%dma_start3A_211] : memref<2x!tpu.dma_semaphore, #tpu.memory_space<semaphore_mem>> -> memref<1x!tpu.dma_semaphore, #tpu.memory_space<semaphore_mem>>
      %dma_start3A_223 = tpu.memref_squeeze %dma_start3A_222 : memref<1x!tpu.dma_semaphore, #tpu.memory_space<semaphore_mem>> -> memref<!tpu.dma_semaphore, #tpu.memory_space<semaphore_mem>>
      tpu.enqueue_indirect_dma source(%dma_start3A_221 : memref<10240x128xf32, #tpu.memory_space<hbm>>) target(%dma_start3A_215 : memref<64x128xf32, #tpu.memory_space<vmem>>) offsets(%dma_start3A_218 : memref<64xi32, #tpu.memory_space<vmem>>) semaphore(%dma_start3A_223 : memref<!tpu.dma_semaphore, #tpu.memory_space<semaphore_mem>>)
      %dma_start3A_224 = arith.constant 0 : i32
      %dma_start3A_225 = arith.constant 0 : i32
      %dma_start3A_226 = arith.constant 64 : i32
      %dma_start3A_227 = arith.constant 0 : i32
      %dma_start3A_228 = tpu.memref_slice %arg9[%dma_start3A_224, %dma_start3A_226, %dma_start3A_227] : memref<2x128x128xf32, #tpu.memory_space<vmem>> -> memref<1x64x128xf32, #tpu.memory_space<vmem>>
      %dma_start3A_229 = tpu.memref_squeeze %dma_start3A_228 : memref<1x64x128xf32, #tpu.memory_space<vmem>> -> memref<64x128xf32, #tpu.memory_space<vmem>>
      %dma_start3A_230 = arith.constant 64 : i32
      %dma_start3A_231 = tpu.memref_slice %arg7[%min3A_209, %dma_start3A_230] : memref<40x128xi32, #tpu.memory_space<vmem>> -> memref<1x64xi32, #tpu.memory_space<vmem>>
      %dma_start3A_232 = tpu.memref_squeeze %dma_start3A_231 : memref<1x64xi32, #tpu.memory_space<vmem>> -> memref<64xi32, #tpu.memory_space<vmem>>
      %dma_start3A_233 = arith.constant 0 : i32
      %dma_start3A_234 = arith.constant 0 : i32
      %dma_start3A_235 = tpu.memref_slice %arg2[%dma_start3A_233, %dma_start3A_234] : memref<10240x128xf32, #tpu.memory_space<hbm>> -> memref<10240x128xf32, #tpu.memory_space<hbm>>
      %dma_start3A_236 = tpu.memref_slice %arg11[%dma_start3A_225] : memref<2x!tpu.dma_semaphore, #tpu.memory_space<semaphore_mem>> -> memref<1x!tpu.dma_semaphore, #tpu.memory_space<semaphore_mem>>
      %dma_start3A_237 = tpu.memref_squeeze %dma_start3A_236 : memref<1x!tpu.dma_semaphore, #tpu.memory_space<semaphore_mem>> -> memref<!tpu.dma_semaphore, #tpu.memory_space<semaphore_mem>>
      tpu.enqueue_indirect_dma source(%dma_start3A_235 : memref<10240x128xf32, #tpu.memory_space<hbm>>) target(%dma_start3A_229 : memref<64x128xf32, #tpu.memory_space<vmem>>) offsets(%dma_start3A_232 : memref<64xi32, #tpu.memory_space<vmem>>) semaphore(%dma_start3A_237 : memref<!tpu.dma_semaphore, #tpu.memory_space<semaphore_mem>>)
      %add3A_238 = arith.constant 1 : i32
      %add3A_239 = arith.addi %mul3A_161, %add3A_238 : i32
      %dma_wait3A_240 = arith.constant 1 : i32
      %dma_wait3A_241 = arith.constant 1 : i32
      %dma_wait3A_242 = arith.constant 0 : i32
      %dma_wait3A_243 = arith.constant 0 : i32
      %dma_wait3A_244 = tpu.memref_slice %arg9[%dma_wait3A_240, %dma_wait3A_242, %dma_wait3A_243] : memref<2x128x128xf32, #tpu.memory_space<vmem>> -> memref<1x128x128xf32, #tpu.memory_space<vmem>>
      %dma_wait3A_245 = tpu.memref_squeeze %dma_wait3A_244 : memref<1x128x128xf32, #tpu.memory_space<vmem>> -> memref<128x128xf32, #tpu.memory_space<vmem>>
      %dma_wait3A_246 = arith.constant 0 : i32
      %dma_wait3A_247 = tpu.memref_slice %arg7[%add3A_239, %dma_wait3A_246] : memref<40x128xi32, #tpu.memory_space<vmem>> -> memref<1x128xi32, #tpu.memory_space<vmem>>
      %dma_wait3A_248 = tpu.memref_squeeze %dma_wait3A_247 : memref<1x128xi32, #tpu.memory_space<vmem>> -> memref<128xi32, #tpu.memory_space<vmem>>
      %dma_wait3A_249 = arith.constant 0 : i32
      %dma_wait3A_250 = arith.constant 0 : i32
      %dma_wait3A_251 = tpu.memref_slice %arg2[%dma_wait3A_249, %dma_wait3A_250] : memref<10240x128xf32, #tpu.memory_space<hbm>> -> memref<10240x128xf32, #tpu.memory_space<hbm>>
      %dma_wait3A_252 = tpu.memref_slice %arg11[%dma_wait3A_241] : memref<2x!tpu.dma_semaphore, #tpu.memory_space<semaphore_mem>> -> memref<1x!tpu.dma_semaphore, #tpu.memory_space<semaphore_mem>>
      %dma_wait3A_253 = tpu.memref_squeeze %dma_wait3A_252 : memref<1x!tpu.dma_semaphore, #tpu.memory_space<semaphore_mem>> -> memref<!tpu.dma_semaphore, #tpu.memory_space<semaphore_mem>>
      tpu.wait_indirect_dma semaphore(%dma_wait3A_253 : memref<!tpu.dma_semaphore, #tpu.memory_space<semaphore_mem>>) src(%dma_wait3A_251 : memref<10240x128xf32, #tpu.memory_space<hbm>>) dst(%dma_wait3A_245 : memref<128x128xf32, #tpu.memory_space<vmem>>)
      %add3A_254 = arith.constant 1 : i32
      %add3A_255 = arith.addi %mul3A_161, %add3A_254 : i32
      %run_scoped3A_256 = arith.constant 1 : i32
      "tpu.region"() ({
        %run_scoped3A_257 = tpu.sem_alloc : memref<!tpu.dma_semaphore, #tpu.memory_space<semaphore_mem>>
        %dma_start3A_258 = arith.constant 0 : i32
        %dma_start3A_259 = arith.constant 0 : i32
        %dma_start3A_260 = tpu.memref_slice %arg9[%run_scoped3A_256, %dma_start3A_258, %dma_start3A_259] : memref<2x128x128xf32, #tpu.memory_space<vmem>> -> memref<1x128x128xf32, #tpu.memory_space<vmem>>
        %dma_start3A_261 = tpu.memref_squeeze %dma_start3A_260 : memref<1x128x128xf32, #tpu.memory_space<vmem>> -> memref<128x128xf32, #tpu.memory_space<vmem>>
        %dma_start3A_262 = arith.constant 0 : i32
        %dma_start3A_263 = tpu.memref_slice %arg8[%add3A_255, %dma_start3A_262] : memref<40x128xi32, #tpu.memory_space<vmem>> -> memref<1x128xi32, #tpu.memory_space<vmem>>
        %dma_start3A_264 = tpu.memref_squeeze %dma_start3A_263 : memref<1x128xi32, #tpu.memory_space<vmem>> -> memref<128xi32, #tpu.memory_space<vmem>>
        %dma_start3A_265 = arith.constant 0 : i32
        %dma_start3A_266 = arith.constant 0 : i32
        %dma_start3A_267 = tpu.memref_slice %arg10[%dma_start3A_265, %dma_start3A_266] : memref<10240x128xf32, #tpu.memory_space<vmem_shared>> -> memref<10240x128xf32, #tpu.memory_space<vmem_shared>>
        tpu.enqueue_indirect_dma source(%dma_start3A_261 : memref<128x128xf32, #tpu.memory_space<vmem>>) target(%dma_start3A_267 : memref<10240x128xf32, #tpu.memory_space<vmem_shared>>) offsets(%dma_start3A_264 : memref<128xi32, #tpu.memory_space<vmem>>) semaphore(%run_scoped3A_257 : memref<!tpu.dma_semaphore, #tpu.memory_space<semaphore_mem>>) {add = true}
        %dma_wait3A_268 = arith.constant 0 : i32
        %dma_wait3A_269 = arith.constant 0 : i32
        %dma_wait3A_270 = tpu.memref_slice %arg9[%run_scoped3A_256, %dma_wait3A_268, %dma_wait3A_269] : memref<2x128x128xf32, #tpu.memory_space<vmem>> -> memref<1x128x128xf32, #tpu.memory_space<vmem>>
        %dma_wait3A_271 = tpu.memref_squeeze %dma_wait3A_270 : memref<1x128x128xf32, #tpu.memory_space<vmem>> -> memref<128x128xf32, #tpu.memory_space<vmem>>
        %dma_wait3A_272 = arith.constant 0 : i32
        %dma_wait3A_273 = tpu.memref_slice %arg8[%add3A_255, %dma_wait3A_272] : memref<40x128xi32, #tpu.memory_space<vmem>> -> memref<1x128xi32, #tpu.memory_space<vmem>>
        %dma_wait3A_274 = tpu.memref_squeeze %dma_wait3A_273 : memref<1x128xi32, #tpu.memory_space<vmem>> -> memref<128xi32, #tpu.memory_space<vmem>>
        %dma_wait3A_275 = arith.constant 0 : i32
        %dma_wait3A_276 = arith.constant 0 : i32
        %dma_wait3A_277 = tpu.memref_slice %arg10[%dma_wait3A_275, %dma_wait3A_276] : memref<10240x128xf32, #tpu.memory_space<vmem_shared>> -> memref<10240x128xf32, #tpu.memory_space<vmem_shared>>
        tpu.wait_indirect_dma semaphore(%run_scoped3A_257 : memref<!tpu.dma_semaphore, #tpu.memory_space<semaphore_mem>>) src(%dma_wait3A_271 : memref<128x128xf32, #tpu.memory_space<vmem>>) dst(%dma_wait3A_277 : memref<10240x128xf32, #tpu.memory_space<vmem_shared>>)
        tpu.yield
      }) : () -> ()
    }
    %scan3A_138 = arith.constant 20 : i32
    %dma_wait3A_139 = arith.constant 39 : i32
    %dma_wait3A_140 = arith.constant 0 : i32
    %dma_wait3A_141 = arith.constant 0 : i32
    %dma_wait3A_142 = arith.constant 0 : i32
    %dma_wait3A_143 = arith.constant 0 : i32
    %dma_wait3A_144 = tpu.memref_slice %arg9[%dma_wait3A_140, %dma_wait3A_142, %dma_wait3A_143] : memref<2x128x128xf32, #tpu.memory_space<vmem>> -> memref<1x128x128xf32, #tpu.memory_space<vmem>>
    %dma_wait3A_145 = tpu.memref_squeeze %dma_wait3A_144 : memref<1x128x128xf32, #tpu.memory_space<vmem>> -> memref<128x128xf32, #tpu.memory_space<vmem>>
    %dma_wait3A_146 = arith.constant 0 : i32
    %dma_wait3A_147 = tpu.memref_slice %arg7[%dma_wait3A_139, %dma_wait3A_146] : memref<40x128xi32, #tpu.memory_space<vmem>> -> memref<1x128xi32, #tpu.memory_space<vmem>>
    %dma_wait3A_148 = tpu.memref_squeeze %dma_wait3A_147 : memref<1x128xi32, #tpu.memory_space<vmem>> -> memref<128xi32, #tpu.memory_space<vmem>>
    %dma_wait3A_149 = arith.constant 0 : i32
    %dma_wait3A_150 = arith.constant 0 : i32
    %dma_wait3A_151 = tpu.memref_slice %arg2[%dma_wait3A_149, %dma_wait3A_150] : memref<10240x128xf32, #tpu.memory_space<hbm>> -> memref<10240x128xf32, #tpu.memory_space<hbm>>
    %dma_wait3A_152 = tpu.memref_slice %arg11[%dma_wait3A_141] : memref<2x!tpu.dma_semaphore, #tpu.memory_space<semaphore_mem>> -> memref<1x!tpu.dma_semaphore, #tpu.memory_space<semaphore_mem>>
    %dma_wait3A_153 = tpu.memref_squeeze %dma_wait3A_152 : memref<1x!tpu.dma_semaphore, #tpu.memory_space<semaphore_mem>> -> memref<!tpu.dma_semaphore, #tpu.memory_space<semaphore_mem>>
    tpu.wait_indirect_dma semaphore(%dma_wait3A_153 : memref<!tpu.dma_semaphore, #tpu.memory_space<semaphore_mem>>) src(%dma_wait3A_151 : memref<10240x128xf32, #tpu.memory_space<hbm>>) dst(%dma_wait3A_145 : memref<128x128xf32, #tpu.memory_space<vmem>>)
    %barrier3A_154 = arith.constant 0 : index
    tpu.barrier barrier_id(%barrier3A_154)
    %mul3A_155 = arith.constant 640 : i32
    %mul3A_156 = arith.muli %arg1, %mul3A_155 : i32
    %mul3A_157 = arith.constant 640 : i32
    %mul3A_158 = arith.muli %arg1, %mul3A_157 : i32
    "tpu.region"() ({
      %run_scoped3A_159 = tpu.sem_alloc : memref<!tpu.dma_semaphore, #tpu.memory_space<semaphore_mem>>
      %dma_start3A_160 = arith.constant 0 : i32
      %dma_start3A_161 = tpu.memref_slice %arg6[%arg0, %mul3A_158, %dma_start3A_160] : memref<2x10240x128xf32, #tpu.memory_space<hbm>> -> memref<1x640x128xf32, #tpu.memory_space<hbm>>
      %dma_start3A_162 = tpu.memref_squeeze %dma_start3A_161 : memref<1x640x128xf32, #tpu.memory_space<hbm>> -> memref<640x128xf32, #tpu.memory_space<hbm>>
      %dma_start3A_163 = arith.constant 0 : i32
      %dma_start3A_164 = tpu.memref_slice %arg10[%mul3A_156, %dma_start3A_163] : memref<10240x128xf32, #tpu.memory_space<vmem_shared>> -> memref<640x128xf32, #tpu.memory_space<vmem_shared>>
      tpu.enqueue_dma source(%dma_start3A_164 : memref<640x128xf32, #tpu.memory_space<vmem_shared>>) target(%dma_start3A_162 : memref<640x128xf32, #tpu.memory_space<hbm>>) target_semaphore(%run_scoped3A_159 : memref<!tpu.dma_semaphore, #tpu.memory_space<semaphore_mem>>)
      %dma_wait3A_165 = arith.constant 0 : i32
      %dma_wait3A_166 = tpu.memref_slice %arg6[%arg0, %mul3A_158, %dma_wait3A_165] : memref<2x10240x128xf32, #tpu.memory_space<hbm>> -> memref<1x640x128xf32, #tpu.memory_space<hbm>>
      %dma_wait3A_167 = tpu.memref_squeeze %dma_wait3A_166 : memref<1x640x128xf32, #tpu.memory_space<hbm>> -> memref<640x128xf32, #tpu.memory_space<hbm>>
      %dma_wait3A_168 = arith.constant 0 : i32
      %dma_wait3A_169 = tpu.memref_slice %arg10[%mul3A_156, %dma_wait3A_168] : memref<10240x128xf32, #tpu.memory_space<vmem_shared>> -> memref<640x128xf32, #tpu.memory_space<vmem_shared>>
      tpu.wait_dma2 semaphore(%run_scoped3A_159 : memref<!tpu.dma_semaphore, #tpu.memory_space<semaphore_mem>>) src(%dma_wait3A_169 : memref<640x128xf32, #tpu.memory_space<vmem_shared>>) dst(%dma_wait3A_167 : memref<640x128xf32, #tpu.memory_space<hbm>>)
      tpu.yield
    }) : () -> ()
    return
  }
}

module attributes {stable_mosaic.version = 14 : i64} {
  func.func @_prep_body(%arg0: i32, %arg1: memref<32x1024xf32, #tpu.memory_space<vmem>>, %arg2: memref<1024x128xf32, #tpu.memory_space<vmem>>, %arg3: memref<1024x128xf32, #tpu.memory_space<vmem>>, %arg4: memref<1024xf32, #tpu.memory_space<vmem>>) attributes {dimension_semantics = [#tpu.dimension_semantics<arbitrary>], iteration_bounds = array<i64: 10>, scalar_prefetch = 0 : i64, scratch_operands = 0 : i64, tpu.core_type = #tpu.core_type<tc>, window_params = [{transform_indices = @transform_0, window_bounds = array<i64: 32, 1024>}, {transform_indices = @transform_1, window_bounds = array<i64: 1024, 128>}, {transform_indices = @transform_2, window_bounds = array<i64: 1024, 128>}, {transform_indices = @transform_3, window_bounds = array<i64: 1024>}]} {
    %get3A = arith.constant 0 : index
    %get3A_0 = arith.constant 0 : index
    %get3A_1 = vector.load %arg1[%get3A, %get3A_0] : memref<32x1024xf32, #tpu.memory_space<vmem>>, vector<32x1024xf32>
    %reduce_sum3A = arith.constant dense<0.000000e+00> : vector<1024xf32>
    %reduce_sum3A_2 = vector.multi_reduction <add>, %get3A_1, %reduce_sum3A [0] : vector<32x1024xf32> to vector<1024xf32>
    %add3A = arith.constant 1.000000e+00 : f32
    %add3A_3 = vector.broadcast %add3A : f32 to vector<1024xf32>
    %add3A_4 = arith.addf %reduce_sum3A_2, %add3A_3 : vector<1024xf32>
    %rsqrt3A = math.rsqrt %add3A_4 : vector<1024xf32>
    %swap3A = arith.constant 0 : index
    %swap3A_5 = vector.load %arg4[%swap3A] : memref<1024xf32, #tpu.memory_space<vmem>>, vector<1024xf32>
    tpu.vector_store %arg4[%swap3A], %rsqrt3A {strides = array<i32>} : memref<1024xf32, #tpu.memory_space<vmem>>, vector<1024xf32>,
    %broadcast_in_dim3A = vector.shape_cast %rsqrt3A : vector<1024xf32> to vector<1024x1xf32>
    %get3A_6 = arith.constant 0 : index
    %get3A_7 = arith.constant 0 : index
    %get3A_8 = vector.load %arg2[%get3A_6, %get3A_7] : memref<1024x128xf32, #tpu.memory_space<vmem>>, vector<1024x128xf32>
    %mul3A = vector.broadcast %broadcast_in_dim3A : vector<1024x1xf32> to vector<1024x128xf32>
    %mul3A_9 = arith.mulf %mul3A, %get3A_8 : vector<1024x128xf32>
    %swap3A_10 = arith.constant 0 : index
    %swap3A_11 = arith.constant 0 : index
    %swap3A_12 = vector.load %arg3[%swap3A_10, %swap3A_11] : memref<1024x128xf32, #tpu.memory_space<vmem>>, vector<1024x128xf32>
    tpu.vector_store %arg3[%swap3A_10, %swap3A_11], %mul3A_9 {strides = array<i32>} : memref<1024x128xf32, #tpu.memory_space<vmem>>, vector<1024x128xf32>,
    return
  }
  func.func @transform_0(%arg0: i32) -> (i32, i32) {
    %c0_i32 = arith.constant 0 : i32
    %c0_i32_0 = arith.constant 0 : i32
    return %c0_i32, %arg0 : i32, i32
  }
  func.func @transform_1(%arg0: i32) -> (i32, i32) {
    %c0_i32 = arith.constant 0 : i32
    %c0_i32_0 = arith.constant 0 : i32
    return %arg0, %c0_i32 : i32, i32
  }
  func.func @transform_2(%arg0: i32) -> (i32, i32) {
    %c0_i32 = arith.constant 0 : i32
    %c0_i32_0 = arith.constant 0 : i32
    return %arg0, %c0_i32 : i32, i32
  }
  func.func @transform_3(%arg0: i32) -> i32 {
    %c0_i32 = arith.constant 0 : i32
    return %arg0 : i32
  }
}

module attributes {stable_mosaic.version = 14 : i64} {
  func.func @_combine_body(%arg0: i32, %arg1: memref<1x1024x128xf32, #tpu.memory_space<vmem>>, %arg2: memref<1x1024x128xf32, #tpu.memory_space<vmem>>, %arg3: memref<1024x128xf32, #tpu.memory_space<vmem>>, %arg4: memref<1024xf32, #tpu.memory_space<vmem>>, %arg5: memref<1024x128xf32, #tpu.memory_space<vmem>>) attributes {dimension_semantics = [#tpu.dimension_semantics<arbitrary>], iteration_bounds = array<i64: 10>, scalar_prefetch = 0 : i64, scratch_operands = 0 : i64, tpu.core_type = #tpu.core_type<tc>, window_params = [{transform_indices = @transform_0, window_bounds = array<i64: 1, 1024, 128>}, {transform_indices = @transform_1, window_bounds = array<i64: 1, 1024, 128>}, {transform_indices = @transform_2, window_bounds = array<i64: 1024, 128>}, {transform_indices = @transform_3, window_bounds = array<i64: 1024>}, {transform_indices = @transform_4, window_bounds = array<i64: 1024, 128>}]} {
    %get3A = arith.constant 0 : index
    %get3A_0 = vector.load %arg4[%get3A] : memref<1024xf32, #tpu.memory_space<vmem>>, vector<1024xf32>
    %mul3A = arith.mulf %get3A_0, %get3A_0 : vector<1024xf32>
    %broadcast_in_dim3A = vector.shape_cast %mul3A : vector<1024xf32> to vector<1024x1xf32>
    %get3A_1 = arith.constant 0 : index
    %get3A_2 = arith.constant 0 : index
    %get3A_3 = arith.constant 0 : index
    %get3A_4 = vector.load %arg1[%get3A_1, %get3A_2, %get3A_3] : memref<1x1024x128xf32, #tpu.memory_space<vmem>>, vector<1x1024x128xf32>
    %get3A_5 = vector.shape_cast %get3A_4 : vector<1x1024x128xf32> to vector<1024x128xf32>
    %get3A_6 = arith.constant 0 : index
    %get3A_7 = arith.constant 0 : index
    %get3A_8 = arith.constant 0 : index
    %get3A_9 = vector.load %arg2[%get3A_6, %get3A_7, %get3A_8] : memref<1x1024x128xf32, #tpu.memory_space<vmem>>, vector<1x1024x128xf32>
    %get3A_10 = vector.shape_cast %get3A_9 : vector<1x1024x128xf32> to vector<1024x128xf32>
    %add3A = arith.addf %get3A_5, %get3A_10 : vector<1024x128xf32>
    %get3A_11 = arith.constant 0 : index
    %get3A_12 = arith.constant 0 : index
    %get3A_13 = vector.load %arg3[%get3A_11, %get3A_12] : memref<1024x128xf32, #tpu.memory_space<vmem>>, vector<1024x128xf32>
    %add3A_14 = arith.addf %add3A, %get3A_13 : vector<1024x128xf32>
    %mul3A_15 = vector.broadcast %broadcast_in_dim3A : vector<1024x1xf32> to vector<1024x128xf32>
    %mul3A_16 = arith.mulf %mul3A_15, %add3A_14 : vector<1024x128xf32>
    %swap3A = arith.constant 0 : index
    %swap3A_17 = arith.constant 0 : index
    %swap3A_18 = vector.load %arg5[%swap3A, %swap3A_17] : memref<1024x128xf32, #tpu.memory_space<vmem>>, vector<1024x128xf32>
    tpu.vector_store %arg5[%swap3A, %swap3A_17], %mul3A_16 {strides = array<i32>} : memref<1024x128xf32, #tpu.memory_space<vmem>>, vector<1024x128xf32>,
    return
  }
  func.func @transform_0(%arg0: i32) -> (i32, i32, i32) {
    %c0_i32 = arith.constant 0 : i32
    %c0_i32_0 = arith.constant 0 : i32
    %c0_i32_1 = arith.constant 0 : i32
    return %c0_i32, %arg0, %c0_i32_0 : i32, i32, i32
  }
  func.func @transform_1(%arg0: i32) -> (i32, i32, i32) {
    %c1_i32 = arith.constant 1 : i32
    %c0_i32 = arith.constant 0 : i32
    %c0_i32_0 = arith.constant 0 : i32
    return %c1_i32, %arg0, %c0_i32 : i32, i32, i32
  }
  func.func @transform_2(%arg0: i32) -> (i32, i32) {
    %c0_i32 = arith.constant 0 : i32
    %c0_i32_0 = arith.constant 0 : i32
    return %arg0, %c0_i32 : i32, i32
  }
  func.func @transform_3(%arg0: i32) -> i32 {
    %c0_i32 = arith.constant 0 : i32
    return %arg0 : i32
  }
  func.func @transform_4(%arg0: i32) -> (i32, i32) {
    %c0_i32 = arith.constant 0 : i32
    %c0_i32_0 = arith.constant 0 : i32
    return %arg0, %c0_i32 : i32, i32
  }
}

module attributes {stable_mosaic.version = 14 : i64} {
  func.func @_final_body(%arg0: i32, %arg1: memref<1x1024x128xf32, #tpu.memory_space<vmem>>, %arg2: memref<1x1024x128xf32, #tpu.memory_space<vmem>>, %arg3: memref<1024x128xf32, #tpu.memory_space<vmem>>, %arg4: memref<1024xf32, #tpu.memory_space<vmem>>, %arg5: memref<128x128xf32, #tpu.memory_space<vmem>>, %arg6: memref<1x128xf32, #tpu.memory_space<vmem>>, %arg7: memref<1024x128xf32, #tpu.memory_space<vmem>>) attributes {dimension_semantics = [#tpu.dimension_semantics<arbitrary>], iteration_bounds = array<i64: 10>, scalar_prefetch = 0 : i64, scratch_operands = 0 : i64, tpu.core_type = #tpu.core_type<tc>, window_params = [{transform_indices = @transform_0, window_bounds = array<i64: 1, 1024, 128>}, {transform_indices = @transform_1, window_bounds = array<i64: 1, 1024, 128>}, {transform_indices = @transform_2, window_bounds = array<i64: 1024, 128>}, {transform_indices = @transform_3, window_bounds = array<i64: 1024>}, {pipeline_mode = #tpu.pipeline_mode<synchronous>, transform_indices = @transform_4, window_bounds = array<i64: 128, 128>}, {pipeline_mode = #tpu.pipeline_mode<synchronous>, transform_indices = @transform_5, window_bounds = array<i64: 1, 128>}, {transform_indices = @transform_6, window_bounds = array<i64: 1024, 128>}]} {
    %get3A = arith.constant 0 : index
    %get3A_0 = vector.load %arg4[%get3A] : memref<1024xf32, #tpu.memory_space<vmem>>, vector<1024xf32>
    %broadcast_in_dim3A = vector.shape_cast %get3A_0 : vector<1024xf32> to vector<1024x1xf32>
    %get3A_1 = arith.constant 0 : index
    %get3A_2 = arith.constant 0 : index
    %get3A_3 = arith.constant 0 : index
    %get3A_4 = vector.load %arg1[%get3A_1, %get3A_2, %get3A_3] : memref<1x1024x128xf32, #tpu.memory_space<vmem>>, vector<1x1024x128xf32>
    %get3A_5 = vector.shape_cast %get3A_4 : vector<1x1024x128xf32> to vector<1024x128xf32>
    %get3A_6 = arith.constant 0 : index
    %get3A_7 = arith.constant 0 : index
    %get3A_8 = arith.constant 0 : index
    %get3A_9 = vector.load %arg2[%get3A_6, %get3A_7, %get3A_8] : memref<1x1024x128xf32, #tpu.memory_space<vmem>>, vector<1x1024x128xf32>
    %get3A_10 = vector.shape_cast %get3A_9 : vector<1x1024x128xf32> to vector<1024x128xf32>
    %add3A = arith.addf %get3A_5, %get3A_10 : vector<1024x128xf32>
    %get3A_11 = arith.constant 0 : index
    %get3A_12 = arith.constant 0 : index
    %get3A_13 = vector.load %arg3[%get3A_11, %get3A_12] : memref<1024x128xf32, #tpu.memory_space<vmem>>, vector<1024x128xf32>
    %add3A_14 = arith.addf %add3A, %get3A_13 : vector<1024x128xf32>
    %mul3A = vector.broadcast %broadcast_in_dim3A : vector<1024x1xf32> to vector<1024x128xf32>
    %mul3A_15 = arith.mulf %mul3A, %add3A_14 : vector<1024x128xf32>
    %get3A_16 = arith.constant 0 : index
    %get3A_17 = arith.constant 0 : index
    %get3A_18 = vector.load %arg5[%get3A_16, %get3A_17] : memref<128x128xf32, #tpu.memory_space<vmem>>, vector<128x128xf32>
    %dot_general3A = arith.constant dense<0.000000e+00> : vector<1024x128xf32>
    %dot_general3A_19 = tpu.matmul %mul3A_15, %get3A_18, %dot_general3A {dimension_numbers = #tpu.dot_dimension_numbers<[1], [0], [0], [1], [0, 0, 1, 1], [], []>, transpose_lhs_hint = false} : vector<1024x128xf32>, vector<128x128xf32>, vector<1024x128xf32> -> vector<1024x128xf32>
    %get3A_20 = arith.constant 0 : index
    %get3A_21 = arith.constant 0 : index
    %get3A_22 = vector.load %arg6[%get3A_20, %get3A_21] : memref<1x128xf32, #tpu.memory_space<vmem>>, vector<1x128xf32>
    %add3A_23 = vector.broadcast %get3A_22 : vector<1x128xf32> to vector<1024x128xf32>
    %add3A_24 = arith.addf %dot_general3A_19, %add3A_23 : vector<1024x128xf32>
    %swap3A = arith.constant 0 : index
    %swap3A_25 = arith.constant 0 : index
    %swap3A_26 = vector.load %arg7[%swap3A, %swap3A_25] : memref<1024x128xf32, #tpu.memory_space<vmem>>, vector<1024x128xf32>
    tpu.vector_store %arg7[%swap3A, %swap3A_25], %add3A_24 {strides = array<i32>} : memref<1024x128xf32, #tpu.memory_space<vmem>>, vector<1024x128xf32>,
    return
  }
  func.func @transform_0(%arg0: i32) -> (i32, i32, i32) {
    %c0_i32 = arith.constant 0 : i32
    %c0_i32_0 = arith.constant 0 : i32
    %c0_i32_1 = arith.constant 0 : i32
    return %c0_i32, %arg0, %c0_i32_0 : i32, i32, i32
  }
  func.func @transform_1(%arg0: i32) -> (i32, i32, i32) {
    %c1_i32 = arith.constant 1 : i32
    %c0_i32 = arith.constant 0 : i32
    %c0_i32_0 = arith.constant 0 : i32
    return %c1_i32, %arg0, %c0_i32 : i32, i32, i32
  }
  func.func @transform_2(%arg0: i32) -> (i32, i32) {
    %c0_i32 = arith.constant 0 : i32
    %c0_i32_0 = arith.constant 0 : i32
    return %arg0, %c0_i32 : i32, i32
  }
  func.func @transform_3(%arg0: i32) -> i32 {
    %c0_i32 = arith.constant 0 : i32
    return %arg0 : i32
  }
  func.func @transform_4(%arg0: i32) -> (i32, i32) {
    %c0_i32 = arith.constant 0 : i32
    %c0_i32_0 = arith.constant 0 : i32
    %c0_i32_1 = arith.constant 0 : i32
    return %c0_i32, %c0_i32_0 : i32, i32
  }
  func.func @transform_5(%arg0: i32) -> (i32, i32) {
    %c0_i32 = arith.constant 0 : i32
    %c0_i32_0 = arith.constant 0 : i32
    %c0_i32_1 = arith.constant 0 : i32
    return %c0_i32, %c0_i32_0 : i32, i32
  }
  func.func @transform_6(%arg0: i32) -> (i32, i32) {
    %c0_i32 = arith.constant 0 : i32
    %c0_i32_0 = arith.constant 0 : i32
    return %arg0, %c0_i32 : i32, i32
  }
}

</mosaic_0001>

<sc_bundles>
// kernel: kernel.11.cloned.1.call-start
scs
__scs_entry_jumppad:
0x0: {  	(pc) =	sbr.rel $0x88, $3  }
0x1: {  	(tag) =	ssettag $0x0;
	lr =	simm.s32 $0x1  }
0x2: {  	[smem:$0x3F9D] =	sst lr;
	_ =	strace $0xD0000000  }
0x3: {  	_ = 	snop  }
0x4: {  	_ = 	snop  }
0x5: {  	_ = 	snop  }
0x6: {  	_ = 	snop  }
0x7: {  	_ = 	snop  }
__scs_overlays_trampoline_lowered:
0x8: {  	[smem:$0x3FAC] =	sst s0  }
0x9: {  	[smem:$0x3FAD] =	sst s1  }
0xa: {  	[smem:$0x3FAE] =	sst s2  }
0xb: {  	[smem:$0x3FAF] =	sst s3  }
0xc: {  	[smem:$0x3FB0] =	sst s4  }
0xd: {  	[smem:$0x3FB1] =	sst s5  }
0xe: {  	[smem:$0x3FB2] =	sst s6  }
0xf: {  	[smem:$0x3FB3] =	sst s7  }
0x10: {  	[smem:$0x3FB4] =	sst s8  }
0x11: {  	[smem:$0x3FB5] =	sst s9;
	s0 =	simm.s32 @!p0 $0x0  }
0x12: {  	s1 =	sld [smem:$0x3F9B];
	s0 =	simm.s32 @p0 $0x1  }
0x13: {  	[smem:$0x3FB6] =	sst s0;
	s0 =	simm.s32 @!p1 $0x0  }
0x14: {  	s2 =	sld [smem:$0x3F9A];
	s0 =	simm.s32 @p1 $0x1  }
0x15: {  	[smem:$0x3FB7] =	sst s0;
	s0 =	simm.s32 @!p2 $0x0  }
0x16: {  	s3 =	sld [smem:$0x3FDB];
	s0 =	simm.s32 @p2 $0x1  }
0x17: {  	s4 =	simm.s32 $0x1BF5;
	[smem:$0x3FB9] =	sst s0  }
0x18: {  	s0 =	sld [smem:$0x3F9C];
	_ =	swait.ge [sflag:s4], $0x0  }
0x19: {  	s7 =	sld [smem:$0x3F9D]  }
0x1a: {  	s8 =	sadd.s32 $0xFFFFE003, lr  }
0x1b: {  	s9 =	sadd.s32 $0xFFFFFEF7, lr;
	s5 =	simm.s32 $0xFFFFFFFF;
	p2 =	slt.u32 s8, $0xFFFFF086  }
0x1c: {  	p1 =	slt.u32 s9, $0xF7A;
	s5 =	simm.s32 @!p2 $0x0  }
0x1d: {  	s5 =	simm.s32 @p1 $0x1;
	p0 =	seq.s32 s7, s2  }
0x1e: {  	s7 =	smul.u32 @!p0 $0xF7A, s2;
	p2 =	seq.s32 @!p0 s5, $0x0  }
0x1f: {  	s9 =	smul.u32 $0xF7A, s1;
	s8 =	simm.s32 @!p0 $0x1BF5;
	p2 =	por !p2, p0  }
0x20: {  	[sflag:s8] =	ssyncset.s32 @!p0 $0xFFFFF086;
	s6 =	sadd.s32 @!p0 s3, s7;
	s7 =	simm.s32 @!p0 $0x108  }
0x21: {  	s3 =	sadd.s32 s3, s9;
	s6 =	sadd.s32 @!p0 $0x88, s6;
	s7 =	simm.s32 @p2 $0x1082  }
0x22: {  	[simem:s7], [sflag:s8] =	dma.local @!p0 [hbm:s6], $0xF7A  }
0x23: {  	s9 =	sor.u32 $0xD0000000, s2;
	s6 =	simm.s32 $0x108;
	_ =	swait.ge @!p0 [sflag:s8], $0x0  }
0x24: {  	s3 =	sadd.s32 $0x88, s3;
	s6 =	simm.s32 @!p1 $0x1082;
	[sflag:s4] =	ssyncset.s32 $0xFFFFF086  }
0x25: {  	[simem:s6], [sflag:s4] =	dma.local [hbm:s3], $0xF7A  }
0x26: {  	[smem:$0x3F9D] =	sst s1;
	(tag) =	ssettag s2;
	_ =	strace s9  }
0x27: {  	s1 =	sld [smem:$0x3FAD]  }
0x28: {  	s2 =	sld [smem:$0x3FAE]  }
0x29: {  	s4 =	sld [smem:$0x3FB0]  }
0x2a: {  	p0 =	seq.s32 s5, $0x0;
	s5 =	sld [smem:$0x3FB1]  }
0x2b: {  	s6 =	sld [smem:$0x3FB2]  }
0x2c: {  	s7 =	sld [smem:$0x3FB3]  }
0x2d: {  	s3 =	simm.s32 $0x108;
	s8 =	sld [smem:$0x3FB4]  }
0x2e: {  	s3 =	simm.s32 @!p0 $0x1082;
	s9 =	sld [smem:$0x3FB5]  }
0x2f: {  	lr =	sadd.s32 s0, s3;
	s0 =	sld [smem:$0x3FAC]  }
0x30: {  	s3 =	sld [smem:$0x3FAF]  }
0x31: {  	[smem:$0x3FB8] =	sst s10  }
0x32: {  	s10 =	sld [smem:$0x3FB6];
	_ =	sdelay $0x3  }
0x33: {  	p0 =	seq.s32 s10, $0x1;
	s10 =	sld [smem:$0x3FB8];
	_ =	sdelay $0x3  }
0x34: {  	[smem:$0x3FB8] =	sst s10  }
0x35: {  	s10 =	sld [smem:$0x3FB7];
	_ =	sdelay $0x3  }
0x36: {  	p1 =	seq.s32 s10, $0x1;
	s10 =	sld [smem:$0x3FB8];
	_ =	sdelay $0x3  }
0x37: {  	[smem:$0x3FB8] =	sst s10  }
0x38: {  	s10 =	sld [smem:$0x3FB9]  }
0x39: {  	_ = 	snop;
	(pc) =	sbr.ind lr, $3  }
0x3a: {  	_ = 	snop  }
0x3b: {  	_ = 	snop  }
0x3c: {  	p2 =	seq.s32 s10, $0x1;
	s10 =	sld [smem:$0x3FB8]  }
0x3d: {  	_ =	shalt  }
0x3e: {  	_ =	shalt  }
0x3f: {  	_ =	shalt  }
0x40: {  	_ =	shalt  }
0x41: {  	_ =	shalt  }
0x42: {  	_ =	shalt  }
0x43: {  	_ =	shalt  }
0x44: {  	_ =	shalt  }
0x45: {  	_ =	shalt  }
0x46: {  	_ =	shalt  }
0x47: {  	_ =	shalt  }
0x48: {  	_ =	shalt  }
0x49: {  	_ =	shalt  }
0x4a: {  	_ =	shalt  }
0x4b: {  	_ =	shalt  }
0x4c: {  	_ =	shalt  }
0x4d: {  	_ =	shalt  }
0x4e: {  	_ =	shalt  }
0x4f: {  	_ =	shalt  }
0x50: {  	_ =	shalt  }
0x51: {  	_ =	shalt  }
0x52: {  	_ =	shalt  }
0x53: {  	_ =	shalt  }
0x54: {  	_ =	shalt  }
0x55: {  	_ =	shalt  }
0x56: {  	_ =	shalt  }
0x57: {  	_ =	shalt  }
0x58: {  	_ =	shalt  }
0x59: {  	_ =	shalt  }
0x5a: {  	_ =	shalt  }
0x5b: {  	_ =	shalt  }
0x5c: {  	_ =	shalt  }
0x5d: {  	_ =	shalt  }
0x5e: {  	_ =	shalt  }
0x5f: {  	_ =	shalt  }
0x60: {  	_ =	shalt  }
0x61: {  	_ =	shalt  }
0x62: {  	_ =	shalt  }
0x63: {  	_ =	shalt  }
0x64: {  	_ =	shalt  }
0x65: {  	_ =	shalt  }
0x66: {  	_ =	shalt  }
0x67: {  	_ =	shalt  }
0x68: {  	_ =	shalt  }
0x69: {  	_ =	shalt  }
0x6a: {  	_ =	shalt  }
0x6b: {  	_ =	shalt  }
0x6c: {  	_ =	shalt  }
0x6d: {  	_ =	shalt  }
0x6e: {  	_ =	shalt  }
0x6f: {  	_ =	shalt  }
0x70: {  	_ =	shalt  }
0x71: {  	_ =	shalt  }
0x72: {  	_ =	shalt  }
0x73: {  	_ =	shalt  }
0x74: {  	_ =	shalt  }
0x75: {  	_ =	shalt  }
0x76: {  	_ =	shalt  }
0x77: {  	_ =	shalt  }
0x78: {  	_ =	shalt  }
0x79: {  	_ =	shalt  }
0x7a: {  	_ =	shalt  }
0x7b: {  	_ =	shalt  }
0x7c: {  	_ =	shalt  }
0x7d: {  	_ =	shalt  }
0x7e: {  	_ =	shalt  }
0x7f: {  	_ =	shalt  }
0x80: {  	_ =	shalt  }
0x81: {  	_ =	shalt  }
0x82: {  	_ =	shalt  }
0x83: {  	_ =	shalt  }
0x84: {  	_ =	shalt  }
0x85: {  	_ =	shalt  }
0x86: {  	_ =	shalt  }
0x87: {  	_ =	shalt  }
.Lfunc_end0:
.L_simem_size_0:
called_computation.1_lowered:
.L_overlay_start_0:
0x88: {  	s2 =	sld [smem:$0x3FD9]  }
0x89: {  	s3 =	sld [smem:$0x3FFE];
	_ =	sdelay $0x1  }
0x8a: {  	s1 =	srdreg.scid  }
0x8b: {  	s0 =	sand.u32 $0x1, s1  }
0x8c: {  	s17 =	sshll.u32 s0, $0xA;
	s2 =	sadd.s32 s3, s2  }
0x8d: {  	s2 =	sadd.s32 s2, s17  }
0x8e: {  	[smem:$0x3FC4] =	sst s2  }
0x8f: {  	_ = 	snop  }
0x90: {  	s2 =	sld [smem:$0x3FD0];
	(tm) =	ssettm $0x1  }
0x91: {  	s18 =	sld [smem:$0x3FFB];
	_ =	sdelay $0x3  }
0x92: {  	_ =	strace s18  }
0x93: {  	s3 =	sld [smem:$0x3FFC];
	_ =	sdelay $0x3  }
0x94: {  	_ =	strace s3  }
0x95: {  	s3 =	sld [smem:$0x3FFD];
	_ =	sdelay $0x3  }
0x96: {  	_ =	strace s3  }
0x97: {  	_ =	strace $0x8FFFFFFF  }
0x98: {  	s19 =	sld [smem:$0x3FDB];
	_ =	sdelay $0x1  }
0x99: {  	s4 =	simm.s32 $_scs_section_size  }
0x9a: {  	s5 =	simm.s32 $_size__tile_overlayer_lowered;
	s6 =	simm.s32 $_tile_overlayer_lowered  }
0x9b: {  	s22 =	simm.s32 $0x1BFF;
	s21 =	sshll.u32 s6, $0x1;
	s3 =	sadd.s32 s4, s19  }
0x9c: {  	s7 =	simm.s32 $0x0;
	s20 =	sshll.u32 s5, $0x1;
	s5 =	sadd.s32 s21, s3  }
0x9d: {  	[timem:s7], [sflag:s22] =	dma.local [hbm:s5], s20  }
0x9e: {  	_ =	swait.ge [sflag:s22], s20  }
0x9f: {  	s4 =	ssub.s32 $0x0, s20;
	[sflag:s22] =	ssyncset.done $0x0  }
0xa0: {  	[sflag:s22] =	ssyncadd.s32 s4;
	_ =	sdelay $0x1  }
0xa1: {  	s23 =	simm.s32 $0x1B8B  }
0xa2: {  	_ =	swait.ge [sflag:s23], $0x1  }
0xa3: {  	[sflag:s23] =	ssyncset.done $0x0  }
0xa4: {  	s25 =	simm.s32 $0x1B8E;
	s24 =	sld [smem:$0x3FFE];
	[sflag:s23] =	ssyncadd.s32 $0xFFFFFFFF  }
0xa5: {  	s26 =	simm.s32 $execute0_lowered;
	[smem:$0x3FD2] =	sst s25  }
0xa6: {  	s5 =	sshll.u32 s26, $0x1;
	_ =	strace $0x80000049;
	[dreg:$0x1] =	wrdreg $0xFFFFFFFF  }
0xa7: {  	s28 =	simm.s32 $_size_execute0_lowered;
	s3 =	sadd.s32 s3, s5;
	[dreg:$0x0] =	wrdreg $0x0  }
0xa8: {  	s5 =	sshll.u32 s28, $0x1;
	[dreg:$0x2] =	wrdreg s3  }
0xa9: {  	[dreg:$0x3] =	wrdreg s5  }
0xaa: {  	[dreg:$0x4] =	wrdreg $0xC0  }
0xab: {  	_ =	task [dreg:s7], $0x5FFFF  }
0xac: {  	[dreg:$0x1] =	wrdreg $0xFFFFFFFF  }
0xad: {  	[dreg:$0x0] =	wrdreg $0x60  }
0xae: {  	[dreg:$0x2] =	wrdreg s24  }
0xaf: {  	[dreg:$0x3] =	wrdreg s2  }
0xb0: {  	[dreg:$0x4] =	wrdreg $0xA8000  }
0xb1: {  	[dreg:$0x5] =	wrdreg $0x9  }
0xb2: {  	_ =	task.clear_ibuf [dreg:s7], $0x6FFFF;
	_ =	strace $0x90000049  }
0xb3: {  	s29 =	simm.s32 $0x9;
	_ =	strace $0x8000004B  }
0xb4: {  	_ =	swait.ge [sflag:s29], $0x1  }
0xb5: {  	[sflag:s29] =	ssyncadd.s32 $0xFFFFFFFF  }
0xb6: {  	_ =	strace $0x9000004B  }
0xb7: {  	_ =	sfence  }
0xb8: {  	s30 =	sld [smem:$0x0];
	_ =	sdelay $0x2  }
0xb9: {  	s31 =	sshll.u32 s1, $0xD;
	s1 =	sshrl.u32 s1, $0x2  }
0xba: {  	s3 =	sand.u32 $0x4000, s31;
	s1 =	sadd.s32 s1, s30  }
0xbb: {  	s0 =	sor.u32 s3, s0;
	s1 =	sshll.u32 s1, $0x11  }
0xbc: {  	s0 =	sor.u32 s1, s0  }
0xbd: {  	s0 =	sadd.s32 $0x8F2B, s0  }
0xbe: {  	[sflag:s0] =	ssyncadd.remote.s32 $0x1  }
0xbf: {  	_ =	sfence.sel $0xFFFF  }
0xc0: {  	[dreg:$0x0] =	wrdreg $0xFFFFFFFF;
	(pc) =	sbr.abs _section_cstart, $3  }
0xc1: {  	[dreg:$0x1] =	wrdreg $0xFFFFFFFF  }
0xc2: {  	_ =	task.clear_ibuf [dreg:s7], $0x2FFFF;
	_ =	strace $0x9FFFFFFF  }
0xc3: {  	(tm) =	ssettm $0x7FFFFFFF  }
tec
execute0_lowered:
.L_overlay_start_1:
0x0: {  	(tag) =	ssettag $0x1  }
0x1: {  	s0 =	rddreg [dreg:$0x0]  }
0x2: {  	s1 =	rddreg [dreg:$0x1]  }
0x3: {  	s3 =	srdreg.scid;
	s2 =	rddreg [dreg:$0x2]  }
0x4: {  	s10 =	stileid.u32;
	s28 =	simm.s32 $0x6800;
	s29 =	simm.s32 $0x8800  }
0x5: {  	s30 =	simm.s32 $0x1;
	s31 =	simm.s32 $0x80;
	s7 =	smul.u32 $0x14000, s10  }
0x6: {  	s5 =	sand.u32 $0x1, s3;
	s3 =	simm.s32 $0x0;
	s8 =	smul.u32 $0x50000, s10  }
0x7: {  	s4 =	sadd.s32 $0x20E00, s0;
	s14 =	sadd.s32 $0x16E00, s0;
	s6 =	smul.u32 $0x140000, s5  }
0x8: {  	s9 =	sadd.s32 $0x2A00, s0;
	[smem:$0x7FF] =	sst s3;
	s17 =	ssub.s32 $0x2, s5  }
0x9: {  	s5 =	sshll.u32 s5, $0x4;
	_ =	strace $0x8000004A;
	s6 =	sadd.s32 s7, s6  }
0xa: {  	[dreg:$0x4] =	wrdreg s9;
	s8 =	sshrl.u32 s8, $0x2;
	s6 =	sshrl.u32 s6, $0x3  }
0xb: {  	s18 =	sshrl.u32 s17, $0x1;
	s0 =	sadd.s32 s6, s0;
	s6 =	sadd.s32 s8, s2  }
0xc: {  	s5 =	sor.u32 s10, s5;
	s9 =	ssub.s32 s17, s18;
	s8 =	sadd.s32 $0x2000, s6  }
0xd: {  	s5 =	smul.u32 $0x2800, s5;
	s19 =	sadd.s32 $0x4000, s6;
	[dreg:$0x5] =	wrdreg s8  }
0xe: {  	s7 =	simm.s32 $0x2700;
	s20 =	sadd.s32 $0x6000, s6;
	[dreg:$0x6] =	wrdreg s19  }
0xf: {  	s5 =	sshrl.u32 s5, $0x3;
	s21 =	sadd.s32 $0x8000, s6;
	[dreg:$0x7] =	wrdreg s20  }
0x10: {  	s22 =	sadd.s32 $0xA000, s6;
	s23 =	sadd.s32 $0xC000, s6;
	[dreg:$0x8] =	wrdreg s21  }
0x11: {  	s24 =	sadd.s32 $0xE000, s6;
	s25 =	sadd.s32 $0x10000, s6;
	[dreg:$0x9] =	wrdreg s22  }
0x12: {  	s15 =	sadd.s32 $0x12000, s6;
	s26 =	sadd.s32 $0x280, s5;
	[dreg:$0xa] =	wrdreg s23  }
0x13: {  	s16 =	sadd.s32 s1, s5;
	s17 =	sadd.s32 s14, s5;
	[dreg:$0xb] =	wrdreg s24  }
0x14: {  	s5 =	simm.s32 $0x13C0;
	[dreg:$0xc] =	wrdreg s25;
	s18 =	sadd.s32 s1, s26  }
0x15: {  	s19 =	sadd.s32 s14, s26;
	s20 =	sadd.s32 $0x48E00, s0;
	s21 =	smax.u32 s9, $0x1  }
0x16: {  	s22 =	simm.s32 $0x2800;
	s23 =	simm.s32 $0x3;
	s24 =	simm.s32 $0x1400  }
0x17: {  	s25 =	simm.s32 $0x40;
	s26 =	simm.s32 $0x4800;
	s0 =	simm.s32 $0x2  }
0x18: {  	s1 =	simm.s32 $0x1380;
	s8 =	simm.s32 $0x2780;
	s9 =	simm.s32 $0x0  }
.LBB2_1:
0x19: {  	s10 =	rddreg [dreg:$0x4]  }
0x1a: {  	[tilespmem:s22], [sflag:$0x3] =	stream.linear.gather [hbm4b:s10+s3], $0x2000, $0x38;
	[tilespmem:$0x1E800] =	vst v63  }
0x1b: {  	_ =	swait.ge [sflag:s23], $0x2000  }
0x1c: {  	[sflag:s23] =	ssyncset.done $0x0  }
0x1d: {  	[sflag:s23] =	ssyncadd.s32 $0xFFFFE000  }
0x1e: {  	[spmem:s6] =	stream.linear.scatter [tilespmem:s22], [sflag:$0x3], $0x2000, $0x38;
	[tilespmem:$0x1E800] =	vst v63  }
0x1f: {  	_ =	swait.ge [sflag:s23], $0x2000  }
0x20: {  	[sflag:s23] =	ssyncset.done $0x0  }
0x21: {  	s13 =	rddreg [dreg:$0x5];
	[sflag:s23] =	ssyncadd.s32 $0xFFFFE000  }
0x22: {  	[spmem:s13] =	stream.linear.scatter [tilespmem:s22], [sflag:$0x3], $0x2000, $0x38;
	[tilespmem:$0x1E800] =	vst v63  }
0x23: {  	_ =	swait.ge [sflag:s23], $0x2000  }
0x24: {  	[sflag:s23] =	ssyncset.done $0x0  }
0x25: {  	s14 =	rddreg [dreg:$0x6];
	[sflag:s23] =	ssyncadd.s32 $0xFFFFE000  }
0x26: {  	[spmem:s14] =	stream.linear.scatter [tilespmem:s22], [sflag:$0x3], $0x2000, $0x38;
	[tilespmem:$0x1E800] =	vst v63  }
0x27: {  	_ =	swait.ge [sflag:s23], $0x2000  }
0x28: {  	[sflag:s23] =	ssyncset.done $0x0  }
0x29: {  	s11 =	rddreg [dreg:$0x7];
	[sflag:s23] =	ssyncadd.s32 $0xFFFFE000  }
0x2a: {  	[spmem:s11] =	stream.linear.scatter [tilespmem:s22], [sflag:$0x3], $0x2000, $0x38;
	[tilespmem:$0x1E800] =	vst v63  }
0x2b: {  	_ =	swait.ge [sflag:s23], $0x2000  }
0x2c: {  	[sflag:s23] =	ssyncset.done $0x0  }
0x2d: {  	s12 =	rddreg [dreg:$0x8];
	[sflag:s23] =	ssyncadd.s32 $0xFFFFE000  }
0x2e: {  	[spmem:s12] =	stream.linear.scatter [tilespmem:s22], [sflag:$0x3], $0x2000, $0x38;
	[tilespmem:$0x1E800] =	vst v63  }
0x2f: {  	_ =	swait.ge [sflag:s23], $0x2000  }
0x30: {  	[sflag:s23] =	ssyncset.done $0x0  }
0x31: {  	s13 =	rddreg [dreg:$0x9];
	[sflag:s23] =	ssyncadd.s32 $0xFFFFE000  }
0x32: {  	[spmem:s13] =	stream.linear.scatter [tilespmem:s22], [sflag:$0x3], $0x2000, $0x38;
	[tilespmem:$0x1E800] =	vst v63  }
0x33: {  	_ =	swait.ge [sflag:s23], $0x2000  }
0x34: {  	[sflag:s23] =	ssyncset.done $0x0  }
0x35: {  	s14 =	rddreg [dreg:$0xa];
	[sflag:s23] =	ssyncadd.s32 $0xFFFFE000  }
0x36: {  	[spmem:s14] =	stream.linear.scatter [tilespmem:s22], [sflag:$0x3], $0x2000, $0x38;
	[tilespmem:$0x1E800] =	vst v63  }
0x37: {  	_ =	swait.ge [sflag:s23], $0x2000  }
0x38: {  	[sflag:s23] =	ssyncset.done $0x0  }
0x39: {  	s11 =	rddreg [dreg:$0xb];
	[sflag:s23] =	ssyncadd.s32 $0xFFFFE000  }
0x3a: {  	[spmem:s11] =	stream.linear.scatter [tilespmem:s22], [sflag:$0x3], $0x2000, $0x38;
	[tilespmem:$0x1E800] =	vst v63  }
0x3b: {  	_ =	swait.ge [sflag:s23], $0x2000  }
0x3c: {  	[sflag:s23] =	ssyncset.done $0x0  }
0x3d: {  	s12 =	rddreg [dreg:$0xc];
	[sflag:s23] =	ssyncadd.s32 $0xFFFFE000  }
0x3e: {  	[spmem:s12] =	stream.linear.scatter [tilespmem:s22], [sflag:$0x3], $0x2000, $0x38;
	[tilespmem:$0x1E800] =	vst v63  }
0x3f: {  	_ =	swait.ge [sflag:s23], $0x2000  }
0x40: {  	[sflag:s23] =	ssyncset.done $0x0  }
0x41: {  	[sflag:s23] =	ssyncadd.s32 $0xFFFFE000  }
0x42: {  	[spmem:s15] =	stream.linear.scatter [tilespmem:s22], [sflag:$0x3], $0x2000, $0x38;
	[tilespmem:$0x1E800] =	vst v63  }
0x43: {  	_ =	swait.ge [sflag:s23], $0x2000  }
0x44: {  	[sflag:s23] =	ssyncset.done $0x0  }
0x45: {  	[sflag:s23] =	ssyncadd.s32 $0xFFFFE000  }
0x46: {  	[bflag:$0x0] =	sbarrier.arrive $0xFFFF  }
0x47: {  	[tilespmem:s3], [sflag:$0x3] =	stream.linear.gather [hbm4b:s16+s3], $0x1400, $0x38;
	[tilespmem:$0x1E800] =	vst v63  }
0x48: {  	_ =	swait.ge [sflag:s23], $0x1400  }
0x49: {  	[sflag:s23] =	ssyncset.done $0x0  }
0x4a: {  	[sflag:s23] =	ssyncadd.s32 $0xFFFFEC00  }
0x4b: {  	[tilespmem:s24], [sflag:$0x3] =	stream.linear.gather [hbm4b:s17+s3], $0x1400, $0x38;
	[tilespmem:$0x1E800] =	vst v63  }
0x4c: {  	_ =	swait.ge [sflag:s23], $0x1400  }
0x4d: {  	[sflag:s23] =	ssyncset.done $0x0  }
0x4e: {  	[sflag:s23] =	ssyncadd.s32 $0xFFFFEC00  }
0x4f: {  	[tilespmem:s22], [sflag:$0x1] =	stream.indirect.gather [hbm4b:s4+s25], $0x80, s3, s25, $0xb8;
	[tilespmem:$0x1E800] =	vst v63  }
0x50: {  	_ = 	snop  }
0x51: {  	[tilespmem:s26], [sflag:$0x1] =	stream.indirect.gather [hbm4b:s4+s25], $0x80, s25, s25, $0xb8;
	[tilespmem:$0x1E800] =	vst v63  }
0x52: {  	s13 =	simm.s32 $0x80  }
0x53: {  	[tilespmem:s28], [sflag:$0x2] =	stream.indirect.gather [hbm4b:s4+s25], $0x80, s13, s25, $0xb8;
	[tilespmem:$0x1E800] =	vst v63  }
0x54: {  	s14 =	simm.s32 $0xC0  }
0x55: {  	[tilespmem:s29], [sflag:$0x2] =	stream.indirect.gather [hbm4b:s4+s25], $0x80, s14, s25, $0xb8;
	[tilespmem:$0x1E800] =	vst v63  }
0x56: {  	_ =	swait.ge [sflag:s30], $0x4000  }
0x57: {  	[sflag:s30] =	ssyncset.done $0x0  }
0x58: {  	s11 =	simm.s32 $0x1400;
	[sflag:s30] =	ssyncadd.s32 $0xFFFFC000  }
0x59: {  	[spmem:s2] =	stream.indirect.scatter.add.f32 [tilespmem:s22], [sflag:$0x3], $0x80, s11, s31, $0xb8;
	[tilespmem:$0x1E800] =	vst v63  }
0x5a: {  	_ =	swait.ge [sflag:s23], $0x4000  }
0x5b: {  	[sflag:s23] =	ssyncset.done $0x0  }
0x5c: {  	s12 =	simm.s32 $0x100;
	[sflag:s23] =	ssyncadd.s32 $0xFFFFC000  }
0x5d: {  	[tilespmem:s22], [sflag:$0x1] =	stream.indirect.gather [hbm4b:s4+s25], $0x80, s12, s25, $0xb8;
	[tilespmem:$0x1E800] =	vst v63  }
0x5e: {  	s13 =	simm.s32 $0x140  }
0x5f: {  	[tilespmem:s26], [sflag:$0x1] =	stream.indirect.gather [hbm4b:s4+s25], $0x80, s13, s25, $0xb8;
	[tilespmem:$0x1E800] =	vst v63  }
0x60: {  	_ =	swait.ge [sflag:s0], $0x4000  }
0x61: {  	[sflag:s0] =	ssyncset.done $0x0  }
0x62: {  	s14 =	simm.s32 $0x1480;
	[sflag:s0] =	ssyncadd.s32 $0xFFFFC000  }
0x63: {  	[spmem:s2] =	stream.indirect.scatter.add.f32 [tilespmem:s28], [sflag:$0x3], $0x80, s14, s31, $0xb8;
	[tilespmem:$0x1E800] =	vst v63  }
0x64: {  	_ =	swait.ge [sflag:s23], $0x4000  }
0x65: {  	s10 =	simm.s32 $0x100;
	s11 =	simm.s32 $0x800;
	[sflag:s23] =	ssyncset.done $0x0  }
.LBB2_2:
0x66: {  	s12 =	sadd.s32 $0x80, s10  }
0x67: {  	[sflag:s23] =	ssyncadd.s32 $0xFFFFC000;
	s13 =	smov.u32 s11;
	s14 =	sadd.s32 $0x400, s11  }
0x68: {  	[tilespmem:s28], [sflag:$0x2] =	stream.indirect.gather [hbm4b:s4+s25], $0x80, s12, s25, $0xb8;
	[tilespmem:$0x1E800] =	vst v63  }
0x69: {  	p0 =	sne.s32 s11, $0x4800;
	s11 =	sadd.s32 $0xC0, s10  }
0x6a: {  	[tilespmem:s29], [sflag:$0x2] =	stream.indirect.gather [hbm4b:s4+s25], $0x80, s11, s25, $0xb8;
	[tilespmem:$0x1E800] =	vst v63  }
0x6b: {  	_ =	swait.ge [sflag:s30], $0x4000  }
0x6c: {  	[sflag:s30] =	ssyncset.done $0x0  }
0x6d: {  	s11 =	sadd.s32 $0x1400, s10;
	[sflag:s30] =	ssyncadd.s32 $0xFFFFC000  }
0x6e: {  	[spmem:s2] =	stream.indirect.scatter.add.f32 [tilespmem:s22], [sflag:$0x3], $0x80, s11, s31, $0xb8;
	[tilespmem:$0x1E800] =	vst v63  }
0x6f: {  	_ =	swait.ge [sflag:s23], $0x4000  }
0x70: {  	[sflag:s23] =	ssyncset.done $0x0  }
0x71: {  	s11 =	sadd.s32 $0x100, s10;
	[sflag:s23] =	ssyncadd.s32 $0xFFFFC000  }
0x72: {  	[tilespmem:s22], [sflag:$0x1] =	stream.indirect.gather [hbm4b:s4+s25], $0x80, s11, s25, $0xb8;
	[tilespmem:$0x1E800] =	vst v63  }
0x73: {  	s11 =	sadd.s32 $0x140, s10  }
0x74: {  	[tilespmem:s26], [sflag:$0x1] =	stream.indirect.gather [hbm4b:s4+s25], $0x80, s11, s25, $0xb8;
	[tilespmem:$0x1E800] =	vst v63  }
0x75: {  	_ =	swait.ge [sflag:s0], $0x4000  }
.Ltmp0:
0x76: {  	[sflag:s0] =	ssyncset.done $0x0;
	(pc) =	sbr.rel @p0 .LBB2_2-.Ltmp0, $4  }
0x77: {  	s10 =	sadd.s32 $0x1480, s10;
	[sflag:s0] =	ssyncadd.s32 $0xFFFFC000  }
0x78: {  	[spmem:s2] =	stream.indirect.scatter.add.f32 [tilespmem:s28], [sflag:$0x3], $0x80, s10, s31, $0xb8;
	[tilespmem:$0x1E800] =	vst v63  }
0x79: {  	_ =	swait.ge [sflag:s23], $0x4000  }
0x7a: {  	s11 =	smov.u32 s14;
	s10 =	sshra.s32 s13, $0x2;
	[sflag:s23] =	ssyncset.done $0x0  }
0x7b: {  	s11 =	sadd.s32 $0x80, s10;
	[sflag:s23] =	ssyncadd.s32 $0xFFFFC000  }
0x7c: {  	[tilespmem:s28], [sflag:$0x2] =	stream.indirect.gather [hbm4b:s4+s25], $0x80, s11, s25, $0xb8;
	[tilespmem:$0x1E800] =	vst v63  }
0x7d: {  	s14 =	sadd.s32 $0xC0, s10  }
0x7e: {  	[tilespmem:s29], [sflag:$0x2] =	stream.indirect.gather [hbm4b:s4+s25], $0x80, s14, s25, $0xb8;
	[tilespmem:$0x1E800] =	vst v63  }
0x7f: {  	_ =	swait.ge [sflag:s30], $0x4000  }
0x80: {  	[sflag:s30] =	ssyncset.done $0x0  }
0x81: {  	s12 =	sadd.s32 $0x1400, s10;
	[sflag:s30] =	ssyncadd.s32 $0xFFFFC000  }
0x82: {  	[spmem:s2] =	stream.indirect.scatter.add.f32 [tilespmem:s22], [sflag:$0x3], $0x80, s12, s31, $0xb8;
	[tilespmem:$0x1E800] =	vst v63  }
0x83: {  	_ =	swait.ge [sflag:s23], $0x4000  }
0x84: {  	[sflag:s23] =	ssyncset.done $0x0  }
0x85: {  	s13 =	sadd.s32 $0x100, s10;
	[sflag:s23] =	ssyncadd.s32 $0xFFFFC000  }
0x86: {  	[tilespmem:s22], [sflag:$0x1] =	stream.indirect.gather [hbm4b:s4+s25], $0x80, s13, s25, $0xb8;
	[tilespmem:$0x1E800] =	vst v63  }
0x87: {  	s14 =	sadd.s32 $0x140, s10  }
0x88: {  	[tilespmem:s26], [sflag:$0x1] =	stream.indirect.gather [hbm4b:s4+s25], $0x80, s14, s25, $0xb8;
	[tilespmem:$0x1E800] =	vst v63  }
0x89: {  	_ =	swait.ge [sflag:s0], $0x4000  }
0x8a: {  	[sflag:s0] =	ssyncset.done $0x0  }
0x8b: {  	s11 =	sadd.s32 $0x1480, s10;
	[sflag:s0] =	ssyncadd.s32 $0xFFFFC000  }
0x8c: {  	[spmem:s2] =	stream.indirect.scatter.add.f32 [tilespmem:s28], [sflag:$0x3], $0x80, s11, s31, $0xb8;
	[tilespmem:$0x1E800] =	vst v63  }
0x8d: {  	_ =	swait.ge [sflag:s23], $0x4000  }
0x8e: {  	[sflag:s23] =	ssyncset.done $0x0  }
0x8f: {  	[sflag:s23] =	ssyncadd.s32 $0xFFFFC000  }
0x90: {  	[tilespmem:s28], [sflag:$0x2] =	stream.indirect.gather [hbm4b:s4+s25], $0x80, s1, s25, $0xb8;
	[tilespmem:$0x1E800] =	vst v63  }
0x91: {  	_ = 	snop  }
0x92: {  	[tilespmem:s29], [sflag:$0x2] =	stream.indirect.gather [hbm4b:s4+s25], $0x80, s5, s25, $0xb8;
	[tilespmem:$0x1E800] =	vst v63  }
0x93: {  	_ =	swait.ge [sflag:s30], $0x4000  }
0x94: {  	[sflag:s30] =	ssyncset.done $0x0  }
0x95: {  	[sflag:s30] =	ssyncadd.s32 $0xFFFFC000  }
0x96: {  	[spmem:s2] =	stream.indirect.scatter.add.f32 [tilespmem:s22], [sflag:$0x3], $0x80, s7, s31, $0xb8;
	[tilespmem:$0x1E800] =	vst v63  }
0x97: {  	_ =	swait.ge [sflag:s23], $0x4000  }
0x98: {  	[sflag:s23] =	ssyncset.done $0x0  }
0x99: {  	[sflag:s23] =	ssyncadd.s32 $0xFFFFC000  }
0x9a: {  	[tilespmem:s22], [sflag:$0x1] =	stream.indirect.gather [hbm4b:s4+s25], $0x80, s1, s25, $0xb8;
	[tilespmem:$0x1E800] =	vst v63  }
0x9b: {  	_ = 	snop  }
0x9c: {  	[tilespmem:s26], [sflag:$0x1] =	stream.indirect.gather [hbm4b:s4+s25], $0x80, s5, s25, $0xb8;
	[tilespmem:$0x1E800] =	vst v63  }
0x9d: {  	_ =	swait.ge [sflag:s0], $0x4000  }
0x9e: {  	[sflag:s0] =	ssyncset.done $0x0  }
0x9f: {  	[sflag:s0] =	ssyncadd.s32 $0xFFFFC000  }
0xa0: {  	[spmem:s2] =	stream.indirect.scatter.add.f32 [tilespmem:s28], [sflag:$0x3], $0x80, s8, s31, $0xb8;
	[tilespmem:$0x1E800] =	vst v63  }
0xa1: {  	_ =	swait.ge [sflag:s23], $0x4000  }
0xa2: {  	[sflag:s23] =	ssyncset.done $0x0  }
0xa3: {  	[sflag:s23] =	ssyncadd.s32 $0xFFFFC000  }
0xa4: {  	_ =	swait.ge [sflag:s30], $0x4000  }
0xa5: {  	[sflag:s30] =	ssyncset.done $0x0  }
0xa6: {  	s12 =	simm.s32 $0x0;
	[sflag:s30] =	ssyncadd.s32 $0xFFFFC000  }
0xa7: {  	[tilespmem:s12], [sflag:$0x3] =	stream.linear.gather [hbm4b:s18+s12], $0x1400, $0x38;
	[tilespmem:$0x1E800] =	vst v63  }
0xa8: {  	_ =	swait.ge [sflag:s23], $0x1400  }
0xa9: {  	[sflag:s23] =	ssyncset.done $0x0  }
0xaa: {  	[sflag:s23] =	ssyncadd.s32 $0xFFFFEC00  }
0xab: {  	[tilespmem:s24], [sflag:$0x3] =	stream.linear.gather [hbm4b:s19+s12], $0x1400, $0x38;
	[tilespmem:$0x1E800] =	vst v63  }
0xac: {  	_ =	swait.ge [sflag:s23], $0x1400  }
0xad: {  	[sflag:s23] =	ssyncset.done $0x0  }
0xae: {  	[sflag:s23] =	ssyncadd.s32 $0xFFFFEC00  }
0xaf: {  	[tilespmem:s22], [sflag:$0x1] =	stream.indirect.gather [hbm4b:s4+s25], $0x80, s12, s25, $0xb8;
	[tilespmem:$0x1E800] =	vst v63  }
0xb0: {  	_ = 	snop  }
0xb1: {  	[tilespmem:s26], [sflag:$0x1] =	stream.indirect.gather [hbm4b:s4+s25], $0x80, s25, s25, $0xb8;
	[tilespmem:$0x1E800] =	vst v63  }
0xb2: {  	s13 =	simm.s32 $0x80  }
0xb3: {  	[tilespmem:s28], [sflag:$0x2] =	stream.indirect.gather [hbm4b:s4+s25], $0x80, s13, s25, $0xb8;
	[tilespmem:$0x1E800] =	vst v63  }
0xb4: {  	s14 =	simm.s32 $0xC0  }
0xb5: {  	[tilespmem:s29], [sflag:$0x2] =	stream.indirect.gather [hbm4b:s4+s25], $0x80, s14, s25, $0xb8;
	[tilespmem:$0x1E800] =	vst v63  }
0xb6: {  	_ =	swait.ge [sflag:s30], $0x4000  }
0xb7: {  	[sflag:s30] =	ssyncset.done $0x0  }
0xb8: {  	s11 =	simm.s32 $0x1400;
	[sflag:s30] =	ssyncadd.s32 $0xFFFFC000  }
0xb9: {  	[spmem:s2] =	stream.indirect.scatter.add.f32 [tilespmem:s22], [sflag:$0x3], $0x80, s11, s31, $0xb8;
	[tilespmem:$0x1E800] =	vst v63  }
0xba: {  	_ =	swait.ge [sflag:s23], $0x4000  }
0xbb: {  	[sflag:s23] =	ssyncset.done $0x0  }
0xbc: {  	s12 =	simm.s32 $0x100;
	[sflag:s23] =	ssyncadd.s32 $0xFFFFC000  }
0xbd: {  	[tilespmem:s22], [sflag:$0x1] =	stream.indirect.gather [hbm4b:s4+s25], $0x80, s12, s25, $0xb8;
	[tilespmem:$0x1E800] =	vst v63  }
0xbe: {  	s13 =	simm.s32 $0x140  }
0xbf: {  	[tilespmem:s26], [sflag:$0x1] =	stream.indirect.gather [hbm4b:s4+s25], $0x80, s13, s25, $0xb8;
	[tilespmem:$0x1E800] =	vst v63  }
0xc0: {  	_ =	swait.ge [sflag:s0], $0x4000  }
0xc1: {  	[sflag:s0] =	ssyncset.done $0x0  }
0xc2: {  	s14 =	simm.s32 $0x1480;
	[sflag:s0] =	ssyncadd.s32 $0xFFFFC000  }
0xc3: {  	[spmem:s2] =	stream.indirect.scatter.add.f32 [tilespmem:s28], [sflag:$0x3], $0x80, s14, s31, $0xb8;
	[tilespmem:$0x1E800] =	vst v63  }
0xc4: {  	_ =	swait.ge [sflag:s23], $0x4000  }
0xc5: {  	s10 =	simm.s32 $0x100;
	s11 =	simm.s32 $0x800;
	[sflag:s23] =	ssyncset.done $0x0  }
.LBB2_4:
0xc6: {  	s12 =	sadd.s32 $0x80, s10  }
0xc7: {  	[sflag:s23] =	ssyncadd.s32 $0xFFFFC000;
	s13 =	smov.u32 s11;
	s14 =	sadd.s32 $0x400, s11  }
0xc8: {  	[tilespmem:s28], [sflag:$0x2] =	stream.indirect.gather [hbm4b:s4+s25], $0x80, s12, s25, $0xb8;
	[tilespmem:$0x1E800] =	vst v63  }
0xc9: {  	p0 =	sne.s32 s11, $0x4800;
	s11 =	sadd.s32 $0xC0, s10  }
0xca: {  	[tilespmem:s29], [sflag:$0x2] =	stream.indirect.gather [hbm4b:s4+s25], $0x80, s11, s25, $0xb8;
	[tilespmem:$0x1E800] =	vst v63  }
0xcb: {  	_ =	swait.ge [sflag:s30], $0x4000  }
0xcc: {  	[sflag:s30] =	ssyncset.done $0x0  }
0xcd: {  	s11 =	sadd.s32 $0x1400, s10;
	[sflag:s30] =	ssyncadd.s32 $0xFFFFC000  }
0xce: {  	[spmem:s2] =	stream.indirect.scatter.add.f32 [tilespmem:s22], [sflag:$0x3], $0x80, s11, s31, $0xb8;
	[tilespmem:$0x1E800] =	vst v63  }
0xcf: {  	_ =	swait.ge [sflag:s23], $0x4000  }
0xd0: {  	[sflag:s23] =	ssyncset.done $0x0  }
0xd1: {  	s11 =	sadd.s32 $0x100, s10;
	[sflag:s23] =	ssyncadd.s32 $0xFFFFC000  }
0xd2: {  	[tilespmem:s22], [sflag:$0x1] =	stream.indirect.gather [hbm4b:s4+s25], $0x80, s11, s25, $0xb8;
	[tilespmem:$0x1E800] =	vst v63  }
0xd3: {  	s11 =	sadd.s32 $0x140, s10  }
0xd4: {  	[tilespmem:s26], [sflag:$0x1] =	stream.indirect.gather [hbm4b:s4+s25], $0x80, s11, s25, $0xb8;
	[tilespmem:$0x1E800] =	vst v63  }
0xd5: {  	_ =	swait.ge [sflag:s0], $0x4000  }
.Ltmp1:
0xd6: {  	[sflag:s0] =	ssyncset.done $0x0;
	(pc) =	sbr.rel @p0 .LBB2_4-.Ltmp1, $4  }
0xd7: {  	s10 =	sadd.s32 $0x1480, s10;
	[sflag:s0] =	ssyncadd.s32 $0xFFFFC000  }
0xd8: {  	[spmem:s2] =	stream.indirect.scatter.add.f32 [tilespmem:s28], [sflag:$0x3], $0x80, s10, s31, $0xb8;
	[tilespmem:$0x1E800] =	vst v63  }
0xd9: {  	_ =	swait.ge [sflag:s23], $0x4000  }
0xda: {  	s11 =	smov.u32 s14;
	s10 =	sshra.s32 s13, $0x2;
	[sflag:s23] =	ssyncset.done $0x0  }
0xdb: {  	s11 =	sadd.s32 $0x80, s10;
	[sflag:s23] =	ssyncadd.s32 $0xFFFFC000  }
0xdc: {  	[tilespmem:s28], [sflag:$0x2] =	stream.indirect.gather [hbm4b:s4+s25], $0x80, s11, s25, $0xb8;
	[tilespmem:$0x1E800] =	vst v63  }
0xdd: {  	s14 =	sadd.s32 $0xC0, s10  }
0xde: {  	[tilespmem:s29], [sflag:$0x2] =	stream.indirect.gather [hbm4b:s4+s25], $0x80, s14, s25, $0xb8;
	[tilespmem:$0x1E800] =	vst v63  }
0xdf: {  	_ =	swait.ge [sflag:s30], $0x4000  }
0xe0: {  	[sflag:s30] =	ssyncset.done $0x0  }
0xe1: {  	s12 =	sadd.s32 $0x1400, s10;
	[sflag:s30] =	ssyncadd.s32 $0xFFFFC000  }
0xe2: {  	[spmem:s2] =	stream.indirect.scatter.add.f32 [tilespmem:s22], [sflag:$0x3], $0x80, s12, s31, $0xb8;
	[tilespmem:$0x1E800] =	vst v63  }
0xe3: {  	_ =	swait.ge [sflag:s23], $0x4000  }
0xe4: {  	[sflag:s23] =	ssyncset.done $0x0  }
0xe5: {  	s13 =	sadd.s32 $0x100, s10;
	[sflag:s23] =	ssyncadd.s32 $0xFFFFC000  }
0xe6: {  	[tilespmem:s22], [sflag:$0x1] =	stream.indirect.gather [hbm4b:s4+s25], $0x80, s13, s25, $0xb8;
	[tilespmem:$0x1E800] =	vst v63  }
0xe7: {  	s14 =	sadd.s32 $0x140, s10  }
0xe8: {  	[tilespmem:s26], [sflag:$0x1] =	stream.indirect.gather [hbm4b:s4+s25], $0x80, s14, s25, $0xb8;
	[tilespmem:$0x1E800] =	vst v63  }
0xe9: {  	_ =	swait.ge [sflag:s0], $0x4000  }
0xea: {  	[sflag:s0] =	ssyncset.done $0x0  }
0xeb: {  	s12 =	sadd.s32 $0x1480, s10;
	[sflag:s0] =	ssyncadd.s32 $0xFFFFC000  }
0xec: {  	[spmem:s2] =	stream.indirect.scatter.add.f32 [tilespmem:s28], [sflag:$0x3], $0x80, s12, s31, $0xb8;
	[tilespmem:$0x1E800] =	vst v63  }
0xed: {  	_ =	swait.ge [sflag:s23], $0x4000  }
0xee: {  	[sflag:s23] =	ssyncset.done $0x0  }
0xef: {  	[sflag:s23] =	ssyncadd.s32 $0xFFFFC000  }
0xf0: {  	[tilespmem:s28], [sflag:$0x2] =	stream.indirect.gather [hbm4b:s4+s25], $0x80, s1, s25, $0xb8;
	[tilespmem:$0x1E800] =	vst v63  }
0xf1: {  	_ = 	snop  }
0xf2: {  	[tilespmem:s29], [sflag:$0x2] =	stream.indirect.gather [hbm4b:s4+s25], $0x80, s5, s25, $0xb8;
	[tilespmem:$0x1E800] =	vst v63  }
0xf3: {  	_ =	swait.ge [sflag:s30], $0x4000  }
0xf4: {  	[sflag:s30] =	ssyncset.done $0x0  }
0xf5: {  	[sflag:s30] =	ssyncadd.s32 $0xFFFFC000  }
0xf6: {  	[spmem:s2] =	stream.indirect.scatter.add.f32 [tilespmem:s22], [sflag:$0x3], $0x80, s7, s31, $0xb8;
	[tilespmem:$0x1E800] =	vst v63  }
0xf7: {  	_ =	swait.ge [sflag:s23], $0x4000  }
0xf8: {  	[sflag:s23] =	ssyncset.done $0x0  }
0xf9: {  	[sflag:s23] =	ssyncadd.s32 $0xFFFFC000  }
0xfa: {  	[tilespmem:s22], [sflag:$0x1] =	stream.indirect.gather [hbm4b:s4+s25], $0x80, s1, s25, $0xb8;
	[tilespmem:$0x1E800] =	vst v63  }
0xfb: {  	_ = 	snop  }
0xfc: {  	[tilespmem:s26], [sflag:$0x1] =	stream.indirect.gather [hbm4b:s4+s25], $0x80, s5, s25, $0xb8;
	[tilespmem:$0x1E800] =	vst v63  }
0xfd: {  	_ =	swait.ge [sflag:s0], $0x4000  }
0xfe: {  	[sflag:s0] =	ssyncset.done $0x0  }
0xff: {  	[sflag:s0] =	ssyncadd.s32 $0xFFFFC000  }
0x100: {  	[spmem:s2] =	stream.indirect.scatter.add.f32 [tilespmem:s28], [sflag:$0x3], $0x80, s8, s31, $0xb8;
	[tilespmem:$0x1E800] =	vst v63  }
0x101: {  	_ =	swait.ge [sflag:s23], $0x4000  }
0x102: {  	[sflag:s23] =	ssyncset.done $0x0  }
0x103: {  	[sflag:s23] =	ssyncadd.s32 $0xFFFFC000  }
0x104: {  	s13 =	stileid.u32;
	_ =	swait.ge [sflag:s30], $0x4000  }
0x105: {  	s9 =	sadd.s32 $0x1, s9;
	s10 =	sshll.u32 s13, $0x6;
	[sflag:s30] =	ssyncset.done $0x0  }
0x106: {  	p0 =	sne.s32 s9, s21;
	s10 =	sor.u32 $0x1C03, s10;
	[sflag:s30] =	ssyncadd.s32 $0xFFFFC000  }
.Ltmp2:
0x107: {  	s14 =	sshrl.u32 s6, $0x3;
	[bflag:$0x0] =	sbarrier.arrive $0xFFFF;
	(pc) =	sbr.rel @p0 .LBB2_1-.Ltmp2, $4  }
0x108: {  	[hbm:s20], [sflag:s10] =	dma.local [spmem:s14], $0x2800  }
0x109: {  	_ =	swait.ge [sflag:s23], $0x2800  }
0x10a: {  	[sflag:s23] =	ssyncset.done $0x0  }
0x10b: {  	[sflag:s23] =	ssyncadd.s32 $0xFFFFD800  }
0x10c: {  	_ =	sfence.sel $0x180000  }
0x10d: {  	[bflag:$0x0] =	sbarrier.arrive $0xFFFF  }
0x10e: {  	_ =	strace $0x9000004A  }
0x10f: {  	s0 =	stileid.u32;
	[bflag:$0x2] =	sbarrier.arrive $0xFFFF  }
0x110: {  	p0 =	sne.s32 s0, $0x0;
	s0 =	rddreg [dreg:$0x3]  }
0x111: {  	s0 =	sadd.s32 @!p0 $0x100000, s0  }
0x112: {  	[sflag:s0] =	ssyncadd.tile.s32 @!p0 $0x1;
	_ =	shalt  }
.Lfunc_end2:
_tile_overlayer_lowered:
.L_overlay_start_2:
0x113: {  	(tag) =	ssettag $0x2  }
0x114: {  	s0 =	rddreg [dreg:$0x0];
	s2 =	stileid.u32  }
0x115: {  	s1 =	rddreg [dreg:$0x1];
	p0 =	sne.s32 s2, $0x0  }
0x116: {  	s3 =	rddreg [dreg:$0x2];
	[bflag:$0x3] =	sbarrier.arrive $0xFFFF;
	s2 =	simm.s32 @!p0 $0x1C03  }
0x117: {  	[timem:s3], [sflag:s2] =	dma.local @!p0 [hbm:s0], s1  }
0x118: {  	s0 =	simm.s32 @!p0 $0x3  }
0x119: {  	_ =	swait.ge @!p0 [sflag:s0], s1  }
0x11a: {  	s1 =	ssub.s32 @!p0 $0x0, s1;
	[sflag:s0] =	ssyncset.done @!p0 $0x0  }
0x11b: {  	[sflag:s0] =	ssyncadd.s32 @!p0 s1  }
0x11c: {  	[bflag:$0x3] =	sbarrier.arrive $0xFFFF  }
0x11d: {  	_ =	shalt  }

// kernel: kernel.14.cloned.1.call-start
scs
__scs_entry_jumppad:
0x0: {  	(pc) =	sbr.rel $0x88, $3  }
0x1: {  	(tag) =	ssettag $0x0;
	lr =	simm.s32 $0x1  }
0x2: {  	[smem:$0x3F9D] =	sst lr;
	_ =	strace $0xD0000000  }
0x3: {  	_ = 	snop  }
0x4: {  	_ = 	snop  }
0x5: {  	_ = 	snop  }
0x6: {  	_ = 	snop  }
0x7: {  	_ = 	snop  }
__scs_overlays_trampoline_lowered:
0x8: {  	[smem:$0x3FAC] =	sst s0  }
0x9: {  	[smem:$0x3FAD] =	sst s1  }
0xa: {  	[smem:$0x3FAE] =	sst s2  }
0xb: {  	[smem:$0x3FAF] =	sst s3  }
0xc: {  	[smem:$0x3FB0] =	sst s4  }
0xd: {  	[smem:$0x3FB1] =	sst s5  }
0xe: {  	[smem:$0x3FB2] =	sst s6  }
0xf: {  	[smem:$0x3FB3] =	sst s7  }
0x10: {  	[smem:$0x3FB4] =	sst s8  }
0x11: {  	[smem:$0x3FB5] =	sst s9;
	s0 =	simm.s32 @!p0 $0x0  }
0x12: {  	s1 =	sld [smem:$0x3F9B];
	s0 =	simm.s32 @p0 $0x1  }
0x13: {  	[smem:$0x3FB6] =	sst s0;
	s0 =	simm.s32 @!p1 $0x0  }
0x14: {  	s2 =	sld [smem:$0x3F9A];
	s0 =	simm.s32 @p1 $0x1  }
0x15: {  	[smem:$0x3FB7] =	sst s0;
	s0 =	simm.s32 @!p2 $0x0  }
0x16: {  	s3 =	sld [smem:$0x3FDB];
	s0 =	simm.s32 @p2 $0x1  }
0x17: {  	s4 =	simm.s32 $0x1BF5;
	[smem:$0x3FB9] =	sst s0  }
0x18: {  	s0 =	sld [smem:$0x3F9C];
	_ =	swait.ge [sflag:s4], $0x0  }
0x19: {  	s7 =	sld [smem:$0x3F9D]  }
0x1a: {  	s8 =	sadd.s32 $0xFFFFE003, lr  }
0x1b: {  	s9 =	sadd.s32 $0xFFFFFEF7, lr;
	s5 =	simm.s32 $0xFFFFFFFF;
	p2 =	slt.u32 s8, $0xFFFFF086  }
0x1c: {  	p1 =	slt.u32 s9, $0xF7A;
	s5 =	simm.s32 @!p2 $0x0  }
0x1d: {  	s5 =	simm.s32 @p1 $0x1;
	p0 =	seq.s32 s7, s2  }
0x1e: {  	s7 =	smul.u32 @!p0 $0xF7A, s2;
	p2 =	seq.s32 @!p0 s5, $0x0  }
0x1f: {  	s9 =	smul.u32 $0xF7A, s1;
	s8 =	simm.s32 @!p0 $0x1BF5;
	p2 =	por !p2, p0  }
0x20: {  	[sflag:s8] =	ssyncset.s32 @!p0 $0xFFFFF086;
	s6 =	sadd.s32 @!p0 s3, s7;
	s7 =	simm.s32 @!p0 $0x108  }
0x21: {  	s3 =	sadd.s32 s3, s9;
	s6 =	sadd.s32 @!p0 $0x88, s6;
	s7 =	simm.s32 @p2 $0x1082  }
0x22: {  	[simem:s7], [sflag:s8] =	dma.local @!p0 [hbm:s6], $0xF7A  }
0x23: {  	s9 =	sor.u32 $0xD0000000, s2;
	s6 =	simm.s32 $0x108;
	_ =	swait.ge @!p0 [sflag:s8], $0x0  }
0x24: {  	s3 =	sadd.s32 $0x88, s3;
	s6 =	simm.s32 @!p1 $0x1082;
	[sflag:s4] =	ssyncset.s32 $0xFFFFF086  }
0x25: {  	[simem:s6], [sflag:s4] =	dma.local [hbm:s3], $0xF7A  }
0x26: {  	[smem:$0x3F9D] =	sst s1;
	(tag) =	ssettag s2;
	_ =	strace s9  }
0x27: {  	s1 =	sld [smem:$0x3FAD]  }
0x28: {  	s2 =	sld [smem:$0x3FAE]  }
0x29: {  	s4 =	sld [smem:$0x3FB0]  }
0x2a: {  	p0 =	seq.s32 s5, $0x0;
	s5 =	sld [smem:$0x3FB1]  }
0x2b: {  	s6 =	sld [smem:$0x3FB2]  }
0x2c: {  	s7 =	sld [smem:$0x3FB3]  }
0x2d: {  	s3 =	simm.s32 $0x108;
	s8 =	sld [smem:$0x3FB4]  }
0x2e: {  	s3 =	simm.s32 @!p0 $0x1082;
	s9 =	sld [smem:$0x3FB5]  }
0x2f: {  	lr =	sadd.s32 s0, s3;
	s0 =	sld [smem:$0x3FAC]  }
0x30: {  	s3 =	sld [smem:$0x3FAF]  }
0x31: {  	[smem:$0x3FB8] =	sst s10  }
0x32: {  	s10 =	sld [smem:$0x3FB6];
	_ =	sdelay $0x3  }
0x33: {  	p0 =	seq.s32 s10, $0x1;
	s10 =	sld [smem:$0x3FB8];
	_ =	sdelay $0x3  }
0x34: {  	[smem:$0x3FB8] =	sst s10  }
0x35: {  	s10 =	sld [smem:$0x3FB7];
	_ =	sdelay $0x3  }
0x36: {  	p1 =	seq.s32 s10, $0x1;
	s10 =	sld [smem:$0x3FB8];
	_ =	sdelay $0x3  }
0x37: {  	[smem:$0x3FB8] =	sst s10  }
0x38: {  	s10 =	sld [smem:$0x3FB9]  }
0x39: {  	_ = 	snop;
	(pc) =	sbr.ind lr, $3  }
0x3a: {  	_ = 	snop  }
0x3b: {  	_ = 	snop  }
0x3c: {  	p2 =	seq.s32 s10, $0x1;
	s10 =	sld [smem:$0x3FB8]  }
0x3d: {  	_ =	shalt  }
0x3e: {  	_ =	shalt  }
0x3f: {  	_ =	shalt  }
0x40: {  	_ =	shalt  }
0x41: {  	_ =	shalt  }
0x42: {  	_ =	shalt  }
0x43: {  	_ =	shalt  }
0x44: {  	_ =	shalt  }
0x45: {  	_ =	shalt  }
0x46: {  	_ =	shalt  }
0x47: {  	_ =	shalt  }
0x48: {  	_ =	shalt  }
0x49: {  	_ =	shalt  }
0x4a: {  	_ =	shalt  }
0x4b: {  	_ =	shalt  }
0x4c: {  	_ =	shalt  }
0x4d: {  	_ =	shalt  }
0x4e: {  	_ =	shalt  }
0x4f: {  	_ =	shalt  }
0x50: {  	_ =	shalt  }
0x51: {  	_ =	shalt  }
0x52: {  	_ =	shalt  }
0x53: {  	_ =	shalt  }
0x54: {  	_ =	shalt  }
0x55: {  	_ =	shalt  }
0x56: {  	_ =	shalt  }
0x57: {  	_ =	shalt  }
0x58: {  	_ =	shalt  }
0x59: {  	_ =	shalt  }
0x5a: {  	_ =	shalt  }
0x5b: {  	_ =	shalt  }
0x5c: {  	_ =	shalt  }
0x5d: {  	_ =	shalt  }
0x5e: {  	_ =	shalt  }
0x5f: {  	_ =	shalt  }
0x60: {  	_ =	shalt  }
0x61: {  	_ =	shalt  }
0x62: {  	_ =	shalt  }
0x63: {  	_ =	shalt  }
0x64: {  	_ =	shalt  }
0x65: {  	_ =	shalt  }
0x66: {  	_ =	shalt  }
0x67: {  	_ =	shalt  }
0x68: {  	_ =	shalt  }
0x69: {  	_ =	shalt  }
0x6a: {  	_ =	shalt  }
0x6b: {  	_ =	shalt  }
0x6c: {  	_ =	shalt  }
0x6d: {  	_ =	shalt  }
0x6e: {  	_ =	shalt  }
0x6f: {  	_ =	shalt  }
0x70: {  	_ =	shalt  }
0x71: {  	_ =	shalt  }
0x72: {  	_ =	shalt  }
0x73: {  	_ =	shalt  }
0x74: {  	_ =	shalt  }
0x75: {  	_ =	shalt  }
0x76: {  	_ =	shalt  }
0x77: {  	_ =	shalt  }
0x78: {  	_ =	shalt  }
0x79: {  	_ =	shalt  }
0x7a: {  	_ =	shalt  }
0x7b: {  	_ =	shalt  }
0x7c: {  	_ =	shalt  }
0x7d: {  	_ =	shalt  }
0x7e: {  	_ =	shalt  }
0x7f: {  	_ =	shalt  }
0x80: {  	_ =	shalt  }
0x81: {  	_ =	shalt  }
0x82: {  	_ =	shalt  }
0x83: {  	_ =	shalt  }
0x84: {  	_ =	shalt  }
0x85: {  	_ =	shalt  }
0x86: {  	_ =	shalt  }
0x87: {  	_ =	shalt  }
.Lfunc_end0:
.L_simem_size_0:
called_computation.2_lowered:
.L_overlay_start_0:
0x88: {  	s2 =	sld [smem:$0x3FD9]  }
0x89: {  	s3 =	sld [smem:$0x3FFE];
	_ =	sdelay $0x1  }
0x8a: {  	s1 =	srdreg.scid  }
0x8b: {  	s0 =	sand.u32 $0x1, s1  }
0x8c: {  	s17 =	sshll.u32 s0, $0xA;
	s2 =	sadd.s32 s3, s2  }
0x8d: {  	s2 =	sadd.s32 s2, s17  }
0x8e: {  	[smem:$0x3FC4] =	sst s2  }
0x8f: {  	_ = 	snop  }
0x90: {  	s2 =	sld [smem:$0x3FD0];
	(tm) =	ssettm $0x1  }
0x91: {  	s18 =	sld [smem:$0x3FFB];
	_ =	sdelay $0x3  }
0x92: {  	_ =	strace s18  }
0x93: {  	s3 =	sld [smem:$0x3FFC];
	_ =	sdelay $0x3  }
0x94: {  	_ =	strace s3  }
0x95: {  	s3 =	sld [smem:$0x3FFD];
	_ =	sdelay $0x3  }
0x96: {  	_ =	strace s3  }
0x97: {  	_ =	strace $0x8FFFFFFF  }
0x98: {  	s19 =	sld [smem:$0x3FDB];
	_ =	sdelay $0x1  }
0x99: {  	s4 =	simm.s32 $_scs_section_size  }
0x9a: {  	s5 =	simm.s32 $_size__tile_overlayer_lowered;
	s6 =	simm.s32 $_tile_overlayer_lowered  }
0x9b: {  	s22 =	simm.s32 $0x1BFF;
	s21 =	sshll.u32 s6, $0x1;
	s3 =	sadd.s32 s4, s19  }
0x9c: {  	s7 =	simm.s32 $0x0;
	s20 =	sshll.u32 s5, $0x1;
	s5 =	sadd.s32 s21, s3  }
0x9d: {  	[timem:s7], [sflag:s22] =	dma.local [hbm:s5], s20  }
0x9e: {  	_ =	swait.ge [sflag:s22], s20  }
0x9f: {  	s4 =	ssub.s32 $0x0, s20;
	[sflag:s22] =	ssyncset.done $0x0  }
0xa0: {  	[sflag:s22] =	ssyncadd.s32 s4;
	_ =	sdelay $0x1  }
0xa1: {  	s23 =	simm.s32 $0x1B8B  }
0xa2: {  	_ =	swait.ge [sflag:s23], $0x1  }
0xa3: {  	[sflag:s23] =	ssyncset.done $0x0  }
0xa4: {  	s25 =	simm.s32 $0x1B8E;
	s24 =	sld [smem:$0x3FFE];
	[sflag:s23] =	ssyncadd.s32 $0xFFFFFFFF  }
0xa5: {  	s26 =	simm.s32 $execute0_lowered;
	[smem:$0x3FD2] =	sst s25  }
0xa6: {  	s5 =	sshll.u32 s26, $0x1;
	_ =	strace $0x8000004C;
	[dreg:$0x1] =	wrdreg $0xFFFFFFFF  }
0xa7: {  	s28 =	simm.s32 $_size_execute0_lowered;
	s3 =	sadd.s32 s3, s5;
	[dreg:$0x0] =	wrdreg $0x0  }
0xa8: {  	s5 =	sshll.u32 s28, $0x1;
	[dreg:$0x2] =	wrdreg s3  }
0xa9: {  	[dreg:$0x3] =	wrdreg s5  }
0xaa: {  	[dreg:$0x4] =	wrdreg $0xC0  }
0xab: {  	_ =	task [dreg:s7], $0x5FFFF  }
0xac: {  	[dreg:$0x1] =	wrdreg $0xFFFFFFFF  }
0xad: {  	[dreg:$0x0] =	wrdreg $0x60  }
0xae: {  	[dreg:$0x2] =	wrdreg s24  }
0xaf: {  	[dreg:$0x3] =	wrdreg s2  }
0xb0: {  	[dreg:$0x4] =	wrdreg $0xA8000  }
0xb1: {  	[dreg:$0x5] =	wrdreg $0x9  }
0xb2: {  	_ =	task.clear_ibuf [dreg:s7], $0x6FFFF;
	_ =	strace $0x9000004C  }
0xb3: {  	s29 =	simm.s32 $0x9;
	_ =	strace $0x8000004E  }
0xb4: {  	_ =	swait.ge [sflag:s29], $0x1  }
0xb5: {  	[sflag:s29] =	ssyncadd.s32 $0xFFFFFFFF  }
0xb6: {  	_ =	strace $0x9000004E  }
0xb7: {  	_ =	sfence  }
0xb8: {  	s30 =	sld [smem:$0x0];
	_ =	sdelay $0x2  }
0xb9: {  	s31 =	sshll.u32 s1, $0xD;
	s1 =	sshrl.u32 s1, $0x2  }
0xba: {  	s3 =	sand.u32 $0x4000, s31;
	s1 =	sadd.s32 s1, s30  }
0xbb: {  	s0 =	sor.u32 s3, s0;
	s1 =	sshll.u32 s1, $0x11  }
0xbc: {  	s0 =	sor.u32 s1, s0  }
0xbd: {  	s0 =	sadd.s32 $0x8F2B, s0  }
0xbe: {  	[sflag:s0] =	ssyncadd.remote.s32 $0x1  }
0xbf: {  	_ =	sfence.sel $0xFFFF  }
0xc0: {  	[dreg:$0x0] =	wrdreg $0xFFFFFFFF;
	(pc) =	sbr.abs _section_cstart, $3  }
0xc1: {  	[dreg:$0x1] =	wrdreg $0xFFFFFFFF  }
0xc2: {  	_ =	task.clear_ibuf [dreg:s7], $0x2FFFF;
	_ =	strace $0x9FFFFFFF  }
0xc3: {  	(tm) =	ssettm $0x7FFFFFFF  }
tec
execute0_lowered:
.L_overlay_start_1:
0x0: {  	(tag) =	ssettag $0x1  }
0x1: {  	s0 =	rddreg [dreg:$0x0]  }
0x2: {  	s1 =	rddreg [dreg:$0x1]  }
0x3: {  	s3 =	srdreg.scid;
	s2 =	rddreg [dreg:$0x2]  }
0x4: {  	s10 =	stileid.u32;
	s28 =	simm.s32 $0x6800;
	s29 =	simm.s32 $0x8800  }
0x5: {  	s30 =	simm.s32 $0x1;
	s31 =	simm.s32 $0x80;
	s7 =	smul.u32 $0x14000, s10  }
0x6: {  	s5 =	sand.u32 $0x1, s3;
	s3 =	simm.s32 $0x0;
	s8 =	smul.u32 $0x50000, s10  }
0x7: {  	s4 =	sadd.s32 $0x20E00, s0;
	s14 =	sadd.s32 $0x16E00, s0;
	s6 =	smul.u32 $0x140000, s5  }
0x8: {  	s9 =	sadd.s32 $0x2A00, s0;
	[smem:$0x7FF] =	sst s3;
	s17 =	ssub.s32 $0x2, s5  }
0x9: {  	s5 =	sshll.u32 s5, $0x4;
	_ =	strace $0x8000004D;
	s6 =	sadd.s32 s7, s6  }
0xa: {  	[dreg:$0x4] =	wrdreg s9;
	s8 =	sshrl.u32 s8, $0x2;
	s6 =	sshrl.u32 s6, $0x3  }
0xb: {  	s18 =	sshrl.u32 s17, $0x1;
	s0 =	sadd.s32 s6, s0;
	s6 =	sadd.s32 s8, s2  }
0xc: {  	s5 =	sor.u32 s10, s5;
	s9 =	ssub.s32 s17, s18;
	s8 =	sadd.s32 $0x2000, s6  }
0xd: {  	s5 =	smul.u32 $0x2800, s5;
	s19 =	sadd.s32 $0x4000, s6;
	[dreg:$0x5] =	wrdreg s8  }
0xe: {  	s7 =	simm.s32 $0x2700;
	s20 =	sadd.s32 $0x6000, s6;
	[dreg:$0x6] =	wrdreg s19  }
0xf: {  	s5 =	sshrl.u32 s5, $0x3;
	s21 =	sadd.s32 $0x8000, s6;
	[dreg:$0x7] =	wrdreg s20  }
0x10: {  	s22 =	sadd.s32 $0xA000, s6;
	s23 =	sadd.s32 $0xC000, s6;
	[dreg:$0x8] =	wrdreg s21  }
0x11: {  	s24 =	sadd.s32 $0xE000, s6;
	s25 =	sadd.s32 $0x10000, s6;
	[dreg:$0x9] =	wrdreg s22  }
0x12: {  	s15 =	sadd.s32 $0x12000, s6;
	s26 =	sadd.s32 $0x280, s5;
	[dreg:$0xa] =	wrdreg s23  }
0x13: {  	s16 =	sadd.s32 s1, s5;
	s17 =	sadd.s32 s14, s5;
	[dreg:$0xb] =	wrdreg s24  }
0x14: {  	s5 =	simm.s32 $0x13C0;
	[dreg:$0xc] =	wrdreg s25;
	s18 =	sadd.s32 s1, s26  }
0x15: {  	s19 =	sadd.s32 s14, s26;
	s20 =	sadd.s32 $0x48E00, s0;
	s21 =	smax.u32 s9, $0x1  }
0x16: {  	s22 =	simm.s32 $0x2800;
	s23 =	simm.s32 $0x3;
	s24 =	simm.s32 $0x1400  }
0x17: {  	s25 =	simm.s32 $0x40;
	s26 =	simm.s32 $0x4800;
	s0 =	simm.s32 $0x2  }
0x18: {  	s1 =	simm.s32 $0x1380;
	s8 =	simm.s32 $0x2780;
	s9 =	simm.s32 $0x0  }
.LBB2_1:
0x19: {  	s10 =	rddreg [dreg:$0x4]  }
0x1a: {  	[tilespmem:s22], [sflag:$0x3] =	stream.linear.gather [hbm4b:s10+s3], $0x2000, $0x38;
	[tilespmem:$0x1E800] =	vst v63  }
0x1b: {  	_ =	swait.ge [sflag:s23], $0x2000  }
0x1c: {  	[sflag:s23] =	ssyncset.done $0x0  }
0x1d: {  	[sflag:s23] =	ssyncadd.s32 $0xFFFFE000  }
0x1e: {  	[spmem:s6] =	stream.linear.scatter [tilespmem:s22], [sflag:$0x3], $0x2000, $0x38;
	[tilespmem:$0x1E800] =	vst v63  }
0x1f: {  	_ =	swait.ge [sflag:s23], $0x2000  }
0x20: {  	[sflag:s23] =	ssyncset.done $0x0  }
0x21: {  	s13 =	rddreg [dreg:$0x5];
	[sflag:s23] =	ssyncadd.s32 $0xFFFFE000  }
0x22: {  	[spmem:s13] =	stream.linear.scatter [tilespmem:s22], [sflag:$0x3], $0x2000, $0x38;
	[tilespmem:$0x1E800] =	vst v63  }
0x23: {  	_ =	swait.ge [sflag:s23], $0x2000  }
0x24: {  	[sflag:s23] =	ssyncset.done $0x0  }
0x25: {  	s14 =	rddreg [dreg:$0x6];
	[sflag:s23] =	ssyncadd.s32 $0xFFFFE000  }
0x26: {  	[spmem:s14] =	stream.linear.scatter [tilespmem:s22], [sflag:$0x3], $0x2000, $0x38;
	[tilespmem:$0x1E800] =	vst v63  }
0x27: {  	_ =	swait.ge [sflag:s23], $0x2000  }
0x28: {  	[sflag:s23] =	ssyncset.done $0x0  }
0x29: {  	s11 =	rddreg [dreg:$0x7];
	[sflag:s23] =	ssyncadd.s32 $0xFFFFE000  }
0x2a: {  	[spmem:s11] =	stream.linear.scatter [tilespmem:s22], [sflag:$0x3], $0x2000, $0x38;
	[tilespmem:$0x1E800] =	vst v63  }
0x2b: {  	_ =	swait.ge [sflag:s23], $0x2000  }
0x2c: {  	[sflag:s23] =	ssyncset.done $0x0  }
0x2d: {  	s12 =	rddreg [dreg:$0x8];
	[sflag:s23] =	ssyncadd.s32 $0xFFFFE000  }
0x2e: {  	[spmem:s12] =	stream.linear.scatter [tilespmem:s22], [sflag:$0x3], $0x2000, $0x38;
	[tilespmem:$0x1E800] =	vst v63  }
0x2f: {  	_ =	swait.ge [sflag:s23], $0x2000  }
0x30: {  	[sflag:s23] =	ssyncset.done $0x0  }
0x31: {  	s13 =	rddreg [dreg:$0x9];
	[sflag:s23] =	ssyncadd.s32 $0xFFFFE000  }
0x32: {  	[spmem:s13] =	stream.linear.scatter [tilespmem:s22], [sflag:$0x3], $0x2000, $0x38;
	[tilespmem:$0x1E800] =	vst v63  }
0x33: {  	_ =	swait.ge [sflag:s23], $0x2000  }
0x34: {  	[sflag:s23] =	ssyncset.done $0x0  }
0x35: {  	s14 =	rddreg [dreg:$0xa];
	[sflag:s23] =	ssyncadd.s32 $0xFFFFE000  }
0x36: {  	[spmem:s14] =	stream.linear.scatter [tilespmem:s22], [sflag:$0x3], $0x2000, $0x38;
	[tilespmem:$0x1E800] =	vst v63  }
0x37: {  	_ =	swait.ge [sflag:s23], $0x2000  }
0x38: {  	[sflag:s23] =	ssyncset.done $0x0  }
0x39: {  	s11 =	rddreg [dreg:$0xb];
	[sflag:s23] =	ssyncadd.s32 $0xFFFFE000  }
0x3a: {  	[spmem:s11] =	stream.linear.scatter [tilespmem:s22], [sflag:$0x3], $0x2000, $0x38;
	[tilespmem:$0x1E800] =	vst v63  }
0x3b: {  	_ =	swait.ge [sflag:s23], $0x2000  }
0x3c: {  	[sflag:s23] =	ssyncset.done $0x0  }
0x3d: {  	s12 =	rddreg [dreg:$0xc];
	[sflag:s23] =	ssyncadd.s32 $0xFFFFE000  }
0x3e: {  	[spmem:s12] =	stream.linear.scatter [tilespmem:s22], [sflag:$0x3], $0x2000, $0x38;
	[tilespmem:$0x1E800] =	vst v63  }
0x3f: {  	_ =	swait.ge [sflag:s23], $0x2000  }
0x40: {  	[sflag:s23] =	ssyncset.done $0x0  }
0x41: {  	[sflag:s23] =	ssyncadd.s32 $0xFFFFE000  }
0x42: {  	[spmem:s15] =	stream.linear.scatter [tilespmem:s22], [sflag:$0x3], $0x2000, $0x38;
	[tilespmem:$0x1E800] =	vst v63  }
0x43: {  	_ =	swait.ge [sflag:s23], $0x2000  }
0x44: {  	[sflag:s23] =	ssyncset.done $0x0  }
0x45: {  	[sflag:s23] =	ssyncadd.s32 $0xFFFFE000  }
0x46: {  	[bflag:$0x0] =	sbarrier.arrive $0xFFFF  }
0x47: {  	[tilespmem:s3], [sflag:$0x3] =	stream.linear.gather [hbm4b:s16+s3], $0x1400, $0x38;
	[tilespmem:$0x1E800] =	vst v63  }
0x48: {  	_ =	swait.ge [sflag:s23], $0x1400  }
0x49: {  	[sflag:s23] =	ssyncset.done $0x0  }
0x4a: {  	[sflag:s23] =	ssyncadd.s32 $0xFFFFEC00  }
0x4b: {  	[tilespmem:s24], [sflag:$0x3] =	stream.linear.gather [hbm4b:s17+s3], $0x1400, $0x38;
	[tilespmem:$0x1E800] =	vst v63  }
0x4c: {  	_ =	swait.ge [sflag:s23], $0x1400  }
0x4d: {  	[sflag:s23] =	ssyncset.done $0x0  }
0x4e: {  	[sflag:s23] =	ssyncadd.s32 $0xFFFFEC00  }
0x4f: {  	[tilespmem:s22], [sflag:$0x1] =	stream.indirect.gather [hbm4b:s4+s25], $0x80, s3, s25, $0xb8;
	[tilespmem:$0x1E800] =	vst v63  }
0x50: {  	_ = 	snop  }
0x51: {  	[tilespmem:s26], [sflag:$0x1] =	stream.indirect.gather [hbm4b:s4+s25], $0x80, s25, s25, $0xb8;
	[tilespmem:$0x1E800] =	vst v63  }
0x52: {  	s13 =	simm.s32 $0x80  }
0x53: {  	[tilespmem:s28], [sflag:$0x2] =	stream.indirect.gather [hbm4b:s4+s25], $0x80, s13, s25, $0xb8;
	[tilespmem:$0x1E800] =	vst v63  }
0x54: {  	s14 =	simm.s32 $0xC0  }
0x55: {  	[tilespmem:s29], [sflag:$0x2] =	stream.indirect.gather [hbm4b:s4+s25], $0x80, s14, s25, $0xb8;
	[tilespmem:$0x1E800] =	vst v63  }
0x56: {  	_ =	swait.ge [sflag:s30], $0x4000  }
0x57: {  	[sflag:s30] =	ssyncset.done $0x0  }
0x58: {  	s11 =	simm.s32 $0x1400;
	[sflag:s30] =	ssyncadd.s32 $0xFFFFC000  }
0x59: {  	[spmem:s2] =	stream.indirect.scatter.add.f32 [tilespmem:s22], [sflag:$0x3], $0x80, s11, s31, $0xb8;
	[tilespmem:$0x1E800] =	vst v63  }
0x5a: {  	_ =	swait.ge [sflag:s23], $0x4000  }
0x5b: {  	[sflag:s23] =	ssyncset.done $0x0  }
0x5c: {  	s12 =	simm.s32 $0x100;
	[sflag:s23] =	ssyncadd.s32 $0xFFFFC000  }
0x5d: {  	[tilespmem:s22], [sflag:$0x1] =	stream.indirect.gather [hbm4b:s4+s25], $0x80, s12, s25, $0xb8;
	[tilespmem:$0x1E800] =	vst v63  }
0x5e: {  	s13 =	simm.s32 $0x140  }
0x5f: {  	[tilespmem:s26], [sflag:$0x1] =	stream.indirect.gather [hbm4b:s4+s25], $0x80, s13, s25, $0xb8;
	[tilespmem:$0x1E800] =	vst v63  }
0x60: {  	_ =	swait.ge [sflag:s0], $0x4000  }
0x61: {  	[sflag:s0] =	ssyncset.done $0x0  }
0x62: {  	s14 =	simm.s32 $0x1480;
	[sflag:s0] =	ssyncadd.s32 $0xFFFFC000  }
0x63: {  	[spmem:s2] =	stream.indirect.scatter.add.f32 [tilespmem:s28], [sflag:$0x3], $0x80, s14, s31, $0xb8;
	[tilespmem:$0x1E800] =	vst v63  }
0x64: {  	_ =	swait.ge [sflag:s23], $0x4000  }
0x65: {  	s10 =	simm.s32 $0x100;
	s11 =	simm.s32 $0x800;
	[sflag:s23] =	ssyncset.done $0x0  }
.LBB2_2:
0x66: {  	s12 =	sadd.s32 $0x80, s10  }
0x67: {  	[sflag:s23] =	ssyncadd.s32 $0xFFFFC000;
	s13 =	smov.u32 s11;
	s14 =	sadd.s32 $0x400, s11  }
0x68: {  	[tilespmem:s28], [sflag:$0x2] =	stream.indirect.gather [hbm4b:s4+s25], $0x80, s12, s25, $0xb8;
	[tilespmem:$0x1E800] =	vst v63  }
0x69: {  	p0 =	sne.s32 s11, $0x4800;
	s11 =	sadd.s32 $0xC0, s10  }
0x6a: {  	[tilespmem:s29], [sflag:$0x2] =	stream.indirect.gather [hbm4b:s4+s25], $0x80, s11, s25, $0xb8;
	[tilespmem:$0x1E800] =	vst v63  }
0x6b: {  	_ =	swait.ge [sflag:s30], $0x4000  }
0x6c: {  	[sflag:s30] =	ssyncset.done $0x0  }
0x6d: {  	s11 =	sadd.s32 $0x1400, s10;
	[sflag:s30] =	ssyncadd.s32 $0xFFFFC000  }
0x6e: {  	[spmem:s2] =	stream.indirect.scatter.add.f32 [tilespmem:s22], [sflag:$0x3], $0x80, s11, s31, $0xb8;
	[tilespmem:$0x1E800] =	vst v63  }
0x6f: {  	_ =	swait.ge [sflag:s23], $0x4000  }
0x70: {  	[sflag:s23] =	ssyncset.done $0x0  }
0x71: {  	s11 =	sadd.s32 $0x100, s10;
	[sflag:s23] =	ssyncadd.s32 $0xFFFFC000  }
0x72: {  	[tilespmem:s22], [sflag:$0x1] =	stream.indirect.gather [hbm4b:s4+s25], $0x80, s11, s25, $0xb8;
	[tilespmem:$0x1E800] =	vst v63  }
0x73: {  	s11 =	sadd.s32 $0x140, s10  }
0x74: {  	[tilespmem:s26], [sflag:$0x1] =	stream.indirect.gather [hbm4b:s4+s25], $0x80, s11, s25, $0xb8;
	[tilespmem:$0x1E800] =	vst v63  }
0x75: {  	_ =	swait.ge [sflag:s0], $0x4000  }
.Ltmp0:
0x76: {  	[sflag:s0] =	ssyncset.done $0x0;
	(pc) =	sbr.rel @p0 .LBB2_2-.Ltmp0, $4  }
0x77: {  	s10 =	sadd.s32 $0x1480, s10;
	[sflag:s0] =	ssyncadd.s32 $0xFFFFC000  }
0x78: {  	[spmem:s2] =	stream.indirect.scatter.add.f32 [tilespmem:s28], [sflag:$0x3], $0x80, s10, s31, $0xb8;
	[tilespmem:$0x1E800] =	vst v63  }
0x79: {  	_ =	swait.ge [sflag:s23], $0x4000  }
0x7a: {  	s11 =	smov.u32 s14;
	s10 =	sshra.s32 s13, $0x2;
	[sflag:s23] =	ssyncset.done $0x0  }
0x7b: {  	s11 =	sadd.s32 $0x80, s10;
	[sflag:s23] =	ssyncadd.s32 $0xFFFFC000  }
0x7c: {  	[tilespmem:s28], [sflag:$0x2] =	stream.indirect.gather [hbm4b:s4+s25], $0x80, s11, s25, $0xb8;
	[tilespmem:$0x1E800] =	vst v63  }
0x7d: {  	s14 =	sadd.s32 $0xC0, s10  }
0x7e: {  	[tilespmem:s29], [sflag:$0x2] =	stream.indirect.gather [hbm4b:s4+s25], $0x80, s14, s25, $0xb8;
	[tilespmem:$0x1E800] =	vst v63  }
0x7f: {  	_ =	swait.ge [sflag:s30], $0x4000  }
0x80: {  	[sflag:s30] =	ssyncset.done $0x0  }
0x81: {  	s12 =	sadd.s32 $0x1400, s10;
	[sflag:s30] =	ssyncadd.s32 $0xFFFFC000  }
0x82: {  	[spmem:s2] =	stream.indirect.scatter.add.f32 [tilespmem:s22], [sflag:$0x3], $0x80, s12, s31, $0xb8;
	[tilespmem:$0x1E800] =	vst v63  }
0x83: {  	_ =	swait.ge [sflag:s23], $0x4000  }
0x84: {  	[sflag:s23] =	ssyncset.done $0x0  }
0x85: {  	s13 =	sadd.s32 $0x100, s10;
	[sflag:s23] =	ssyncadd.s32 $0xFFFFC000  }
0x86: {  	[tilespmem:s22], [sflag:$0x1] =	stream.indirect.gather [hbm4b:s4+s25], $0x80, s13, s25, $0xb8;
	[tilespmem:$0x1E800] =	vst v63  }
0x87: {  	s14 =	sadd.s32 $0x140, s10  }
0x88: {  	[tilespmem:s26], [sflag:$0x1] =	stream.indirect.gather [hbm4b:s4+s25], $0x80, s14, s25, $0xb8;
	[tilespmem:$0x1E800] =	vst v63  }
0x89: {  	_ =	swait.ge [sflag:s0], $0x4000  }
0x8a: {  	[sflag:s0] =	ssyncset.done $0x0  }
0x8b: {  	s11 =	sadd.s32 $0x1480, s10;
	[sflag:s0] =	ssyncadd.s32 $0xFFFFC000  }
0x8c: {  	[spmem:s2] =	stream.indirect.scatter.add.f32 [tilespmem:s28], [sflag:$0x3], $0x80, s11, s31, $0xb8;
	[tilespmem:$0x1E800] =	vst v63  }
0x8d: {  	_ =	swait.ge [sflag:s23], $0x4000  }
0x8e: {  	[sflag:s23] =	ssyncset.done $0x0  }
0x8f: {  	[sflag:s23] =	ssyncadd.s32 $0xFFFFC000  }
0x90: {  	[tilespmem:s28], [sflag:$0x2] =	stream.indirect.gather [hbm4b:s4+s25], $0x80, s1, s25, $0xb8;
	[tilespmem:$0x1E800] =	vst v63  }
0x91: {  	_ = 	snop  }
0x92: {  	[tilespmem:s29], [sflag:$0x2] =	stream.indirect.gather [hbm4b:s4+s25], $0x80, s5, s25, $0xb8;
	[tilespmem:$0x1E800] =	vst v63  }
0x93: {  	_ =	swait.ge [sflag:s30], $0x4000  }
0x94: {  	[sflag:s30] =	ssyncset.done $0x0  }
0x95: {  	[sflag:s30] =	ssyncadd.s32 $0xFFFFC000  }
0x96: {  	[spmem:s2] =	stream.indirect.scatter.add.f32 [tilespmem:s22], [sflag:$0x3], $0x80, s7, s31, $0xb8;
	[tilespmem:$0x1E800] =	vst v63  }
0x97: {  	_ =	swait.ge [sflag:s23], $0x4000  }
0x98: {  	[sflag:s23] =	ssyncset.done $0x0  }
0x99: {  	[sflag:s23] =	ssyncadd.s32 $0xFFFFC000  }
0x9a: {  	[tilespmem:s22], [sflag:$0x1] =	stream.indirect.gather [hbm4b:s4+s25], $0x80, s1, s25, $0xb8;
	[tilespmem:$0x1E800] =	vst v63  }
0x9b: {  	_ = 	snop  }
0x9c: {  	[tilespmem:s26], [sflag:$0x1] =	stream.indirect.gather [hbm4b:s4+s25], $0x80, s5, s25, $0xb8;
	[tilespmem:$0x1E800] =	vst v63  }
0x9d: {  	_ =	swait.ge [sflag:s0], $0x4000  }
0x9e: {  	[sflag:s0] =	ssyncset.done $0x0  }
0x9f: {  	[sflag:s0] =	ssyncadd.s32 $0xFFFFC000  }
0xa0: {  	[spmem:s2] =	stream.indirect.scatter.add.f32 [tilespmem:s28], [sflag:$0x3], $0x80, s8, s31, $0xb8;
	[tilespmem:$0x1E800] =	vst v63  }
0xa1: {  	_ =	swait.ge [sflag:s23], $0x4000  }
0xa2: {  	[sflag:s23] =	ssyncset.done $0x0  }
0xa3: {  	[sflag:s23] =	ssyncadd.s32 $0xFFFFC000  }
0xa4: {  	_ =	swait.ge [sflag:s30], $0x4000  }
0xa5: {  	[sflag:s30] =	ssyncset.done $0x0  }
0xa6: {  	s12 =	simm.s32 $0x0;
	[sflag:s30] =	ssyncadd.s32 $0xFFFFC000  }
0xa7: {  	[tilespmem:s12], [sflag:$0x3] =	stream.linear.gather [hbm4b:s18+s12], $0x1400, $0x38;
	[tilespmem:$0x1E800] =	vst v63  }
0xa8: {  	_ =	swait.ge [sflag:s23], $0x1400  }
0xa9: {  	[sflag:s23] =	ssyncset.done $0x0  }
0xaa: {  	[sflag:s23] =	ssyncadd.s32 $0xFFFFEC00  }
0xab: {  	[tilespmem:s24], [sflag:$0x3] =	stream.linear.gather [hbm4b:s19+s12], $0x1400, $0x38;
	[tilespmem:$0x1E800] =	vst v63  }
0xac: {  	_ =	swait.ge [sflag:s23], $0x1400  }
0xad: {  	[sflag:s23] =	ssyncset.done $0x0  }
0xae: {  	[sflag:s23] =	ssyncadd.s32 $0xFFFFEC00  }
0xaf: {  	[tilespmem:s22], [sflag:$0x1] =	stream.indirect.gather [hbm4b:s4+s25], $0x80, s12, s25, $0xb8;
	[tilespmem:$0x1E800] =	vst v63  }
0xb0: {  	_ = 	snop  }
0xb1: {  	[tilespmem:s26], [sflag:$0x1] =	stream.indirect.gather [hbm4b:s4+s25], $0x80, s25, s25, $0xb8;
	[tilespmem:$0x1E800] =	vst v63  }
0xb2: {  	s13 =	simm.s32 $0x80  }
0xb3: {  	[tilespmem:s28], [sflag:$0x2] =	stream.indirect.gather [hbm4b:s4+s25], $0x80, s13, s25, $0xb8;
	[tilespmem:$0x1E800] =	vst v63  }
0xb4: {  	s14 =	simm.s32 $0xC0  }
0xb5: {  	[tilespmem:s29], [sflag:$0x2] =	stream.indirect.gather [hbm4b:s4+s25], $0x80, s14, s25, $0xb8;
	[tilespmem:$0x1E800] =	vst v63  }
0xb6: {  	_ =	swait.ge [sflag:s30], $0x4000  }
0xb7: {  	[sflag:s30] =	ssyncset.done $0x0  }
0xb8: {  	s11 =	simm.s32 $0x1400;
	[sflag:s30] =	ssyncadd.s32 $0xFFFFC000  }
0xb9: {  	[spmem:s2] =	stream.indirect.scatter.add.f32 [tilespmem:s22], [sflag:$0x3], $0x80, s11, s31, $0xb8;
	[tilespmem:$0x1E800] =	vst v63  }
0xba: {  	_ =	swait.ge [sflag:s23], $0x4000  }
0xbb: {  	[sflag:s23] =	ssyncset.done $0x0  }
0xbc: {  	s12 =	simm.s32 $0x100;
	[sflag:s23] =	ssyncadd.s32 $0xFFFFC000  }
0xbd: {  	[tilespmem:s22], [sflag:$0x1] =	stream.indirect.gather [hbm4b:s4+s25], $0x80, s12, s25, $0xb8;
	[tilespmem:$0x1E800] =	vst v63  }
0xbe: {  	s13 =	simm.s32 $0x140  }
0xbf: {  	[tilespmem:s26], [sflag:$0x1] =	stream.indirect.gather [hbm4b:s4+s25], $0x80, s13, s25, $0xb8;
	[tilespmem:$0x1E800] =	vst v63  }
0xc0: {  	_ =	swait.ge [sflag:s0], $0x4000  }
0xc1: {  	[sflag:s0] =	ssyncset.done $0x0  }
0xc2: {  	s14 =	simm.s32 $0x1480;
	[sflag:s0] =	ssyncadd.s32 $0xFFFFC000  }
0xc3: {  	[spmem:s2] =	stream.indirect.scatter.add.f32 [tilespmem:s28], [sflag:$0x3], $0x80, s14, s31, $0xb8;
	[tilespmem:$0x1E800] =	vst v63  }
0xc4: {  	_ =	swait.ge [sflag:s23], $0x4000  }
0xc5: {  	s10 =	simm.s32 $0x100;
	s11 =	simm.s32 $0x800;
	[sflag:s23] =	ssyncset.done $0x0  }
.LBB2_4:
0xc6: {  	s12 =	sadd.s32 $0x80, s10  }
0xc7: {  	[sflag:s23] =	ssyncadd.s32 $0xFFFFC000;
	s13 =	smov.u32 s11;
	s14 =	sadd.s32 $0x400, s11  }
0xc8: {  	[tilespmem:s28], [sflag:$0x2] =	stream.indirect.gather [hbm4b:s4+s25], $0x80, s12, s25, $0xb8;
	[tilespmem:$0x1E800] =	vst v63  }
0xc9: {  	p0 =	sne.s32 s11, $0x4800;
	s11 =	sadd.s32 $0xC0, s10  }
0xca: {  	[tilespmem:s29], [sflag:$0x2] =	stream.indirect.gather [hbm4b:s4+s25], $0x80, s11, s25, $0xb8;
	[tilespmem:$0x1E800] =	vst v63  }
0xcb: {  	_ =	swait.ge [sflag:s30], $0x4000  }
0xcc: {  	[sflag:s30] =	ssyncset.done $0x0  }
0xcd: {  	s11 =	sadd.s32 $0x1400, s10;
	[sflag:s30] =	ssyncadd.s32 $0xFFFFC000  }
0xce: {  	[spmem:s2] =	stream.indirect.scatter.add.f32 [tilespmem:s22], [sflag:$0x3], $0x80, s11, s31, $0xb8;
	[tilespmem:$0x1E800] =	vst v63  }
0xcf: {  	_ =	swait.ge [sflag:s23], $0x4000  }
0xd0: {  	[sflag:s23] =	ssyncset.done $0x0  }
0xd1: {  	s11 =	sadd.s32 $0x100, s10;
	[sflag:s23] =	ssyncadd.s32 $0xFFFFC000  }
0xd2: {  	[tilespmem:s22], [sflag:$0x1] =	stream.indirect.gather [hbm4b:s4+s25], $0x80, s11, s25, $0xb8;
	[tilespmem:$0x1E800] =	vst v63  }
0xd3: {  	s11 =	sadd.s32 $0x140, s10  }
0xd4: {  	[tilespmem:s26], [sflag:$0x1] =	stream.indirect.gather [hbm4b:s4+s25], $0x80, s11, s25, $0xb8;
	[tilespmem:$0x1E800] =	vst v63  }
0xd5: {  	_ =	swait.ge [sflag:s0], $0x4000  }
.Ltmp1:
0xd6: {  	[sflag:s0] =	ssyncset.done $0x0;
	(pc) =	sbr.rel @p0 .LBB2_4-.Ltmp1, $4  }
0xd7: {  	s10 =	sadd.s32 $0x1480, s10;
	[sflag:s0] =	ssyncadd.s32 $0xFFFFC000  }
0xd8: {  	[spmem:s2] =	stream.indirect.scatter.add.f32 [tilespmem:s28], [sflag:$0x3], $0x80, s10, s31, $0xb8;
	[tilespmem:$0x1E800] =	vst v63  }
0xd9: {  	_ =	swait.ge [sflag:s23], $0x4000  }
0xda: {  	s11 =	smov.u32 s14;
	s10 =	sshra.s32 s13, $0x2;
	[sflag:s23] =	ssyncset.done $0x0  }
0xdb: {  	s11 =	sadd.s32 $0x80, s10;
	[sflag:s23] =	ssyncadd.s32 $0xFFFFC000  }
0xdc: {  	[tilespmem:s28], [sflag:$0x2] =	stream.indirect.gather [hbm4b:s4+s25], $0x80, s11, s25, $0xb8;
	[tilespmem:$0x1E800] =	vst v63  }
0xdd: {  	s14 =	sadd.s32 $0xC0, s10  }
0xde: {  	[tilespmem:s29], [sflag:$0x2] =	stream.indirect.gather [hbm4b:s4+s25], $0x80, s14, s25, $0xb8;
	[tilespmem:$0x1E800] =	vst v63  }
0xdf: {  	_ =	swait.ge [sflag:s30], $0x4000  }
0xe0: {  	[sflag:s30] =	ssyncset.done $0x0  }
0xe1: {  	s12 =	sadd.s32 $0x1400, s10;
	[sflag:s30] =	ssyncadd.s32 $0xFFFFC000  }
0xe2: {  	[spmem:s2] =	stream.indirect.scatter.add.f32 [tilespmem:s22], [sflag:$0x3], $0x80, s12, s31, $0xb8;
	[tilespmem:$0x1E800] =	vst v63  }
0xe3: {  	_ =	swait.ge [sflag:s23], $0x4000  }
0xe4: {  	[sflag:s23] =	ssyncset.done $0x0  }
0xe5: {  	s13 =	sadd.s32 $0x100, s10;
	[sflag:s23] =	ssyncadd.s32 $0xFFFFC000  }
0xe6: {  	[tilespmem:s22], [sflag:$0x1] =	stream.indirect.gather [hbm4b:s4+s25], $0x80, s13, s25, $0xb8;
	[tilespmem:$0x1E800] =	vst v63  }
0xe7: {  	s14 =	sadd.s32 $0x140, s10  }
0xe8: {  	[tilespmem:s26], [sflag:$0x1] =	stream.indirect.gather [hbm4b:s4+s25], $0x80, s14, s25, $0xb8;
	[tilespmem:$0x1E800] =	vst v63  }
0xe9: {  	_ =	swait.ge [sflag:s0], $0x4000  }
0xea: {  	[sflag:s0] =	ssyncset.done $0x0  }
0xeb: {  	s12 =	sadd.s32 $0x1480, s10;
	[sflag:s0] =	ssyncadd.s32 $0xFFFFC000  }
0xec: {  	[spmem:s2] =	stream.indirect.scatter.add.f32 [tilespmem:s28], [sflag:$0x3], $0x80, s12, s31, $0xb8;
	[tilespmem:$0x1E800] =	vst v63  }
0xed: {  	_ =	swait.ge [sflag:s23], $0x4000  }
0xee: {  	[sflag:s23] =	ssyncset.done $0x0  }
0xef: {  	[sflag:s23] =	ssyncadd.s32 $0xFFFFC000  }
0xf0: {  	[tilespmem:s28], [sflag:$0x2] =	stream.indirect.gather [hbm4b:s4+s25], $0x80, s1, s25, $0xb8;
	[tilespmem:$0x1E800] =	vst v63  }
0xf1: {  	_ = 	snop  }
0xf2: {  	[tilespmem:s29], [sflag:$0x2] =	stream.indirect.gather [hbm4b:s4+s25], $0x80, s5, s25, $0xb8;
	[tilespmem:$0x1E800] =	vst v63  }
0xf3: {  	_ =	swait.ge [sflag:s30], $0x4000  }
0xf4: {  	[sflag:s30] =	ssyncset.done $0x0  }
0xf5: {  	[sflag:s30] =	ssyncadd.s32 $0xFFFFC000  }
0xf6: {  	[spmem:s2] =	stream.indirect.scatter.add.f32 [tilespmem:s22], [sflag:$0x3], $0x80, s7, s31, $0xb8;
	[tilespmem:$0x1E800] =	vst v63  }
0xf7: {  	_ =	swait.ge [sflag:s23], $0x4000  }
0xf8: {  	[sflag:s23] =	ssyncset.done $0x0  }
0xf9: {  	[sflag:s23] =	ssyncadd.s32 $0xFFFFC000  }
0xfa: {  	[tilespmem:s22], [sflag:$0x1] =	stream.indirect.gather [hbm4b:s4+s25], $0x80, s1, s25, $0xb8;
	[tilespmem:$0x1E800] =	vst v63  }
0xfb: {  	_ = 	snop  }
0xfc: {  	[tilespmem:s26], [sflag:$0x1] =	stream.indirect.gather [hbm4b:s4+s25], $0x80, s5, s25, $0xb8;
	[tilespmem:$0x1E800] =	vst v63  }
0xfd: {  	_ =	swait.ge [sflag:s0], $0x4000  }
0xfe: {  	[sflag:s0] =	ssyncset.done $0x0  }
0xff: {  	[sflag:s0] =	ssyncadd.s32 $0xFFFFC000  }
0x100: {  	[spmem:s2] =	stream.indirect.scatter.add.f32 [tilespmem:s28], [sflag:$0x3], $0x80, s8, s31, $0xb8;
	[tilespmem:$0x1E800] =	vst v63  }
0x101: {  	_ =	swait.ge [sflag:s23], $0x4000  }
0x102: {  	[sflag:s23] =	ssyncset.done $0x0  }
0x103: {  	[sflag:s23] =	ssyncadd.s32 $0xFFFFC000  }
0x104: {  	s13 =	stileid.u32;
	_ =	swait.ge [sflag:s30], $0x4000  }
0x105: {  	s9 =	sadd.s32 $0x1, s9;
	s10 =	sshll.u32 s13, $0x6;
	[sflag:s30] =	ssyncset.done $0x0  }
0x106: {  	p0 =	sne.s32 s9, s21;
	s10 =	sor.u32 $0x1C03, s10;
	[sflag:s30] =	ssyncadd.s32 $0xFFFFC000  }
.Ltmp2:
0x107: {  	s14 =	sshrl.u32 s6, $0x3;
	[bflag:$0x0] =	sbarrier.arrive $0xFFFF;
	(pc) =	sbr.rel @p0 .LBB2_1-.Ltmp2, $4  }
0x108: {  	[hbm:s20], [sflag:s10] =	dma.local [spmem:s14], $0x2800  }
0x109: {  	_ =	swait.ge [sflag:s23], $0x2800  }
0x10a: {  	[sflag:s23] =	ssyncset.done $0x0  }
0x10b: {  	[sflag:s23] =	ssyncadd.s32 $0xFFFFD800  }
0x10c: {  	_ =	sfence.sel $0x180000  }
0x10d: {  	[bflag:$0x0] =	sbarrier.arrive $0xFFFF  }
0x10e: {  	_ =	strace $0x9000004D  }
0x10f: {  	s0 =	stileid.u32;
	[bflag:$0x2] =	sbarrier.arrive $0xFFFF  }
0x110: {  	p0 =	sne.s32 s0, $0x0;
	s0 =	rddreg [dreg:$0x3]  }
0x111: {  	s0 =	sadd.s32 @!p0 $0x100000, s0  }
0x112: {  	[sflag:s0] =	ssyncadd.tile.s32 @!p0 $0x1;
	_ =	shalt  }
.Lfunc_end2:
_tile_overlayer_lowered:
.L_overlay_start_2:
0x113: {  	(tag) =	ssettag $0x2  }
0x114: {  	s0 =	rddreg [dreg:$0x0];
	s2 =	stileid.u32  }
0x115: {  	s1 =	rddreg [dreg:$0x1];
	p0 =	sne.s32 s2, $0x0  }
0x116: {  	s3 =	rddreg [dreg:$0x2];
	[bflag:$0x3] =	sbarrier.arrive $0xFFFF;
	s2 =	simm.s32 @!p0 $0x1C03  }
0x117: {  	[timem:s3], [sflag:s2] =	dma.local @!p0 [hbm:s0], s1  }
0x118: {  	s0 =	simm.s32 @!p0 $0x3  }
0x119: {  	_ =	swait.ge @!p0 [sflag:s0], s1  }
0x11a: {  	s1 =	ssub.s32 @!p0 $0x0, s1;
	[sflag:s0] =	ssyncset.done @!p0 $0x0  }
0x11b: {  	[sflag:s0] =	ssyncadd.s32 @!p0 s1  }
0x11c: {  	[bflag:$0x3] =	sbarrier.arrive $0xFFFF  }
0x11d: {  	_ =	shalt  }

// kernel: kernel.8.cloned.1.call-start
scs
__scs_entry_jumppad:
0x0: {  	(pc) =	sbr.rel $0x88, $3  }
0x1: {  	(tag) =	ssettag $0x0;
	lr =	simm.s32 $0x1  }
0x2: {  	[smem:$0x3F9D] =	sst lr;
	_ =	strace $0xD0000000  }
0x3: {  	_ = 	snop  }
0x4: {  	_ = 	snop  }
0x5: {  	_ = 	snop  }
0x6: {  	_ = 	snop  }
0x7: {  	_ = 	snop  }
__scs_overlays_trampoline_lowered:
0x8: {  	[smem:$0x3FAC] =	sst s0  }
0x9: {  	[smem:$0x3FAD] =	sst s1  }
0xa: {  	[smem:$0x3FAE] =	sst s2  }
0xb: {  	[smem:$0x3FAF] =	sst s3  }
0xc: {  	[smem:$0x3FB0] =	sst s4  }
0xd: {  	[smem:$0x3FB1] =	sst s5  }
0xe: {  	[smem:$0x3FB2] =	sst s6  }
0xf: {  	[smem:$0x3FB3] =	sst s7  }
0x10: {  	[smem:$0x3FB4] =	sst s8  }
0x11: {  	[smem:$0x3FB5] =	sst s9;
	s0 =	simm.s32 @!p0 $0x0  }
0x12: {  	s1 =	sld [smem:$0x3F9B];
	s0 =	simm.s32 @p0 $0x1  }
0x13: {  	[smem:$0x3FB6] =	sst s0;
	s0 =	simm.s32 @!p1 $0x0  }
0x14: {  	s2 =	sld [smem:$0x3F9A];
	s0 =	simm.s32 @p1 $0x1  }
0x15: {  	[smem:$0x3FB7] =	sst s0;
	s0 =	simm.s32 @!p2 $0x0  }
0x16: {  	s3 =	sld [smem:$0x3FDB];
	s0 =	simm.s32 @p2 $0x1  }
0x17: {  	s4 =	simm.s32 $0x1BF5;
	[smem:$0x3FB9] =	sst s0  }
0x18: {  	s0 =	sld [smem:$0x3F9C];
	_ =	swait.ge [sflag:s4], $0x0  }
0x19: {  	s7 =	sld [smem:$0x3F9D]  }
0x1a: {  	s8 =	sadd.s32 $0xFFFFE003, lr  }
0x1b: {  	s9 =	sadd.s32 $0xFFFFFEF7, lr;
	s5 =	simm.s32 $0xFFFFFFFF;
	p2 =	slt.u32 s8, $0xFFFFF086  }
0x1c: {  	p1 =	slt.u32 s9, $0xF7A;
	s5 =	simm.s32 @!p2 $0x0  }
0x1d: {  	s5 =	simm.s32 @p1 $0x1;
	p0 =	seq.s32 s7, s2  }
0x1e: {  	s7 =	smul.u32 @!p0 $0xF7A, s2;
	p2 =	seq.s32 @!p0 s5, $0x0  }
0x1f: {  	s9 =	smul.u32 $0xF7A, s1;
	s8 =	simm.s32 @!p0 $0x1BF5;
	p2 =	por !p2, p0  }
0x20: {  	[sflag:s8] =	ssyncset.s32 @!p0 $0xFFFFF086;
	s6 =	sadd.s32 @!p0 s3, s7;
	s7 =	simm.s32 @!p0 $0x108  }
0x21: {  	s3 =	sadd.s32 s3, s9;
	s6 =	sadd.s32 @!p0 $0x88, s6;
	s7 =	simm.s32 @p2 $0x1082  }
0x22: {  	[simem:s7], [sflag:s8] =	dma.local @!p0 [hbm:s6], $0xF7A  }
0x23: {  	s9 =	sor.u32 $0xD0000000, s2;
	s6 =	simm.s32 $0x108;
	_ =	swait.ge @!p0 [sflag:s8], $0x0  }
0x24: {  	s3 =	sadd.s32 $0x88, s3;
	s6 =	simm.s32 @!p1 $0x1082;
	[sflag:s4] =	ssyncset.s32 $0xFFFFF086  }
0x25: {  	[simem:s6], [sflag:s4] =	dma.local [hbm:s3], $0xF7A  }
0x26: {  	[smem:$0x3F9D] =	sst s1;
	(tag) =	ssettag s2;
	_ =	strace s9  }
0x27: {  	s1 =	sld [smem:$0x3FAD]  }
0x28: {  	s2 =	sld [smem:$0x3FAE]  }
0x29: {  	s4 =	sld [smem:$0x3FB0]  }
0x2a: {  	p0 =	seq.s32 s5, $0x0;
	s5 =	sld [smem:$0x3FB1]  }
0x2b: {  	s6 =	sld [smem:$0x3FB2]  }
0x2c: {  	s7 =	sld [smem:$0x3FB3]  }
0x2d: {  	s3 =	simm.s32 $0x108;
	s8 =	sld [smem:$0x3FB4]  }
0x2e: {  	s3 =	simm.s32 @!p0 $0x1082;
	s9 =	sld [smem:$0x3FB5]  }
0x2f: {  	lr =	sadd.s32 s0, s3;
	s0 =	sld [smem:$0x3FAC]  }
0x30: {  	s3 =	sld [smem:$0x3FAF]  }
0x31: {  	[smem:$0x3FB8] =	sst s10  }
0x32: {  	s10 =	sld [smem:$0x3FB6];
	_ =	sdelay $0x3  }
0x33: {  	p0 =	seq.s32 s10, $0x1;
	s10 =	sld [smem:$0x3FB8];
	_ =	sdelay $0x3  }
0x34: {  	[smem:$0x3FB8] =	sst s10  }
0x35: {  	s10 =	sld [smem:$0x3FB7];
	_ =	sdelay $0x3  }
0x36: {  	p1 =	seq.s32 s10, $0x1;
	s10 =	sld [smem:$0x3FB8];
	_ =	sdelay $0x3  }
0x37: {  	[smem:$0x3FB8] =	sst s10  }
0x38: {  	s10 =	sld [smem:$0x3FB9]  }
0x39: {  	_ = 	snop;
	(pc) =	sbr.ind lr, $3  }
0x3a: {  	_ = 	snop  }
0x3b: {  	_ = 	snop  }
0x3c: {  	p2 =	seq.s32 s10, $0x1;
	s10 =	sld [smem:$0x3FB8]  }
0x3d: {  	_ =	shalt  }
0x3e: {  	_ =	shalt  }
0x3f: {  	_ =	shalt  }
0x40: {  	_ =	shalt  }
0x41: {  	_ =	shalt  }
0x42: {  	_ =	shalt  }
0x43: {  	_ =	shalt  }
0x44: {  	_ =	shalt  }
0x45: {  	_ =	shalt  }
0x46: {  	_ =	shalt  }
0x47: {  	_ =	shalt  }
0x48: {  	_ =	shalt  }
0x49: {  	_ =	shalt  }
0x4a: {  	_ =	shalt  }
0x4b: {  	_ =	shalt  }
0x4c: {  	_ =	shalt  }
0x4d: {  	_ =	shalt  }
0x4e: {  	_ =	shalt  }
0x4f: {  	_ =	shalt  }
0x50: {  	_ =	shalt  }
0x51: {  	_ =	shalt  }
0x52: {  	_ =	shalt  }
0x53: {  	_ =	shalt  }
0x54: {  	_ =	shalt  }
0x55: {  	_ =	shalt  }
0x56: {  	_ =	shalt  }
0x57: {  	_ =	shalt  }
0x58: {  	_ =	shalt  }
0x59: {  	_ =	shalt  }
0x5a: {  	_ =	shalt  }
0x5b: {  	_ =	shalt  }
0x5c: {  	_ =	shalt  }
0x5d: {  	_ =	shalt  }
0x5e: {  	_ =	shalt  }
0x5f: {  	_ =	shalt  }
0x60: {  	_ =	shalt  }
0x61: {  	_ =	shalt  }
0x62: {  	_ =	shalt  }
0x63: {  	_ =	shalt  }
0x64: {  	_ =	shalt  }
0x65: {  	_ =	shalt  }
0x66: {  	_ =	shalt  }
0x67: {  	_ =	shalt  }
0x68: {  	_ =	shalt  }
0x69: {  	_ =	shalt  }
0x6a: {  	_ =	shalt  }
0x6b: {  	_ =	shalt  }
0x6c: {  	_ =	shalt  }
0x6d: {  	_ =	shalt  }
0x6e: {  	_ =	shalt  }
0x6f: {  	_ =	shalt  }
0x70: {  	_ =	shalt  }
0x71: {  	_ =	shalt  }
0x72: {  	_ =	shalt  }
0x73: {  	_ =	shalt  }
0x74: {  	_ =	shalt  }
0x75: {  	_ =	shalt  }
0x76: {  	_ =	shalt  }
0x77: {  	_ =	shalt  }
0x78: {  	_ =	shalt  }
0x79: {  	_ =	shalt  }
0x7a: {  	_ =	shalt  }
0x7b: {  	_ =	shalt  }
0x7c: {  	_ =	shalt  }
0x7d: {  	_ =	shalt  }
0x7e: {  	_ =	shalt  }
0x7f: {  	_ =	shalt  }
0x80: {  	_ =	shalt  }
0x81: {  	_ =	shalt  }
0x82: {  	_ =	shalt  }
0x83: {  	_ =	shalt  }
0x84: {  	_ =	shalt  }
0x85: {  	_ =	shalt  }
0x86: {  	_ =	shalt  }
0x87: {  	_ =	shalt  }
.Lfunc_end0:
.L_simem_size_0:
called_computation_lowered:
.L_overlay_start_0:
0x88: {  	s2 =	sld [smem:$0x3FD9]  }
0x89: {  	s3 =	sld [smem:$0x3FFE];
	_ =	sdelay $0x1  }
0x8a: {  	s1 =	srdreg.scid  }
0x8b: {  	s0 =	sand.u32 $0x1, s1  }
0x8c: {  	s16 =	sshll.u32 s0, $0xA;
	s2 =	sadd.s32 s3, s2  }
0x8d: {  	s2 =	sadd.s32 s2, s16  }
0x8e: {  	[smem:$0x3FC4] =	sst s2  }
0x8f: {  	_ = 	snop  }
0x90: {  	(tm) =	ssettm $0x1  }
0x91: {  	s17 =	sld [smem:$0x3FFB];
	_ =	sdelay $0x3  }
0x92: {  	_ =	strace s17  }
0x93: {  	s2 =	sld [smem:$0x3FFC];
	_ =	sdelay $0x3  }
0x94: {  	_ =	strace s2  }
0x95: {  	s2 =	sld [smem:$0x3FFD];
	_ =	sdelay $0x3  }
0x96: {  	_ =	strace s2  }
0x97: {  	_ =	strace $0x8FFFFFFF  }
0x98: {  	s18 =	sld [smem:$0x3FDB];
	_ =	sdelay $0x1  }
0x99: {  	s19 =	simm.s32 $_scs_section_size  }
0x9a: {  	s4 =	simm.s32 $_size__tile_overlayer_lowered;
	s5 =	simm.s32 $_tile_overlayer_lowered  }
0x9b: {  	s22 =	simm.s32 $0x1BFF;
	s21 =	sshll.u32 s5, $0x1;
	s2 =	sadd.s32 s19, s18  }
0x9c: {  	s6 =	simm.s32 $0x0;
	s20 =	sshll.u32 s4, $0x1;
	s4 =	sadd.s32 s21, s2  }
0x9d: {  	[timem:s6], [sflag:s22] =	dma.local [hbm:s4], s20  }
0x9e: {  	_ =	swait.ge [sflag:s22], s20  }
0x9f: {  	s3 =	ssub.s32 $0x0, s20;
	[sflag:s22] =	ssyncset.done $0x0  }
0xa0: {  	[sflag:s22] =	ssyncadd.s32 s3;
	_ =	sdelay $0x1  }
0xa1: {  	s23 =	simm.s32 $0x1B8B  }
0xa2: {  	_ =	swait.ge [sflag:s23], $0x1  }
0xa3: {  	[sflag:s23] =	ssyncset.done $0x0  }
0xa4: {  	s25 =	simm.s32 $0x1B8E;
	s24 =	sld [smem:$0x3FFE];
	[sflag:s23] =	ssyncadd.s32 $0xFFFFFFFF  }
0xa5: {  	s26 =	simm.s32 $execute0_lowered;
	[smem:$0x3FD2] =	sst s25  }
0xa6: {  	s4 =	sshll.u32 s26, $0x1;
	_ =	strace $0x80000046;
	[dreg:$0x1] =	wrdreg $0xFFFFFFFF  }
0xa7: {  	s28 =	simm.s32 $_size_execute0_lowered;
	s2 =	sadd.s32 s2, s4;
	[dreg:$0x0] =	wrdreg $0x0  }
0xa8: {  	s4 =	sshll.u32 s28, $0x1;
	[dreg:$0x2] =	wrdreg s2  }
0xa9: {  	[dreg:$0x3] =	wrdreg s4  }
0xaa: {  	[dreg:$0x4] =	wrdreg $0xC0  }
0xab: {  	_ =	task [dreg:s6], $0x5FFFF  }
0xac: {  	[dreg:$0x1] =	wrdreg $0xFFFFFFFF  }
0xad: {  	[dreg:$0x0] =	wrdreg $0x60  }
0xae: {  	[dreg:$0x2] =	wrdreg s24  }
0xaf: {  	[dreg:$0x3] =	wrdreg $0x9  }
0xb0: {  	_ =	task.clear_ibuf [dreg:s6], $0x4FFFF;
	_ =	strace $0x90000046  }
0xb1: {  	s29 =	simm.s32 $0x9;
	_ =	strace $0x80000048  }
0xb2: {  	_ =	swait.ge [sflag:s29], $0x1  }
0xb3: {  	[sflag:s29] =	ssyncadd.s32 $0xFFFFFFFF  }
0xb4: {  	_ =	strace $0x90000048  }
0xb5: {  	_ =	sfence  }
0xb6: {  	s30 =	sld [smem:$0x0];
	_ =	sdelay $0x2  }
0xb7: {  	s31 =	sshll.u32 s1, $0xD;
	s1 =	sshrl.u32 s1, $0x2  }
0xb8: {  	s3 =	sand.u32 $0x4000, s31;
	s1 =	sadd.s32 s1, s30  }
0xb9: {  	s0 =	sor.u32 s3, s0;
	s1 =	sshll.u32 s1, $0x11  }
0xba: {  	s0 =	sor.u32 s1, s0  }
0xbb: {  	s0 =	sadd.s32 $0x8F2B, s0  }
0xbc: {  	[sflag:s0] =	ssyncadd.remote.s32 $0x1  }
0xbd: {  	_ =	sfence.sel $0xFFFF  }
0xbe: {  	[dreg:$0x0] =	wrdreg $0xFFFFFFFF;
	(pc) =	sbr.abs _section_cstart, $3  }
0xbf: {  	[dreg:$0x1] =	wrdreg $0xFFFFFFFF  }
0xc0: {  	_ =	task.clear_ibuf [dreg:s6], $0x2FFFF;
	_ =	strace $0x9FFFFFFF  }
0xc1: {  	(tm) =	ssettm $0x7FFFFFFF  }
tec
execute0_lowered:
.L_overlay_start_1:
0x0: {  	(tag) =	ssettag $0x1  }
0x1: {  	s0 =	srdreg.scid  }
0x2: {  	s4 =	rddreg [dreg:$0x0];
	s2 =	simm.s32 $0x0;
	s3 =	sand.u32 $0x1, s0  }
0x3: {  	s8 =	simm.s32 $0x1;
	s0 =	stileid.u32;
	s1 =	sshll.u32 s3, $0x4  }
0x4: {  	s9 =	simm.s32 $0x80;
	s10 =	simm.s32 $0x400;
	s5 =	sor.u32 s0, s1  }
0x5: {  	s11 =	simm.s32 $0x0;
	[smem:$0x7FF] =	sst s2;
	s6 =	sshrl.u32 s5, $0x3  }
0x6: {  	s7 =	sshll.u32 s0, $0x7;
	s30 =	ssub.s32 $0x2, s3;
	s6 =	smul.u32 $0x14000, s6  }
0x7: {  	s3 =	sadd.s32 $0xC800, s4;
	s7 =	sand.u32 $0x380, s7;
	s5 =	smul.u32 $0x4E2, s5  }
0x8: {  	s1 =	rddreg [dreg:$0x1];
	_ =	strace $0x80000047;
	s6 =	sor.u32 s7, s6  }
0x9: {  	s31 =	sshrl.u32 s30, $0x1;
	s5 =	sadd.s32 s5, s4;
	s6 =	sshrl.u32 s6, $0x3  }
0xa: {  	s7 =	ssub.s32 s30, s31;
	s6 =	sadd.s32 s6, s4;
	s4 =	sadd.s32 $0x2A00, s5  }
0xb: {  	v0 =	vimm.f32 $1.000000000e+00;
	s5 =	sadd.s32 $0xCE00, s6;
	s6 =	smax.u32 s7, $0x1;
	s7 =	simm.s32 $0x2780  }
.LBB2_1:
0xc: {  	[tilespmem:s7], [sflag:$0x1] =	stream.linear.gather [hbm4b:s3+s2], $0x2800, $0x38;
	[tilespmem:$0x4F80] =	vst v63  }
0xd: {  	_ =	swait.ge [sflag:s8], $0x2800  }
0xe: {  	[sflag:s8] =	ssyncset.done $0x0  }
0xf: {  	[sflag:s8] =	ssyncadd.s32 $0xFFFFD800  }
0x10: {  	[tilespmem:s2], [sflag:$0x1] =	stream.linear.gather [hbm4b:s4+s2], $0x2710, $0x38;
	[tilespmem:$0x4F80] =	vst v63  }
0x11: {  	_ =	swait.ge [sflag:s8], $0x2710  }
0x12: {  	[sflag:s8] =	ssyncset.done $0x0  }
0x13: {  	s13 =	simm.s32 $0x0;
	s12 =	simm.s32 $0x40;
	[sflag:s8] =	ssyncadd.s32 $0xFFFFD8F0  }
.LBB2_2:
0x14: {  	p0 =	sne.s32 s12, $0x9C00;
	v1 =	vld [tilespmem:s13+$0x0];
	_ =	sdelay $0x3  }
.Ltmp0:
0x15: {  	(pc) =	sbr.rel @p0 .LBB2_2-.Ltmp0, $2  }
0x16: {  	_ =	sdelay $0x2  }
0x17: {  	s13 =	sshra.s32 s12, $0x2;
	s12 =	sadd.s32 $0x40, s12;
	[tilespmem:v1+s7+$0x0] =	vst.idx.add.f32.msk $0xffff, v0  }
0x18: {  	v1 =	vld [tilespmem:s13+$0x0];
	_ =	sdelay $0x5  }
0x19: {  	s11 =	sadd.s32 $0x1, s11  }
0x1a: {  	p0 =	sne.s32 s11, s6  }
.Ltmp1:
0x1b: {  	[tilespmem:v1+s7+$0x0] =	vst.idx.add.f32.msk $0xffff, v0;
	(pc) =	sbr.rel @p0 .LBB2_1-.Ltmp1, $4  }
0x1c: {  	[hbm4b:s5+s9] =	stream.strided.scatter [tilespmem:s7], [sflag:$0x1], $0x2800, s10, s9, $0x38;
	[tilespmem:$0x4F80] =	vst v63  }
0x1d: {  	_ =	swait.ge [sflag:s8], $0x2800  }
0x1e: {  	[sflag:s8] =	ssyncset.done $0x0  }
0x1f: {  	[sflag:s8] =	ssyncadd.s32 $0xFFFFD800  }
0x20: {  	_ =	sfence.sel $0x180000  }
0x21: {  	[bflag:$0x0] =	sbarrier.arrive $0xFFFF  }
0x22: {  	p0 =	sne.s32 s0, $0x0;
	_ =	strace $0x90000047  }
0x23: {  	s0 =	sadd.s32 @!p0 $0x100000, s1;
	[bflag:$0x2] =	sbarrier.arrive $0xFFFF  }
0x24: {  	[sflag:s0] =	ssyncadd.tile.s32 @!p0 $0x1;
	_ =	shalt  }
.Lfunc_end2:
_tile_overlayer_lowered:
.L_overlay_start_2:
0x25: {  	(tag) =	ssettag $0x2  }
0x26: {  	s0 =	rddreg [dreg:$0x0];
	s2 =	stileid.u32  }
0x27: {  	s1 =	rddreg [dreg:$0x1];
	p0 =	sne.s32 s2, $0x0  }
0x28: {  	s3 =	rddreg [dreg:$0x2];
	[bflag:$0x3] =	sbarrier.arrive $0xFFFF;
	s2 =	simm.s32 @!p0 $0x1C01  }
0x29: {  	[timem:s3], [sflag:s2] =	dma.local @!p0 [hbm:s0], s1  }
0x2a: {  	s0 =	simm.s32 @!p0 $0x1  }
0x2b: {  	_ =	swait.ge @!p0 [sflag:s0], s1  }
0x2c: {  	s1 =	ssub.s32 @!p0 $0x0, s1;
	[sflag:s0] =	ssyncset.done @!p0 $0x0  }
0x2d: {  	[sflag:s0] =	ssyncadd.s32 @!p0 s1  }
0x2e: {  	[bflag:$0x3] =	sbarrier.arrive $0xFFFF  }
0x2f: {  	_ =	shalt  }

</sc_bundles>
